<compile_context>
chip_gen: v7x
topology: tpu7x:2x2x1
jax: 0.10.2.dev20260603
libtpu: 0.0.44.dev20260713+nightly
codegen_flags: <defaults>
</compile_context>

<pallas_src>
import functools
import jax
import jax.numpy as jnp
from jax import lax
from jax.experimental import pallas as pl
from jax.experimental.pallas import tpu as pltpu, tpu_sc as plsc

_D = 64
_NI = 16384
_NJ = 50
_IC = 16
_CH = _IC * _NJ
_K = 4

_info = plsc.get_sparse_core_info()
_NC, _NS = _info.num_cores, _info.num_subcores
_NW = _NC * _NS


def _make_call(ni):
    ipw = ni // _NW
    nch = ipw // _IC
    nl = nch // 2

    def _gather_body(table_hbm, idx_hbm, out_hbm,
                     idx_v, rows_v, si0, si1, sg0, sg1, ss0, ss1):
        wid = lax.axis_index("s") * _NC + lax.axis_index("c")
        ibase = wid * ipw
        rbase = ibase * _NJ

        sem_i = (si0, si1)
        sem_g = (sg0, sg1)
        sem_s = (ss0, ss1)

        def start_idx(c, b):
            pltpu.async_copy(idx_hbm.at[pl.ds(rbase + c * _CH, _CH)],
                             idx_v.at[b], sem_i[b])

        def wait_idx(b):
            pltpu.make_async_copy(idx_hbm.at[pl.ds(0, _CH)],
                                  idx_v.at[b], sem_i[b]).wait()

        def start_gather(b):
            pltpu.async_copy(table_hbm.at[idx_v.at[b]], rows_v.at[b],
                             sem_g[b])

        def wait_gather(b):
            pltpu.make_async_copy(table_hbm.at[pl.ds(0, _CH)],
                                  rows_v.at[b], sem_g[b]).wait()

        def start_stores(c, b):
            i0c = ibase + c * _IC

            def kbody(k, _):
                pltpu.async_copy(rows_v.at[b, pl.ds(k * _NJ, _NJ)],
                                 out_hbm.at[i0c + k], sem_s[b])
                return _

            lax.fori_loop(0, _IC, kbody, None)

        def wait_stores(b):
            pltpu.make_async_copy(table_hbm.at[pl.ds(0, _CH)],
                                  rows_v.at[b], sem_s[b]).wait()

        start_idx(0, 0)
        start_idx(1, 1)

        def body(g, _):
            for b in range(2):
                c = 2 * g + b

                @pl.when(g > 0)
                def _():
                    wait_stores(b)

                wait_idx(b)
                start_gather(b)
                wait_gather(b)
                start_stores(c, b)

                @pl.when(g < nl - 1)
                def _():
                    start_idx(c + 2, b)

            return _

        lax.fori_loop(0, nl, body, None)
        wait_stores(0)
        wait_stores(1)

    return pl.kernel(
        _gather_body,
        out_type=jax.ShapeDtypeStruct((ni, _NJ, _D), jnp.float32),
        mesh=plsc.VectorSubcoreMesh(core_axis_name="c", subcore_axis_name="s"),
        scratch_types=[
            pltpu.VMEM((2, _CH), jnp.int32),
            pltpu.VMEM((2, _CH, _D), jnp.float32),
            pltpu.SemaphoreType.DMA,
            pltpu.SemaphoreType.DMA,
            pltpu.SemaphoreType.DMA,
            pltpu.SemaphoreType.DMA,
            pltpu.SemaphoreType.DMA,
            pltpu.SemaphoreType.DMA,
        ],
        compiler_params=pltpu.CompilerParams(use_tc_tiling_on_sc=False),
    )


_gather_call = _make_call(_NI // _K)


def kernel(input0, input1):
    idx = input1.reshape(-1).astype(jnp.int32)
    nik = _NI // _K
    outs = [_gather_call(input0, idx[k * nik * _NJ:(k + 1) * nik * _NJ])
            for k in range(_K)]
    return jnp.concatenate(outs, axis=0)

# --- scband reference (transcript-rebuilt; emitter-appended) ---
"""Pipeline reference for scband-net-gather-17626545783240 (READ-ONLY COPY).

The authoritative reference and input builder live on the scoring server;
editing this copy changes nothing except your own understanding.
"""

import jax, jax.numpy as jnp
import numpy as np

def setup_inputs(seed: int = 0) -> dict:
    key = jax.random.key(seed)
    k1, k2 = jax.random.split(key)
    input0 = jax.random.normal(k1, (1000000, 64), dtype=jnp.float32)
    input1 = jax.random.randint(k2, (16384, 50), 0, 1000000, dtype=jnp.int64)
    return {"input0": input0, "input1": input1}

def reference(input0, input1):
    # input0[input1] in torch == row gather
    return jnp.take(input0, input1, axis=0)

if __name__ == "__main__":
    import jax
    _d = setup_inputs()
    print(jax.jit(kernel)(*tuple(_d.values())))

</pallas_src>

<mosaic_0001>
#map = affine_map<(d0, d1) -> (0, 0)>
#map1 = affine_map<(d0, d1) -> (0)>
#map2 = affine_map<(d0, d1) -> (0, 0, 0)>
module attributes {stable_mosaic.version = 14 : i64} {
  func.func @_gather_body(%arg0: i32, %arg1: i32, %arg2: memref<1000000x64xf32, #tpu.memory_space<hbm>>, %arg3: memref<204800xi32, #tpu.memory_space<hbm>>, %arg4: memref<4096x50x64xf32, #tpu.memory_space<hbm>>, %arg5: memref<2x800xi32, #tpu.memory_space<vmem>>, %arg6: memref<2x800x64xf32, #tpu.memory_space<vmem>>, %arg7: memref<!tpu.dma_semaphore, #tpu.memory_space<semaphore_mem>>, %arg8: memref<!tpu.dma_semaphore, #tpu.memory_space<semaphore_mem>>, %arg9: memref<!tpu.dma_semaphore, #tpu.memory_space<semaphore_mem>>, %arg10: memref<!tpu.dma_semaphore, #tpu.memory_space<semaphore_mem>>, %arg11: memref<!tpu.dma_semaphore, #tpu.memory_space<semaphore_mem>>, %arg12: memref<!tpu.dma_semaphore, #tpu.memory_space<semaphore_mem>>) attributes {dimension_semantics = [#tpu.dimension_semantics<core_parallel>, #tpu.dimension_semantics<subcore_parallel>], iteration_bounds = array<i64: 2, 16>, scalar_prefetch = 0 : i64, scratch_operands = 8 : i64, tpu.core_type = #tpu.core_type<sc_vector_subcore>, window_params = [{transform_indices = #map}, {transform_indices = #map1}, {transform_indices = #map2}]} {
    %mul3A = arith.constant 2 : i32
    %mul3A_0 = arith.muli %arg1, %mul3A : i32
    %add3A = arith.addi %mul3A_0, %arg0 : i32
    %mul3A_1 = arith.constant 128 : i32
    %mul3A_2 = arith.muli %add3A, %mul3A_1 : i32
    %mul3A_3 = arith.constant 50 : i32
    %mul3A_4 = arith.muli %mul3A_2, %mul3A_3 : i32
    %add3A_5 = arith.constant 0 : i32
    %add3A_6 = arith.addi %mul3A_4, %add3A_5 : i32
    %dma_start3A = arith.constant 0 : i32
    %dma_start3A_7 = arith.constant 0 : i32
    %dma_start3A_8 = tpu.memref_slice %arg5[%dma_start3A, %dma_start3A_7] : memref<2x800xi32, #tpu.memory_space<vmem>> -> memref<1x800xi32, #tpu.memory_space<vmem>>
    %dma_start3A_9 = tpu.memref_squeeze %dma_start3A_8 : memref<1x800xi32, #tpu.memory_space<vmem>> -> memref<800xi32, #tpu.memory_space<vmem>>
    %dma_start3A_10 = tpu.memref_slice %arg3[%add3A_6] : memref<204800xi32, #tpu.memory_space<hbm>> -> memref<800xi32, #tpu.memory_space<hbm>>
    %dma_start3A_11 = arith.constant 0 : i32
    %dma_start3A_12 = tpu.memref_slice %arg5[%dma_start3A, %dma_start3A_11] : memref<2x800xi32, #tpu.memory_space<vmem>> -> memref<1x800xi32, #tpu.memory_space<vmem>>
    %dma_start3A_13 = tpu.memref_squeeze %dma_start3A_12 : memref<1x800xi32, #tpu.memory_space<vmem>> -> memref<800xi32, #tpu.memory_space<vmem>>
    %dma_start3A_14 = tpu.memref_slice %arg3[%add3A_6] : memref<204800xi32, #tpu.memory_space<hbm>> -> memref<800xi32, #tpu.memory_space<hbm>>
    tpu.enqueue_dma source(%dma_start3A_14 : memref<800xi32, #tpu.memory_space<hbm>>) target(%dma_start3A_13 : memref<800xi32, #tpu.memory_space<vmem>>) target_semaphore(%arg7 : memref<!tpu.dma_semaphore, #tpu.memory_space<semaphore_mem>>)
    %add3A_15 = arith.constant 800 : i32
    %add3A_16 = arith.addi %mul3A_4, %add3A_15 : i32
    %dma_start3A_17 = arith.constant 1 : i32
    %dma_start3A_18 = arith.constant 0 : i32
    %dma_start3A_19 = tpu.memref_slice %arg5[%dma_start3A_17, %dma_start3A_18] : memref<2x800xi32, #tpu.memory_space<vmem>> -> memref<1x800xi32, #tpu.memory_space<vmem>>
    %dma_start3A_20 = tpu.memref_squeeze %dma_start3A_19 : memref<1x800xi32, #tpu.memory_space<vmem>> -> memref<800xi32, #tpu.memory_space<vmem>>
    %dma_start3A_21 = tpu.memref_slice %arg3[%add3A_16] : memref<204800xi32, #tpu.memory_space<hbm>> -> memref<800xi32, #tpu.memory_space<hbm>>
    %dma_start3A_22 = arith.constant 0 : i32
    %dma_start3A_23 = tpu.memref_slice %arg5[%dma_start3A_17, %dma_start3A_22] : memref<2x800xi32, #tpu.memory_space<vmem>> -> memref<1x800xi32, #tpu.memory_space<vmem>>
    %dma_start3A_24 = tpu.memref_squeeze %dma_start3A_23 : memref<1x800xi32, #tpu.memory_space<vmem>> -> memref<800xi32, #tpu.memory_space<vmem>>
    %dma_start3A_25 = tpu.memref_slice %arg3[%add3A_16] : memref<204800xi32, #tpu.memory_space<hbm>> -> memref<800xi32, #tpu.memory_space<hbm>>
    tpu.enqueue_dma source(%dma_start3A_25 : memref<800xi32, #tpu.memory_space<hbm>>) target(%dma_start3A_24 : memref<800xi32, #tpu.memory_space<vmem>>) target_semaphore(%arg8 : memref<!tpu.dma_semaphore, #tpu.memory_space<semaphore_mem>>)
    %scan3A = arith.constant 0 : i32
    %scan3A_26 = arith.constant 4 : i32
    %scan3A_27 = arith.addi %scan3A, %scan3A_26 : i32
    %scan3A_28 = arith.constant 1 : i32
    scf.for %scan3A_59 = %scan3A to %scan3A_27 step %scan3A_28  : i32 {
      %mul3A_60 = arith.constant 2 : i32
      %mul3A_61 = arith.muli %mul3A_60, %scan3A_59 : i32
      %add3A_62 = arith.constant 0 : i32
      %add3A_63 = arith.addi %mul3A_61, %add3A_62 : i32
      %gt3A = arith.constant 0 : i32
      %gt3A_64 = arith.cmpi sgt, %scan3A_59, %gt3A : i32
      %convert_element_type3A = arith.extui %gt3A_64 : i1 to i32
      %cond3A = arith.constant 0 : i32
      %cond3A_65 = arith.cmpi ne, %convert_element_type3A, %cond3A : i32
      scf.if %cond3A_65 {
        %dma_wait3A_176 = arith.constant 0 : i32
        %dma_wait3A_177 = arith.constant 0 : i32
        %dma_wait3A_178 = arith.constant 0 : i32
        %dma_wait3A_179 = tpu.memref_slice %arg6[%dma_wait3A_176, %dma_wait3A_177, %dma_wait3A_178] : memref<2x800x64xf32, #tpu.memory_space<vmem>> -> memref<1x800x64xf32, #tpu.memory_space<vmem>>
        %dma_wait3A_180 = tpu.memref_squeeze %dma_wait3A_179 : memref<1x800x64xf32, #tpu.memory_space<vmem>> -> memref<800x64xf32, #tpu.memory_space<vmem>>
        %dma_wait3A_181 = arith.constant 0 : i32
        %dma_wait3A_182 = arith.constant 0 : i32
        %dma_wait3A_183 = tpu.memref_slice %arg2[%dma_wait3A_181, %dma_wait3A_182] : memref<1000000x64xf32, #tpu.memory_space<hbm>> -> memref<800x64xf32, #tpu.memory_space<hbm>>
        %dma_wait3A_184 = arith.constant 0 : i32
        %dma_wait3A_185 = arith.constant 0 : i32
        %dma_wait3A_186 = tpu.memref_slice %arg6[%dma_wait3A_176, %dma_wait3A_184, %dma_wait3A_185] : memref<2x800x64xf32, #tpu.memory_space<vmem>> -> memref<1x800x64xf32, #tpu.memory_space<vmem>>
        %dma_wait3A_187 = tpu.memref_squeeze %dma_wait3A_186 : memref<1x800x64xf32, #tpu.memory_space<vmem>> -> memref<800x64xf32, #tpu.memory_space<vmem>>
        %dma_wait3A_188 = arith.constant 0 : i32
        %dma_wait3A_189 = arith.constant 0 : i32
        %dma_wait3A_190 = tpu.memref_slice %arg2[%dma_wait3A_188, %dma_wait3A_189] : memref<1000000x64xf32, #tpu.memory_space<hbm>> -> memref<800x64xf32, #tpu.memory_space<hbm>>
        tpu.wait_dma2 semaphore(%arg11 : memref<!tpu.dma_semaphore, #tpu.memory_space<semaphore_mem>>) src(%dma_wait3A_190 : memref<800x64xf32, #tpu.memory_space<hbm>>) dst(%dma_wait3A_187 : memref<800x64xf32, #tpu.memory_space<vmem>>)
      } else {
      }
      %dma_wait3A_66 = arith.constant 0 : i32
      %dma_wait3A_67 = arith.constant 0 : i32
      %dma_wait3A_68 = tpu.memref_slice %arg5[%dma_wait3A_66, %dma_wait3A_67] : memref<2x800xi32, #tpu.memory_space<vmem>> -> memref<1x800xi32, #tpu.memory_space<vmem>>
      %dma_wait3A_69 = tpu.memref_squeeze %dma_wait3A_68 : memref<1x800xi32, #tpu.memory_space<vmem>> -> memref<800xi32, #tpu.memory_space<vmem>>
      %dma_wait3A_70 = arith.constant 0 : i32
      %dma_wait3A_71 = tpu.memref_slice %arg3[%dma_wait3A_70] : memref<204800xi32, #tpu.memory_space<hbm>> -> memref<800xi32, #tpu.memory_space<hbm>>
      %dma_wait3A_72 = arith.constant 0 : i32
      %dma_wait3A_73 = tpu.memref_slice %arg5[%dma_wait3A_66, %dma_wait3A_72] : memref<2x800xi32, #tpu.memory_space<vmem>> -> memref<1x800xi32, #tpu.memory_space<vmem>>
      %dma_wait3A_74 = tpu.memref_squeeze %dma_wait3A_73 : memref<1x800xi32, #tpu.memory_space<vmem>> -> memref<800xi32, #tpu.memory_space<vmem>>
      %dma_wait3A_75 = arith.constant 0 : i32
      %dma_wait3A_76 = tpu.memref_slice %arg3[%dma_wait3A_75] : memref<204800xi32, #tpu.memory_space<hbm>> -> memref<800xi32, #tpu.memory_space<hbm>>
      tpu.wait_dma2 semaphore(%arg7 : memref<!tpu.dma_semaphore, #tpu.memory_space<semaphore_mem>>) src(%dma_wait3A_76 : memref<800xi32, #tpu.memory_space<hbm>>) dst(%dma_wait3A_74 : memref<800xi32, #tpu.memory_space<vmem>>)
      %dma_start3A_77 = arith.constant 0 : i32
      %dma_start3A_78 = arith.constant 0 : i32
      %dma_start3A_79 = arith.constant 0 : i32
      %dma_start3A_80 = arith.constant 0 : i32
      %dma_start3A_81 = tpu.memref_slice %arg6[%dma_start3A_78, %dma_start3A_79, %dma_start3A_80] : memref<2x800x64xf32, #tpu.memory_space<vmem>> -> memref<1x800x64xf32, #tpu.memory_space<vmem>>
      %dma_start3A_82 = tpu.memref_squeeze %dma_start3A_81 : memref<1x800x64xf32, #tpu.memory_space<vmem>> -> memref<800x64xf32, #tpu.memory_space<vmem>>
      %dma_start3A_83 = arith.constant 0 : i32
      %dma_start3A_84 = tpu.memref_slice %arg5[%dma_start3A_77, %dma_start3A_83] : memref<2x800xi32, #tpu.memory_space<vmem>> -> memref<1x800xi32, #tpu.memory_space<vmem>>
      %dma_start3A_85 = tpu.memref_squeeze %dma_start3A_84 : memref<1x800xi32, #tpu.memory_space<vmem>> -> memref<800xi32, #tpu.memory_space<vmem>>
      %dma_start3A_86 = arith.constant 0 : i32
      %dma_start3A_87 = arith.constant 0 : i32
      %dma_start3A_88 = tpu.memref_slice %arg2[%dma_start3A_86, %dma_start3A_87] : memref<1000000x64xf32, #tpu.memory_space<hbm>> -> memref<1000000x64xf32, #tpu.memory_space<hbm>>
      tpu.enqueue_indirect_dma source(%dma_start3A_88 : memref<1000000x64xf32, #tpu.memory_space<hbm>>) target(%dma_start3A_82 : memref<800x64xf32, #tpu.memory_space<vmem>>) offsets(%dma_start3A_85 : memref<800xi32, #tpu.memory_space<vmem>>) semaphore(%arg9 : memref<!tpu.dma_semaphore, #tpu.memory_space<semaphore_mem>>)
      %dma_wait3A_89 = arith.constant 0 : i32
      %dma_wait3A_90 = arith.constant 0 : i32
      %dma_wait3A_91 = arith.constant 0 : i32
      %dma_wait3A_92 = tpu.memref_slice %arg6[%dma_wait3A_89, %dma_wait3A_90, %dma_wait3A_91] : memref<2x800x64xf32, #tpu.memory_space<vmem>> -> memref<1x800x64xf32, #tpu.memory_space<vmem>>
      %dma_wait3A_93 = tpu.memref_squeeze %dma_wait3A_92 : memref<1x800x64xf32, #tpu.memory_space<vmem>> -> memref<800x64xf32, #tpu.memory_space<vmem>>
      %dma_wait3A_94 = arith.constant 0 : i32
      %dma_wait3A_95 = arith.constant 0 : i32
      %dma_wait3A_96 = tpu.memref_slice %arg2[%dma_wait3A_94, %dma_wait3A_95] : memref<1000000x64xf32, #tpu.memory_space<hbm>> -> memref<800x64xf32, #tpu.memory_space<hbm>>
      %dma_wait3A_97 = arith.constant 0 : i32
      %dma_wait3A_98 = arith.constant 0 : i32
      %dma_wait3A_99 = tpu.memref_slice %arg6[%dma_wait3A_89, %dma_wait3A_97, %dma_wait3A_98] : memref<2x800x64xf32, #tpu.memory_space<vmem>> -> memref<1x800x64xf32, #tpu.memory_space<vmem>>
      %dma_wait3A_100 = tpu.memref_squeeze %dma_wait3A_99 : memref<1x800x64xf32, #tpu.memory_space<vmem>> -> memref<800x64xf32, #tpu.memory_space<vmem>>
      %dma_wait3A_101 = arith.constant 0 : i32
      %dma_wait3A_102 = arith.constant 0 : i32
      %dma_wait3A_103 = tpu.memref_slice %arg2[%dma_wait3A_101, %dma_wait3A_102] : memref<1000000x64xf32, #tpu.memory_space<hbm>> -> memref<800x64xf32, #tpu.memory_space<hbm>>
      tpu.wait_dma2 semaphore(%arg9 : memref<!tpu.dma_semaphore, #tpu.memory_space<semaphore_mem>>) src(%dma_wait3A_103 : memref<800x64xf32, #tpu.memory_space<hbm>>) dst(%dma_wait3A_100 : memref<800x64xf32, #tpu.memory_space<vmem>>)
      %mul3A_104 = arith.constant 16 : i32
      %mul3A_105 = arith.muli %add3A_63, %mul3A_104 : i32
      %add3A_106 = arith.addi %mul3A_2, %mul3A_105 : i32
      %scan3A_107 = arith.constant 0 : i32
      %scan3A_108 = arith.constant 16 : i32
      %scan3A_109 = arith.addi %scan3A_107, %scan3A_108 : i32
      %scan3A_110 = arith.constant 1 : i32
      scf.for %scan3A_176 = %scan3A_107 to %scan3A_109 step %scan3A_110  : i32 {
        %mul3A_177 = arith.constant 50 : i32
        %mul3A_178 = arith.muli %scan3A_176, %mul3A_177 : i32
        %add3A_179 = arith.addi %add3A_106, %scan3A_176 : i32
        %dma_start3A_180 = arith.constant 0 : i32
        %dma_start3A_181 = arith.constant 0 : i32
        %dma_start3A_182 = tpu.memref_slice %arg6[%dma_start3A_180, %mul3A_178, %dma_start3A_181] : memref<2x800x64xf32, #tpu.memory_space<vmem>> -> memref<1x50x64xf32, #tpu.memory_space<vmem>>
        %dma_start3A_183 = tpu.memref_squeeze %dma_start3A_182 : memref<1x50x64xf32, #tpu.memory_space<vmem>> -> memref<50x64xf32, #tpu.memory_space<vmem>>
        %dma_start3A_184 = arith.constant 0 : i32
        %dma_start3A_185 = arith.constant 0 : i32
        %dma_start3A_186 = tpu.memref_slice %arg4[%add3A_179, %dma_start3A_184, %dma_start3A_185] : memref<4096x50x64xf32, #tpu.memory_space<hbm>> -> memref<1x50x64xf32, #tpu.memory_space<hbm>>
        %dma_start3A_187 = tpu.memref_squeeze %dma_start3A_186 : memref<1x50x64xf32, #tpu.memory_space<hbm>> -> memref<50x64xf32, #tpu.memory_space<hbm>>
        %dma_start3A_188 = arith.constant 0 : i32
        %dma_start3A_189 = arith.constant 0 : i32
        %dma_start3A_190 = tpu.memref_slice %arg4[%add3A_179, %dma_start3A_188, %dma_start3A_189] : memref<4096x50x64xf32, #tpu.memory_space<hbm>> -> memref<1x50x64xf32, #tpu.memory_space<hbm>>
        %dma_start3A_191 = tpu.memref_squeeze %dma_start3A_190 : memref<1x50x64xf32, #tpu.memory_space<hbm>> -> memref<50x64xf32, #tpu.memory_space<hbm>>
        %dma_start3A_192 = arith.constant 0 : i32
        %dma_start3A_193 = tpu.memref_slice %arg6[%dma_start3A_180, %mul3A_178, %dma_start3A_192] : memref<2x800x64xf32, #tpu.memory_space<vmem>> -> memref<1x50x64xf32, #tpu.memory_space<vmem>>
        %dma_start3A_194 = tpu.memref_squeeze %dma_start3A_193 : memref<1x50x64xf32, #tpu.memory_space<vmem>> -> memref<50x64xf32, #tpu.memory_space<vmem>>
        tpu.enqueue_dma source(%dma_start3A_194 : memref<50x64xf32, #tpu.memory_space<vmem>>) target(%dma_start3A_191 : memref<50x64xf32, #tpu.memory_space<hbm>>) target_semaphore(%arg11 : memref<!tpu.dma_semaphore, #tpu.memory_space<semaphore_mem>>)
      }
      %scan3A_111 = arith.constant 16 : i32
      %lt3A = arith.constant 3 : i32
      %lt3A_112 = arith.cmpi slt, %scan3A_59, %lt3A : i32
      %convert_element_type3A_113 = arith.extui %lt3A_112 : i1 to i32
      %cond3A_114 = arith.constant 0 : i32
      %cond3A_115 = arith.cmpi ne, %convert_element_type3A_113, %cond3A_114 : i32
      scf.if %cond3A_115 {
        %add3A_176 = arith.constant 2 : i32
        %add3A_177 = arith.addi %add3A_63, %add3A_176 : i32
        %mul3A_178 = arith.constant 800 : i32
        %mul3A_179 = arith.muli %add3A_177, %mul3A_178 : i32
        %add3A_180 = arith.addi %mul3A_4, %mul3A_179 : i32
        %dma_start3A_181 = arith.constant 0 : i32
        %dma_start3A_182 = arith.constant 0 : i32
        %dma_start3A_183 = tpu.memref_slice %arg5[%dma_start3A_181, %dma_start3A_182] : memref<2x800xi32, #tpu.memory_space<vmem>> -> memref<1x800xi32, #tpu.memory_space<vmem>>
        %dma_start3A_184 = tpu.memref_squeeze %dma_start3A_183 : memref<1x800xi32, #tpu.memory_space<vmem>> -> memref<800xi32, #tpu.memory_space<vmem>>
        %dma_start3A_185 = tpu.memref_slice %arg3[%add3A_180] : memref<204800xi32, #tpu.memory_space<hbm>> -> memref<800xi32, #tpu.memory_space<hbm>>
        %dma_start3A_186 = arith.constant 0 : i32
        %dma_start3A_187 = tpu.memref_slice %arg5[%dma_start3A_181, %dma_start3A_186] : memref<2x800xi32, #tpu.memory_space<vmem>> -> memref<1x800xi32, #tpu.memory_space<vmem>>
        %dma_start3A_188 = tpu.memref_squeeze %dma_start3A_187 : memref<1x800xi32, #tpu.memory_space<vmem>> -> memref<800xi32, #tpu.memory_space<vmem>>
        %dma_start3A_189 = tpu.memref_slice %arg3[%add3A_180] : memref<204800xi32, #tpu.memory_space<hbm>> -> memref<800xi32, #tpu.memory_space<hbm>>
        tpu.enqueue_dma source(%dma_start3A_189 : memref<800xi32, #tpu.memory_space<hbm>>) target(%dma_start3A_188 : memref<800xi32, #tpu.memory_space<vmem>>) target_semaphore(%arg7 : memref<!tpu.dma_semaphore, #tpu.memory_space<semaphore_mem>>)
      } else {
      }
      %mul3A_116 = arith.constant 2 : i32
      %mul3A_117 = arith.muli %mul3A_116, %scan3A_59 : i32
      %add3A_118 = arith.constant 1 : i32
      %add3A_119 = arith.addi %mul3A_117, %add3A_118 : i32
      %gt3A_120 = arith.constant 0 : i32
      %gt3A_121 = arith.cmpi sgt, %scan3A_59, %gt3A_120 : i32
      %convert_element_type3A_122 = arith.extui %gt3A_121 : i1 to i32
      %cond3A_123 = arith.constant 0 : i32
      %cond3A_124 = arith.cmpi ne, %convert_element_type3A_122, %cond3A_123 : i32
      scf.if %cond3A_124 {
        %dma_wait3A_176 = arith.constant 1 : i32
        %dma_wait3A_177 = arith.constant 0 : i32
        %dma_wait3A_178 = arith.constant 0 : i32
        %dma_wait3A_179 = tpu.memref_slice %arg6[%dma_wait3A_176, %dma_wait3A_177, %dma_wait3A_178] : memref<2x800x64xf32, #tpu.memory_space<vmem>> -> memref<1x800x64xf32, #tpu.memory_space<vmem>>
        %dma_wait3A_180 = tpu.memref_squeeze %dma_wait3A_179 : memref<1x800x64xf32, #tpu.memory_space<vmem>> -> memref<800x64xf32, #tpu.memory_space<vmem>>
        %dma_wait3A_181 = arith.constant 0 : i32
        %dma_wait3A_182 = arith.constant 0 : i32
        %dma_wait3A_183 = tpu.memref_slice %arg2[%dma_wait3A_181, %dma_wait3A_182] : memref<1000000x64xf32, #tpu.memory_space<hbm>> -> memref<800x64xf32, #tpu.memory_space<hbm>>
        %dma_wait3A_184 = arith.constant 0 : i32
        %dma_wait3A_185 = arith.constant 0 : i32
        %dma_wait3A_186 = tpu.memref_slice %arg6[%dma_wait3A_176, %dma_wait3A_184, %dma_wait3A_185] : memref<2x800x64xf32, #tpu.memory_space<vmem>> -> memref<1x800x64xf32, #tpu.memory_space<vmem>>
        %dma_wait3A_187 = tpu.memref_squeeze %dma_wait3A_186 : memref<1x800x64xf32, #tpu.memory_space<vmem>> -> memref<800x64xf32, #tpu.memory_space<vmem>>
        %dma_wait3A_188 = arith.constant 0 : i32
        %dma_wait3A_189 = arith.constant 0 : i32
        %dma_wait3A_190 = tpu.memref_slice %arg2[%dma_wait3A_188, %dma_wait3A_189] : memref<1000000x64xf32, #tpu.memory_space<hbm>> -> memref<800x64xf32, #tpu.memory_space<hbm>>
        tpu.wait_dma2 semaphore(%arg12 : memref<!tpu.dma_semaphore, #tpu.memory_space<semaphore_mem>>) src(%dma_wait3A_190 : memref<800x64xf32, #tpu.memory_space<hbm>>) dst(%dma_wait3A_187 : memref<800x64xf32, #tpu.memory_space<vmem>>)
      } else {
      }
      %dma_wait3A_125 = arith.constant 1 : i32
      %dma_wait3A_126 = arith.constant 0 : i32
      %dma_wait3A_127 = tpu.memref_slice %arg5[%dma_wait3A_125, %dma_wait3A_126] : memref<2x800xi32, #tpu.memory_space<vmem>> -> memref<1x800xi32, #tpu.memory_space<vmem>>
      %dma_wait3A_128 = tpu.memref_squeeze %dma_wait3A_127 : memref<1x800xi32, #tpu.memory_space<vmem>> -> memref<800xi32, #tpu.memory_space<vmem>>
      %dma_wait3A_129 = arith.constant 0 : i32
      %dma_wait3A_130 = tpu.memref_slice %arg3[%dma_wait3A_129] : memref<204800xi32, #tpu.memory_space<hbm>> -> memref<800xi32, #tpu.memory_space<hbm>>
      %dma_wait3A_131 = arith.constant 0 : i32
      %dma_wait3A_132 = tpu.memref_slice %arg5[%dma_wait3A_125, %dma_wait3A_131] : memref<2x800xi32, #tpu.memory_space<vmem>> -> memref<1x800xi32, #tpu.memory_space<vmem>>
      %dma_wait3A_133 = tpu.memref_squeeze %dma_wait3A_132 : memref<1x800xi32, #tpu.memory_space<vmem>> -> memref<800xi32, #tpu.memory_space<vmem>>
      %dma_wait3A_134 = arith.constant 0 : i32
      %dma_wait3A_135 = tpu.memref_slice %arg3[%dma_wait3A_134] : memref<204800xi32, #tpu.memory_space<hbm>> -> memref<800xi32, #tpu.memory_space<hbm>>
      tpu.wait_dma2 semaphore(%arg8 : memref<!tpu.dma_semaphore, #tpu.memory_space<semaphore_mem>>) src(%dma_wait3A_135 : memref<800xi32, #tpu.memory_space<hbm>>) dst(%dma_wait3A_133 : memref<800xi32, #tpu.memory_space<vmem>>)
      %dma_start3A_136 = arith.constant 1 : i32
      %dma_start3A_137 = arith.constant 1 : i32
      %dma_start3A_138 = arith.constant 0 : i32
      %dma_start3A_139 = arith.constant 0 : i32
      %dma_start3A_140 = tpu.memref_slice %arg6[%dma_start3A_137, %dma_start3A_138, %dma_start3A_139] : memref<2x800x64xf32, #tpu.memory_space<vmem>> -> memref<1x800x64xf32, #tpu.memory_space<vmem>>
      %dma_start3A_141 = tpu.memref_squeeze %dma_start3A_140 : memref<1x800x64xf32, #tpu.memory_space<vmem>> -> memref<800x64xf32, #tpu.memory_space<vmem>>
      %dma_start3A_142 = arith.constant 0 : i32
      %dma_start3A_143 = tpu.memref_slice %arg5[%dma_start3A_136, %dma_start3A_142] : memref<2x800xi32, #tpu.memory_space<vmem>> -> memref<1x800xi32, #tpu.memory_space<vmem>>
      %dma_start3A_144 = tpu.memref_squeeze %dma_start3A_143 : memref<1x800xi32, #tpu.memory_space<vmem>> -> memref<800xi32, #tpu.memory_space<vmem>>
      %dma_start3A_145 = arith.constant 0 : i32
      %dma_start3A_146 = arith.constant 0 : i32
      %dma_start3A_147 = tpu.memref_slice %arg2[%dma_start3A_145, %dma_start3A_146] : memref<1000000x64xf32, #tpu.memory_space<hbm>> -> memref<1000000x64xf32, #tpu.memory_space<hbm>>
      tpu.enqueue_indirect_dma source(%dma_start3A_147 : memref<1000000x64xf32, #tpu.memory_space<hbm>>) target(%dma_start3A_141 : memref<800x64xf32, #tpu.memory_space<vmem>>) offsets(%dma_start3A_144 : memref<800xi32, #tpu.memory_space<vmem>>) semaphore(%arg10 : memref<!tpu.dma_semaphore, #tpu.memory_space<semaphore_mem>>)
      %dma_wait3A_148 = arith.constant 1 : i32
      %dma_wait3A_149 = arith.constant 0 : i32
      %dma_wait3A_150 = arith.constant 0 : i32
      %dma_wait3A_151 = tpu.memref_slice %arg6[%dma_wait3A_148, %dma_wait3A_149, %dma_wait3A_150] : memref<2x800x64xf32, #tpu.memory_space<vmem>> -> memref<1x800x64xf32, #tpu.memory_space<vmem>>
      %dma_wait3A_152 = tpu.memref_squeeze %dma_wait3A_151 : memref<1x800x64xf32, #tpu.memory_space<vmem>> -> memref<800x64xf32, #tpu.memory_space<vmem>>
      %dma_wait3A_153 = arith.constant 0 : i32
      %dma_wait3A_154 = arith.constant 0 : i32
      %dma_wait3A_155 = tpu.memref_slice %arg2[%dma_wait3A_153, %dma_wait3A_154] : memref<1000000x64xf32, #tpu.memory_space<hbm>> -> memref<800x64xf32, #tpu.memory_space<hbm>>
      %dma_wait3A_156 = arith.constant 0 : i32
      %dma_wait3A_157 = arith.constant 0 : i32
      %dma_wait3A_158 = tpu.memref_slice %arg6[%dma_wait3A_148, %dma_wait3A_156, %dma_wait3A_157] : memref<2x800x64xf32, #tpu.memory_space<vmem>> -> memref<1x800x64xf32, #tpu.memory_space<vmem>>
      %dma_wait3A_159 = tpu.memref_squeeze %dma_wait3A_158 : memref<1x800x64xf32, #tpu.memory_space<vmem>> -> memref<800x64xf32, #tpu.memory_space<vmem>>
      %dma_wait3A_160 = arith.constant 0 : i32
      %dma_wait3A_161 = arith.constant 0 : i32
      %dma_wait3A_162 = tpu.memref_slice %arg2[%dma_wait3A_160, %dma_wait3A_161] : memref<1000000x64xf32, #tpu.memory_space<hbm>> -> memref<800x64xf32, #tpu.memory_space<hbm>>
      tpu.wait_dma2 semaphore(%arg10 : memref<!tpu.dma_semaphore, #tpu.memory_space<semaphore_mem>>) src(%dma_wait3A_162 : memref<800x64xf32, #tpu.memory_space<hbm>>) dst(%dma_wait3A_159 : memref<800x64xf32, #tpu.memory_space<vmem>>)
      %mul3A_163 = arith.constant 16 : i32
      %mul3A_164 = arith.muli %add3A_119, %mul3A_163 : i32
      %add3A_165 = arith.addi %mul3A_2, %mul3A_164 : i32
      %scan3A_166 = arith.constant 0 : i32
      %scan3A_167 = arith.constant 16 : i32
      %scan3A_168 = arith.addi %scan3A_166, %scan3A_167 : i32
      %scan3A_169 = arith.constant 1 : i32
      scf.for %scan3A_176 = %scan3A_166 to %scan3A_168 step %scan3A_169  : i32 {
        %mul3A_177 = arith.constant 50 : i32
        %mul3A_178 = arith.muli %scan3A_176, %mul3A_177 : i32
        %add3A_179 = arith.addi %add3A_165, %scan3A_176 : i32
        %dma_start3A_180 = arith.constant 1 : i32
        %dma_start3A_181 = arith.constant 0 : i32
        %dma_start3A_182 = tpu.memref_slice %arg6[%dma_start3A_180, %mul3A_178, %dma_start3A_181] : memref<2x800x64xf32, #tpu.memory_space<vmem>> -> memref<1x50x64xf32, #tpu.memory_space<vmem>>
        %dma_start3A_183 = tpu.memref_squeeze %dma_start3A_182 : memref<1x50x64xf32, #tpu.memory_space<vmem>> -> memref<50x64xf32, #tpu.memory_space<vmem>>
        %dma_start3A_184 = arith.constant 0 : i32
        %dma_start3A_185 = arith.constant 0 : i32
        %dma_start3A_186 = tpu.memref_slice %arg4[%add3A_179, %dma_start3A_184, %dma_start3A_185] : memref<4096x50x64xf32, #tpu.memory_space<hbm>> -> memref<1x50x64xf32, #tpu.memory_space<hbm>>
        %dma_start3A_187 = tpu.memref_squeeze %dma_start3A_186 : memref<1x50x64xf32, #tpu.memory_space<hbm>> -> memref<50x64xf32, #tpu.memory_space<hbm>>
        %dma_start3A_188 = arith.constant 0 : i32
        %dma_start3A_189 = arith.constant 0 : i32
        %dma_start3A_190 = tpu.memref_slice %arg4[%add3A_179, %dma_start3A_188, %dma_start3A_189] : memref<4096x50x64xf32, #tpu.memory_space<hbm>> -> memref<1x50x64xf32, #tpu.memory_space<hbm>>
        %dma_start3A_191 = tpu.memref_squeeze %dma_start3A_190 : memref<1x50x64xf32, #tpu.memory_space<hbm>> -> memref<50x64xf32, #tpu.memory_space<hbm>>
        %dma_start3A_192 = arith.constant 0 : i32
        %dma_start3A_193 = tpu.memref_slice %arg6[%dma_start3A_180, %mul3A_178, %dma_start3A_192] : memref<2x800x64xf32, #tpu.memory_space<vmem>> -> memref<1x50x64xf32, #tpu.memory_space<vmem>>
        %dma_start3A_194 = tpu.memref_squeeze %dma_start3A_193 : memref<1x50x64xf32, #tpu.memory_space<vmem>> -> memref<50x64xf32, #tpu.memory_space<vmem>>
        tpu.enqueue_dma source(%dma_start3A_194 : memref<50x64xf32, #tpu.memory_space<vmem>>) target(%dma_start3A_191 : memref<50x64xf32, #tpu.memory_space<hbm>>) target_semaphore(%arg12 : memref<!tpu.dma_semaphore, #tpu.memory_space<semaphore_mem>>)
      }
      %scan3A_170 = arith.constant 16 : i32
      %lt3A_171 = arith.constant 3 : i32
      %lt3A_172 = arith.cmpi slt, %scan3A_59, %lt3A_171 : i32
      %convert_element_type3A_173 = arith.extui %lt3A_172 : i1 to i32
      %cond3A_174 = arith.constant 0 : i32
      %cond3A_175 = arith.cmpi ne, %convert_element_type3A_173, %cond3A_174 : i32
      scf.if %cond3A_175 {
        %add3A_176 = arith.constant 2 : i32
        %add3A_177 = arith.addi %add3A_119, %add3A_176 : i32
        %mul3A_178 = arith.constant 800 : i32
        %mul3A_179 = arith.muli %add3A_177, %mul3A_178 : i32
        %add3A_180 = arith.addi %mul3A_4, %mul3A_179 : i32
        %dma_start3A_181 = arith.constant 1 : i32
        %dma_start3A_182 = arith.constant 0 : i32
        %dma_start3A_183 = tpu.memref_slice %arg5[%dma_start3A_181, %dma_start3A_182] : memref<2x800xi32, #tpu.memory_space<vmem>> -> memref<1x800xi32, #tpu.memory_space<vmem>>
        %dma_start3A_184 = tpu.memref_squeeze %dma_start3A_183 : memref<1x800xi32, #tpu.memory_space<vmem>> -> memref<800xi32, #tpu.memory_space<vmem>>
        %dma_start3A_185 = tpu.memref_slice %arg3[%add3A_180] : memref<204800xi32, #tpu.memory_space<hbm>> -> memref<800xi32, #tpu.memory_space<hbm>>
        %dma_start3A_186 = arith.constant 0 : i32
        %dma_start3A_187 = tpu.memref_slice %arg5[%dma_start3A_181, %dma_start3A_186] : memref<2x800xi32, #tpu.memory_space<vmem>> -> memref<1x800xi32, #tpu.memory_space<vmem>>
        %dma_start3A_188 = tpu.memref_squeeze %dma_start3A_187 : memref<1x800xi32, #tpu.memory_space<vmem>> -> memref<800xi32, #tpu.memory_space<vmem>>
        %dma_start3A_189 = tpu.memref_slice %arg3[%add3A_180] : memref<204800xi32, #tpu.memory_space<hbm>> -> memref<800xi32, #tpu.memory_space<hbm>>
        tpu.enqueue_dma source(%dma_start3A_189 : memref<800xi32, #tpu.memory_space<hbm>>) target(%dma_start3A_188 : memref<800xi32, #tpu.memory_space<vmem>>) target_semaphore(%arg8 : memref<!tpu.dma_semaphore, #tpu.memory_space<semaphore_mem>>)
      } else {
      }
    }
    %scan3A_29 = arith.constant 4 : i32
    %dma_wait3A = arith.constant 0 : i32
    %dma_wait3A_30 = arith.constant 0 : i32
    %dma_wait3A_31 = arith.constant 0 : i32
    %dma_wait3A_32 = tpu.memref_slice %arg6[%dma_wait3A, %dma_wait3A_30, %dma_wait3A_31] : memref<2x800x64xf32, #tpu.memory_space<vmem>> -> memref<1x800x64xf32, #tpu.memory_space<vmem>>
    %dma_wait3A_33 = tpu.memref_squeeze %dma_wait3A_32 : memref<1x800x64xf32, #tpu.memory_space<vmem>> -> memref<800x64xf32, #tpu.memory_space<vmem>>
    %dma_wait3A_34 = arith.constant 0 : i32
    %dma_wait3A_35 = arith.constant 0 : i32
    %dma_wait3A_36 = tpu.memref_slice %arg2[%dma_wait3A_34, %dma_wait3A_35] : memref<1000000x64xf32, #tpu.memory_space<hbm>> -> memref<800x64xf32, #tpu.memory_space<hbm>>
    %dma_wait3A_37 = arith.constant 0 : i32
    %dma_wait3A_38 = arith.constant 0 : i32
    %dma_wait3A_39 = tpu.memref_slice %arg6[%dma_wait3A, %dma_wait3A_37, %dma_wait3A_38] : memref<2x800x64xf32, #tpu.memory_space<vmem>> -> memref<1x800x64xf32, #tpu.memory_space<vmem>>
    %dma_wait3A_40 = tpu.memref_squeeze %dma_wait3A_39 : memref<1x800x64xf32, #tpu.memory_space<vmem>> -> memref<800x64xf32, #tpu.memory_space<vmem>>
    %dma_wait3A_41 = arith.constant 0 : i32
    %dma_wait3A_42 = arith.constant 0 : i32
    %dma_wait3A_43 = tpu.memref_slice %arg2[%dma_wait3A_41, %dma_wait3A_42] : memref<1000000x64xf32, #tpu.memory_space<hbm>> -> memref<800x64xf32, #tpu.memory_space<hbm>>
    tpu.wait_dma2 semaphore(%arg11 : memref<!tpu.dma_semaphore, #tpu.memory_space<semaphore_mem>>) src(%dma_wait3A_43 : memref<800x64xf32, #tpu.memory_space<hbm>>) dst(%dma_wait3A_40 : memref<800x64xf32, #tpu.memory_space<vmem>>)
    %dma_wait3A_44 = arith.constant 1 : i32
    %dma_wait3A_45 = arith.constant 0 : i32
    %dma_wait3A_46 = arith.constant 0 : i32
    %dma_wait3A_47 = tpu.memref_slice %arg6[%dma_wait3A_44, %dma_wait3A_45, %dma_wait3A_46] : memref<2x800x64xf32, #tpu.memory_space<vmem>> -> memref<1x800x64xf32, #tpu.memory_space<vmem>>
    %dma_wait3A_48 = tpu.memref_squeeze %dma_wait3A_47 : memref<1x800x64xf32, #tpu.memory_space<vmem>> -> memref<800x64xf32, #tpu.memory_space<vmem>>
    %dma_wait3A_49 = arith.constant 0 : i32
    %dma_wait3A_50 = arith.constant 0 : i32
    %dma_wait3A_51 = tpu.memref_slice %arg2[%dma_wait3A_49, %dma_wait3A_50] : memref<1000000x64xf32, #tpu.memory_space<hbm>> -> memref<800x64xf32, #tpu.memory_space<hbm>>
    %dma_wait3A_52 = arith.constant 0 : i32
    %dma_wait3A_53 = arith.constant 0 : i32
    %dma_wait3A_54 = tpu.memref_slice %arg6[%dma_wait3A_44, %dma_wait3A_52, %dma_wait3A_53] : memref<2x800x64xf32, #tpu.memory_space<vmem>> -> memref<1x800x64xf32, #tpu.memory_space<vmem>>
    %dma_wait3A_55 = tpu.memref_squeeze %dma_wait3A_54 : memref<1x800x64xf32, #tpu.memory_space<vmem>> -> memref<800x64xf32, #tpu.memory_space<vmem>>
    %dma_wait3A_56 = arith.constant 0 : i32
    %dma_wait3A_57 = arith.constant 0 : i32
    %dma_wait3A_58 = tpu.memref_slice %arg2[%dma_wait3A_56, %dma_wait3A_57] : memref<1000000x64xf32, #tpu.memory_space<hbm>> -> memref<800x64xf32, #tpu.memory_space<hbm>>
    tpu.wait_dma2 semaphore(%arg12 : memref<!tpu.dma_semaphore, #tpu.memory_space<semaphore_mem>>) src(%dma_wait3A_58 : memref<800x64xf32, #tpu.memory_space<hbm>>) dst(%dma_wait3A_55 : memref<800x64xf32, #tpu.memory_space<vmem>>)
    return
  }
}

#map = affine_map<(d0, d1) -> (0, 0)>
#map1 = affine_map<(d0, d1) -> (0)>
#map2 = affine_map<(d0, d1) -> (0, 0, 0)>
module attributes {stable_mosaic.version = 14 : i64} {
  func.func @_gather_body(%arg0: i32, %arg1: i32, %arg2: memref<1000000x64xf32, #tpu.memory_space<hbm>>, %arg3: memref<204800xi32, #tpu.memory_space<hbm>>, %arg4: memref<4096x50x64xf32, #tpu.memory_space<hbm>>, %arg5: memref<2x800xi32, #tpu.memory_space<vmem>>, %arg6: memref<2x800x64xf32, #tpu.memory_space<vmem>>, %arg7: memref<!tpu.dma_semaphore, #tpu.memory_space<semaphore_mem>>, %arg8: memref<!tpu.dma_semaphore, #tpu.memory_space<semaphore_mem>>, %arg9: memref<!tpu.dma_semaphore, #tpu.memory_space<semaphore_mem>>, %arg10: memref<!tpu.dma_semaphore, #tpu.memory_space<semaphore_mem>>, %arg11: memref<!tpu.dma_semaphore, #tpu.memory_space<semaphore_mem>>, %arg12: memref<!tpu.dma_semaphore, #tpu.memory_space<semaphore_mem>>) attributes {dimension_semantics = [#tpu.dimension_semantics<core_parallel>, #tpu.dimension_semantics<subcore_parallel>], iteration_bounds = array<i64: 2, 16>, scalar_prefetch = 0 : i64, scratch_operands = 8 : i64, tpu.core_type = #tpu.core_type<sc_vector_subcore>, window_params = [{transform_indices = #map}, {transform_indices = #map1}, {transform_indices = #map2}]} {
    %mul3A = arith.constant 2 : i32
    %mul3A_0 = arith.muli %arg1, %mul3A : i32
    %add3A = arith.addi %mul3A_0, %arg0 : i32
    %mul3A_1 = arith.constant 128 : i32
    %mul3A_2 = arith.muli %add3A, %mul3A_1 : i32
    %mul3A_3 = arith.constant 50 : i32
    %mul3A_4 = arith.muli %mul3A_2, %mul3A_3 : i32
    %add3A_5 = arith.constant 0 : i32
    %add3A_6 = arith.addi %mul3A_4, %add3A_5 : i32
    %dma_start3A = arith.constant 0 : i32
    %dma_start3A_7 = arith.constant 0 : i32
    %dma_start3A_8 = tpu.memref_slice %arg5[%dma_start3A, %dma_start3A_7] : memref<2x800xi32, #tpu.memory_space<vmem>> -> memref<1x800xi32, #tpu.memory_space<vmem>>
    %dma_start3A_9 = tpu.memref_squeeze %dma_start3A_8 : memref<1x800xi32, #tpu.memory_space<vmem>> -> memref<800xi32, #tpu.memory_space<vmem>>
    %dma_start3A_10 = tpu.memref_slice %arg3[%add3A_6] : memref<204800xi32, #tpu.memory_space<hbm>> -> memref<800xi32, #tpu.memory_space<hbm>>
    %dma_start3A_11 = arith.constant 0 : i32
    %dma_start3A_12 = tpu.memref_slice %arg5[%dma_start3A, %dma_start3A_11] : memref<2x800xi32, #tpu.memory_space<vmem>> -> memref<1x800xi32, #tpu.memory_space<vmem>>
    %dma_start3A_13 = tpu.memref_squeeze %dma_start3A_12 : memref<1x800xi32, #tpu.memory_space<vmem>> -> memref<800xi32, #tpu.memory_space<vmem>>
    %dma_start3A_14 = tpu.memref_slice %arg3[%add3A_6] : memref<204800xi32, #tpu.memory_space<hbm>> -> memref<800xi32, #tpu.memory_space<hbm>>
    tpu.enqueue_dma source(%dma_start3A_14 : memref<800xi32, #tpu.memory_space<hbm>>) target(%dma_start3A_13 : memref<800xi32, #tpu.memory_space<vmem>>) target_semaphore(%arg7 : memref<!tpu.dma_semaphore, #tpu.memory_space<semaphore_mem>>)
    %add3A_15 = arith.constant 800 : i32
    %add3A_16 = arith.addi %mul3A_4, %add3A_15 : i32
    %dma_start3A_17 = arith.constant 1 : i32
    %dma_start3A_18 = arith.constant 0 : i32
    %dma_start3A_19 = tpu.memref_slice %arg5[%dma_start3A_17, %dma_start3A_18] : memref<2x800xi32, #tpu.memory_space<vmem>> -> memref<1x800xi32, #tpu.memory_space<vmem>>
    %dma_start3A_20 = tpu.memref_squeeze %dma_start3A_19 : memref<1x800xi32, #tpu.memory_space<vmem>> -> memref<800xi32, #tpu.memory_space<vmem>>
    %dma_start3A_21 = tpu.memref_slice %arg3[%add3A_16] : memref<204800xi32, #tpu.memory_space<hbm>> -> memref<800xi32, #tpu.memory_space<hbm>>
    %dma_start3A_22 = arith.constant 0 : i32
    %dma_start3A_23 = tpu.memref_slice %arg5[%dma_start3A_17, %dma_start3A_22] : memref<2x800xi32, #tpu.memory_space<vmem>> -> memref<1x800xi32, #tpu.memory_space<vmem>>
    %dma_start3A_24 = tpu.memref_squeeze %dma_start3A_23 : memref<1x800xi32, #tpu.memory_space<vmem>> -> memref<800xi32, #tpu.memory_space<vmem>>
    %dma_start3A_25 = tpu.memref_slice %arg3[%add3A_16] : memref<204800xi32, #tpu.memory_space<hbm>> -> memref<800xi32, #tpu.memory_space<hbm>>
    tpu.enqueue_dma source(%dma_start3A_25 : memref<800xi32, #tpu.memory_space<hbm>>) target(%dma_start3A_24 : memref<800xi32, #tpu.memory_space<vmem>>) target_semaphore(%arg8 : memref<!tpu.dma_semaphore, #tpu.memory_space<semaphore_mem>>)
    %scan3A = arith.constant 0 : i32
    %scan3A_26 = arith.constant 4 : i32
    %scan3A_27 = arith.addi %scan3A, %scan3A_26 : i32
    %scan3A_28 = arith.constant 1 : i32
    scf.for %scan3A_59 = %scan3A to %scan3A_27 step %scan3A_28  : i32 {
      %mul3A_60 = arith.constant 2 : i32
      %mul3A_61 = arith.muli %mul3A_60, %scan3A_59 : i32
      %add3A_62 = arith.constant 0 : i32
      %add3A_63 = arith.addi %mul3A_61, %add3A_62 : i32
      %gt3A = arith.constant 0 : i32
      %gt3A_64 = arith.cmpi sgt, %scan3A_59, %gt3A : i32
      %convert_element_type3A = arith.extui %gt3A_64 : i1 to i32
      %cond3A = arith.constant 0 : i32
      %cond3A_65 = arith.cmpi ne, %convert_element_type3A, %cond3A : i32
      scf.if %cond3A_65 {
        %dma_wait3A_176 = arith.constant 0 : i32
        %dma_wait3A_177 = arith.constant 0 : i32
        %dma_wait3A_178 = arith.constant 0 : i32
        %dma_wait3A_179 = tpu.memref_slice %arg6[%dma_wait3A_176, %dma_wait3A_177, %dma_wait3A_178] : memref<2x800x64xf32, #tpu.memory_space<vmem>> -> memref<1x800x64xf32, #tpu.memory_space<vmem>>
        %dma_wait3A_180 = tpu.memref_squeeze %dma_wait3A_179 : memref<1x800x64xf32, #tpu.memory_space<vmem>> -> memref<800x64xf32, #tpu.memory_space<vmem>>
        %dma_wait3A_181 = arith.constant 0 : i32
        %dma_wait3A_182 = arith.constant 0 : i32
        %dma_wait3A_183 = tpu.memref_slice %arg2[%dma_wait3A_181, %dma_wait3A_182] : memref<1000000x64xf32, #tpu.memory_space<hbm>> -> memref<800x64xf32, #tpu.memory_space<hbm>>
        %dma_wait3A_184 = arith.constant 0 : i32
        %dma_wait3A_185 = arith.constant 0 : i32
        %dma_wait3A_186 = tpu.memref_slice %arg6[%dma_wait3A_176, %dma_wait3A_184, %dma_wait3A_185] : memref<2x800x64xf32, #tpu.memory_space<vmem>> -> memref<1x800x64xf32, #tpu.memory_space<vmem>>
        %dma_wait3A_187 = tpu.memref_squeeze %dma_wait3A_186 : memref<1x800x64xf32, #tpu.memory_space<vmem>> -> memref<800x64xf32, #tpu.memory_space<vmem>>
        %dma_wait3A_188 = arith.constant 0 : i32
        %dma_wait3A_189 = arith.constant 0 : i32
        %dma_wait3A_190 = tpu.memref_slice %arg2[%dma_wait3A_188, %dma_wait3A_189] : memref<1000000x64xf32, #tpu.memory_space<hbm>> -> memref<800x64xf32, #tpu.memory_space<hbm>>
        tpu.wait_dma2 semaphore(%arg11 : memref<!tpu.dma_semaphore, #tpu.memory_space<semaphore_mem>>) src(%dma_wait3A_190 : memref<800x64xf32, #tpu.memory_space<hbm>>) dst(%dma_wait3A_187 : memref<800x64xf32, #tpu.memory_space<vmem>>)
      } else {
      }
      %dma_wait3A_66 = arith.constant 0 : i32
      %dma_wait3A_67 = arith.constant 0 : i32
      %dma_wait3A_68 = tpu.memref_slice %arg5[%dma_wait3A_66, %dma_wait3A_67] : memref<2x800xi32, #tpu.memory_space<vmem>> -> memref<1x800xi32, #tpu.memory_space<vmem>>
      %dma_wait3A_69 = tpu.memref_squeeze %dma_wait3A_68 : memref<1x800xi32, #tpu.memory_space<vmem>> -> memref<800xi32, #tpu.memory_space<vmem>>
      %dma_wait3A_70 = arith.constant 0 : i32
      %dma_wait3A_71 = tpu.memref_slice %arg3[%dma_wait3A_70] : memref<204800xi32, #tpu.memory_space<hbm>> -> memref<800xi32, #tpu.memory_space<hbm>>
      %dma_wait3A_72 = arith.constant 0 : i32
      %dma_wait3A_73 = tpu.memref_slice %arg5[%dma_wait3A_66, %dma_wait3A_72] : memref<2x800xi32, #tpu.memory_space<vmem>> -> memref<1x800xi32, #tpu.memory_space<vmem>>
      %dma_wait3A_74 = tpu.memref_squeeze %dma_wait3A_73 : memref<1x800xi32, #tpu.memory_space<vmem>> -> memref<800xi32, #tpu.memory_space<vmem>>
      %dma_wait3A_75 = arith.constant 0 : i32
      %dma_wait3A_76 = tpu.memref_slice %arg3[%dma_wait3A_75] : memref<204800xi32, #tpu.memory_space<hbm>> -> memref<800xi32, #tpu.memory_space<hbm>>
      tpu.wait_dma2 semaphore(%arg7 : memref<!tpu.dma_semaphore, #tpu.memory_space<semaphore_mem>>) src(%dma_wait3A_76 : memref<800xi32, #tpu.memory_space<hbm>>) dst(%dma_wait3A_74 : memref<800xi32, #tpu.memory_space<vmem>>)
      %dma_start3A_77 = arith.constant 0 : i32
      %dma_start3A_78 = arith.constant 0 : i32
      %dma_start3A_79 = arith.constant 0 : i32
      %dma_start3A_80 = arith.constant 0 : i32
      %dma_start3A_81 = tpu.memref_slice %arg6[%dma_start3A_78, %dma_start3A_79, %dma_start3A_80] : memref<2x800x64xf32, #tpu.memory_space<vmem>> -> memref<1x800x64xf32, #tpu.memory_space<vmem>>
      %dma_start3A_82 = tpu.memref_squeeze %dma_start3A_81 : memref<1x800x64xf32, #tpu.memory_space<vmem>> -> memref<800x64xf32, #tpu.memory_space<vmem>>
      %dma_start3A_83 = arith.constant 0 : i32
      %dma_start3A_84 = tpu.memref_slice %arg5[%dma_start3A_77, %dma_start3A_83] : memref<2x800xi32, #tpu.memory_space<vmem>> -> memref<1x800xi32, #tpu.memory_space<vmem>>
      %dma_start3A_85 = tpu.memref_squeeze %dma_start3A_84 : memref<1x800xi32, #tpu.memory_space<vmem>> -> memref<800xi32, #tpu.memory_space<vmem>>
      %dma_start3A_86 = arith.constant 0 : i32
      %dma_start3A_87 = arith.constant 0 : i32
      %dma_start3A_88 = tpu.memref_slice %arg2[%dma_start3A_86, %dma_start3A_87] : memref<1000000x64xf32, #tpu.memory_space<hbm>> -> memref<1000000x64xf32, #tpu.memory_space<hbm>>
      tpu.enqueue_indirect_dma source(%dma_start3A_88 : memref<1000000x64xf32, #tpu.memory_space<hbm>>) target(%dma_start3A_82 : memref<800x64xf32, #tpu.memory_space<vmem>>) offsets(%dma_start3A_85 : memref<800xi32, #tpu.memory_space<vmem>>) semaphore(%arg9 : memref<!tpu.dma_semaphore, #tpu.memory_space<semaphore_mem>>)
      %dma_wait3A_89 = arith.constant 0 : i32
      %dma_wait3A_90 = arith.constant 0 : i32
      %dma_wait3A_91 = arith.constant 0 : i32
      %dma_wait3A_92 = tpu.memref_slice %arg6[%dma_wait3A_89, %dma_wait3A_90, %dma_wait3A_91] : memref<2x800x64xf32, #tpu.memory_space<vmem>> -> memref<1x800x64xf32, #tpu.memory_space<vmem>>
      %dma_wait3A_93 = tpu.memref_squeeze %dma_wait3A_92 : memref<1x800x64xf32, #tpu.memory_space<vmem>> -> memref<800x64xf32, #tpu.memory_space<vmem>>
      %dma_wait3A_94 = arith.constant 0 : i32
      %dma_wait3A_95 = arith.constant 0 : i32
      %dma_wait3A_96 = tpu.memref_slice %arg2[%dma_wait3A_94, %dma_wait3A_95] : memref<1000000x64xf32, #tpu.memory_space<hbm>> -> memref<800x64xf32, #tpu.memory_space<hbm>>
      %dma_wait3A_97 = arith.constant 0 : i32
      %dma_wait3A_98 = arith.constant 0 : i32
      %dma_wait3A_99 = tpu.memref_slice %arg6[%dma_wait3A_89, %dma_wait3A_97, %dma_wait3A_98] : memref<2x800x64xf32, #tpu.memory_space<vmem>> -> memref<1x800x64xf32, #tpu.memory_space<vmem>>
      %dma_wait3A_100 = tpu.memref_squeeze %dma_wait3A_99 : memref<1x800x64xf32, #tpu.memory_space<vmem>> -> memref<800x64xf32, #tpu.memory_space<vmem>>
      %dma_wait3A_101 = arith.constant 0 : i32
      %dma_wait3A_102 = arith.constant 0 : i32
      %dma_wait3A_103 = tpu.memref_slice %arg2[%dma_wait3A_101, %dma_wait3A_102] : memref<1000000x64xf32, #tpu.memory_space<hbm>> -> memref<800x64xf32, #tpu.memory_space<hbm>>
      tpu.wait_dma2 semaphore(%arg9 : memref<!tpu.dma_semaphore, #tpu.memory_space<semaphore_mem>>) src(%dma_wait3A_103 : memref<800x64xf32, #tpu.memory_space<hbm>>) dst(%dma_wait3A_100 : memref<800x64xf32, #tpu.memory_space<vmem>>)
      %mul3A_104 = arith.constant 16 : i32
      %mul3A_105 = arith.muli %add3A_63, %mul3A_104 : i32
      %add3A_106 = arith.addi %mul3A_2, %mul3A_105 : i32
      %scan3A_107 = arith.constant 0 : i32
      %scan3A_108 = arith.constant 16 : i32
      %scan3A_109 = arith.addi %scan3A_107, %scan3A_108 : i32
      %scan3A_110 = arith.constant 1 : i32
      scf.for %scan3A_176 = %scan3A_107 to %scan3A_109 step %scan3A_110  : i32 {
        %mul3A_177 = arith.constant 50 : i32
        %mul3A_178 = arith.muli %scan3A_176, %mul3A_177 : i32
        %add3A_179 = arith.addi %add3A_106, %scan3A_176 : i32
        %dma_start3A_180 = arith.constant 0 : i32
        %dma_start3A_181 = arith.constant 0 : i32
        %dma_start3A_182 = tpu.memref_slice %arg6[%dma_start3A_180, %mul3A_178, %dma_start3A_181] : memref<2x800x64xf32, #tpu.memory_space<vmem>> -> memref<1x50x64xf32, #tpu.memory_space<vmem>>
        %dma_start3A_183 = tpu.memref_squeeze %dma_start3A_182 : memref<1x50x64xf32, #tpu.memory_space<vmem>> -> memref<50x64xf32, #tpu.memory_space<vmem>>
        %dma_start3A_184 = arith.constant 0 : i32
        %dma_start3A_185 = arith.constant 0 : i32
        %dma_start3A_186 = tpu.memref_slice %arg4[%add3A_179, %dma_start3A_184, %dma_start3A_185] : memref<4096x50x64xf32, #tpu.memory_space<hbm>> -> memref<1x50x64xf32, #tpu.memory_space<hbm>>
        %dma_start3A_187 = tpu.memref_squeeze %dma_start3A_186 : memref<1x50x64xf32, #tpu.memory_space<hbm>> -> memref<50x64xf32, #tpu.memory_space<hbm>>
        %dma_start3A_188 = arith.constant 0 : i32
        %dma_start3A_189 = arith.constant 0 : i32
        %dma_start3A_190 = tpu.memref_slice %arg4[%add3A_179, %dma_start3A_188, %dma_start3A_189] : memref<4096x50x64xf32, #tpu.memory_space<hbm>> -> memref<1x50x64xf32, #tpu.memory_space<hbm>>
        %dma_start3A_191 = tpu.memref_squeeze %dma_start3A_190 : memref<1x50x64xf32, #tpu.memory_space<hbm>> -> memref<50x64xf32, #tpu.memory_space<hbm>>
        %dma_start3A_192 = arith.constant 0 : i32
        %dma_start3A_193 = tpu.memref_slice %arg6[%dma_start3A_180, %mul3A_178, %dma_start3A_192] : memref<2x800x64xf32, #tpu.memory_space<vmem>> -> memref<1x50x64xf32, #tpu.memory_space<vmem>>
        %dma_start3A_194 = tpu.memref_squeeze %dma_start3A_193 : memref<1x50x64xf32, #tpu.memory_space<vmem>> -> memref<50x64xf32, #tpu.memory_space<vmem>>
        tpu.enqueue_dma source(%dma_start3A_194 : memref<50x64xf32, #tpu.memory_space<vmem>>) target(%dma_start3A_191 : memref<50x64xf32, #tpu.memory_space<hbm>>) target_semaphore(%arg11 : memref<!tpu.dma_semaphore, #tpu.memory_space<semaphore_mem>>)
      }
      %scan3A_111 = arith.constant 16 : i32
      %lt3A = arith.constant 3 : i32
      %lt3A_112 = arith.cmpi slt, %scan3A_59, %lt3A : i32
      %convert_element_type3A_113 = arith.extui %lt3A_112 : i1 to i32
      %cond3A_114 = arith.constant 0 : i32
      %cond3A_115 = arith.cmpi ne, %convert_element_type3A_113, %cond3A_114 : i32
      scf.if %cond3A_115 {
        %add3A_176 = arith.constant 2 : i32
        %add3A_177 = arith.addi %add3A_63, %add3A_176 : i32
        %mul3A_178 = arith.constant 800 : i32
        %mul3A_179 = arith.muli %add3A_177, %mul3A_178 : i32
        %add3A_180 = arith.addi %mul3A_4, %mul3A_179 : i32
        %dma_start3A_181 = arith.constant 0 : i32
        %dma_start3A_182 = arith.constant 0 : i32
        %dma_start3A_183 = tpu.memref_slice %arg5[%dma_start3A_181, %dma_start3A_182] : memref<2x800xi32, #tpu.memory_space<vmem>> -> memref<1x800xi32, #tpu.memory_space<vmem>>
        %dma_start3A_184 = tpu.memref_squeeze %dma_start3A_183 : memref<1x800xi32, #tpu.memory_space<vmem>> -> memref<800xi32, #tpu.memory_space<vmem>>
        %dma_start3A_185 = tpu.memref_slice %arg3[%add3A_180] : memref<204800xi32, #tpu.memory_space<hbm>> -> memref<800xi32, #tpu.memory_space<hbm>>
        %dma_start3A_186 = arith.constant 0 : i32
        %dma_start3A_187 = tpu.memref_slice %arg5[%dma_start3A_181, %dma_start3A_186] : memref<2x800xi32, #tpu.memory_space<vmem>> -> memref<1x800xi32, #tpu.memory_space<vmem>>
        %dma_start3A_188 = tpu.memref_squeeze %dma_start3A_187 : memref<1x800xi32, #tpu.memory_space<vmem>> -> memref<800xi32, #tpu.memory_space<vmem>>
        %dma_start3A_189 = tpu.memref_slice %arg3[%add3A_180] : memref<204800xi32, #tpu.memory_space<hbm>> -> memref<800xi32, #tpu.memory_space<hbm>>
        tpu.enqueue_dma source(%dma_start3A_189 : memref<800xi32, #tpu.memory_space<hbm>>) target(%dma_start3A_188 : memref<800xi32, #tpu.memory_space<vmem>>) target_semaphore(%arg7 : memref<!tpu.dma_semaphore, #tpu.memory_space<semaphore_mem>>)
      } else {
      }
      %mul3A_116 = arith.constant 2 : i32
      %mul3A_117 = arith.muli %mul3A_116, %scan3A_59 : i32
      %add3A_118 = arith.constant 1 : i32
      %add3A_119 = arith.addi %mul3A_117, %add3A_118 : i32
      %gt3A_120 = arith.constant 0 : i32
      %gt3A_121 = arith.cmpi sgt, %scan3A_59, %gt3A_120 : i32
      %convert_element_type3A_122 = arith.extui %gt3A_121 : i1 to i32
      %cond3A_123 = arith.constant 0 : i32
      %cond3A_124 = arith.cmpi ne, %convert_element_type3A_122, %cond3A_123 : i32
      scf.if %cond3A_124 {
        %dma_wait3A_176 = arith.constant 1 : i32
        %dma_wait3A_177 = arith.constant 0 : i32
        %dma_wait3A_178 = arith.constant 0 : i32
        %dma_wait3A_179 = tpu.memref_slice %arg6[%dma_wait3A_176, %dma_wait3A_177, %dma_wait3A_178] : memref<2x800x64xf32, #tpu.memory_space<vmem>> -> memref<1x800x64xf32, #tpu.memory_space<vmem>>
        %dma_wait3A_180 = tpu.memref_squeeze %dma_wait3A_179 : memref<1x800x64xf32, #tpu.memory_space<vmem>> -> memref<800x64xf32, #tpu.memory_space<vmem>>
        %dma_wait3A_181 = arith.constant 0 : i32
        %dma_wait3A_182 = arith.constant 0 : i32
        %dma_wait3A_183 = tpu.memref_slice %arg2[%dma_wait3A_181, %dma_wait3A_182] : memref<1000000x64xf32, #tpu.memory_space<hbm>> -> memref<800x64xf32, #tpu.memory_space<hbm>>
        %dma_wait3A_184 = arith.constant 0 : i32
        %dma_wait3A_185 = arith.constant 0 : i32
        %dma_wait3A_186 = tpu.memref_slice %arg6[%dma_wait3A_176, %dma_wait3A_184, %dma_wait3A_185] : memref<2x800x64xf32, #tpu.memory_space<vmem>> -> memref<1x800x64xf32, #tpu.memory_space<vmem>>
        %dma_wait3A_187 = tpu.memref_squeeze %dma_wait3A_186 : memref<1x800x64xf32, #tpu.memory_space<vmem>> -> memref<800x64xf32, #tpu.memory_space<vmem>>
        %dma_wait3A_188 = arith.constant 0 : i32
        %dma_wait3A_189 = arith.constant 0 : i32
        %dma_wait3A_190 = tpu.memref_slice %arg2[%dma_wait3A_188, %dma_wait3A_189] : memref<1000000x64xf32, #tpu.memory_space<hbm>> -> memref<800x64xf32, #tpu.memory_space<hbm>>
        tpu.wait_dma2 semaphore(%arg12 : memref<!tpu.dma_semaphore, #tpu.memory_space<semaphore_mem>>) src(%dma_wait3A_190 : memref<800x64xf32, #tpu.memory_space<hbm>>) dst(%dma_wait3A_187 : memref<800x64xf32, #tpu.memory_space<vmem>>)
      } else {
      }
      %dma_wait3A_125 = arith.constant 1 : i32
      %dma_wait3A_126 = arith.constant 0 : i32
      %dma_wait3A_127 = tpu.memref_slice %arg5[%dma_wait3A_125, %dma_wait3A_126] : memref<2x800xi32, #tpu.memory_space<vmem>> -> memref<1x800xi32, #tpu.memory_space<vmem>>
      %dma_wait3A_128 = tpu.memref_squeeze %dma_wait3A_127 : memref<1x800xi32, #tpu.memory_space<vmem>> -> memref<800xi32, #tpu.memory_space<vmem>>
      %dma_wait3A_129 = arith.constant 0 : i32
      %dma_wait3A_130 = tpu.memref_slice %arg3[%dma_wait3A_129] : memref<204800xi32, #tpu.memory_space<hbm>> -> memref<800xi32, #tpu.memory_space<hbm>>
      %dma_wait3A_131 = arith.constant 0 : i32
      %dma_wait3A_132 = tpu.memref_slice %arg5[%dma_wait3A_125, %dma_wait3A_131] : memref<2x800xi32, #tpu.memory_space<vmem>> -> memref<1x800xi32, #tpu.memory_space<vmem>>
      %dma_wait3A_133 = tpu.memref_squeeze %dma_wait3A_132 : memref<1x800xi32, #tpu.memory_space<vmem>> -> memref<800xi32, #tpu.memory_space<vmem>>
      %dma_wait3A_134 = arith.constant 0 : i32
      %dma_wait3A_135 = tpu.memref_slice %arg3[%dma_wait3A_134] : memref<204800xi32, #tpu.memory_space<hbm>> -> memref<800xi32, #tpu.memory_space<hbm>>
      tpu.wait_dma2 semaphore(%arg8 : memref<!tpu.dma_semaphore, #tpu.memory_space<semaphore_mem>>) src(%dma_wait3A_135 : memref<800xi32, #tpu.memory_space<hbm>>) dst(%dma_wait3A_133 : memref<800xi32, #tpu.memory_space<vmem>>)
      %dma_start3A_136 = arith.constant 1 : i32
      %dma_start3A_137 = arith.constant 1 : i32
      %dma_start3A_138 = arith.constant 0 : i32
      %dma_start3A_139 = arith.constant 0 : i32
      %dma_start3A_140 = tpu.memref_slice %arg6[%dma_start3A_137, %dma_start3A_138, %dma_start3A_139] : memref<2x800x64xf32, #tpu.memory_space<vmem>> -> memref<1x800x64xf32, #tpu.memory_space<vmem>>
      %dma_start3A_141 = tpu.memref_squeeze %dma_start3A_140 : memref<1x800x64xf32, #tpu.memory_space<vmem>> -> memref<800x64xf32, #tpu.memory_space<vmem>>
      %dma_start3A_142 = arith.constant 0 : i32
      %dma_start3A_143 = tpu.memref_slice %arg5[%dma_start3A_136, %dma_start3A_142] : memref<2x800xi32, #tpu.memory_space<vmem>> -> memref<1x800xi32, #tpu.memory_space<vmem>>
      %dma_start3A_144 = tpu.memref_squeeze %dma_start3A_143 : memref<1x800xi32, #tpu.memory_space<vmem>> -> memref<800xi32, #tpu.memory_space<vmem>>
      %dma_start3A_145 = arith.constant 0 : i32
      %dma_start3A_146 = arith.constant 0 : i32
      %dma_start3A_147 = tpu.memref_slice %arg2[%dma_start3A_145, %dma_start3A_146] : memref<1000000x64xf32, #tpu.memory_space<hbm>> -> memref<1000000x64xf32, #tpu.memory_space<hbm>>
      tpu.enqueue_indirect_dma source(%dma_start3A_147 : memref<1000000x64xf32, #tpu.memory_space<hbm>>) target(%dma_start3A_141 : memref<800x64xf32, #tpu.memory_space<vmem>>) offsets(%dma_start3A_144 : memref<800xi32, #tpu.memory_space<vmem>>) semaphore(%arg10 : memref<!tpu.dma_semaphore, #tpu.memory_space<semaphore_mem>>)
      %dma_wait3A_148 = arith.constant 1 : i32
      %dma_wait3A_149 = arith.constant 0 : i32
      %dma_wait3A_150 = arith.constant 0 : i32
      %dma_wait3A_151 = tpu.memref_slice %arg6[%dma_wait3A_148, %dma_wait3A_149, %dma_wait3A_150] : memref<2x800x64xf32, #tpu.memory_space<vmem>> -> memref<1x800x64xf32, #tpu.memory_space<vmem>>
      %dma_wait3A_152 = tpu.memref_squeeze %dma_wait3A_151 : memref<1x800x64xf32, #tpu.memory_space<vmem>> -> memref<800x64xf32, #tpu.memory_space<vmem>>
      %dma_wait3A_153 = arith.constant 0 : i32
      %dma_wait3A_154 = arith.constant 0 : i32
      %dma_wait3A_155 = tpu.memref_slice %arg2[%dma_wait3A_153, %dma_wait3A_154] : memref<1000000x64xf32, #tpu.memory_space<hbm>> -> memref<800x64xf32, #tpu.memory_space<hbm>>
      %dma_wait3A_156 = arith.constant 0 : i32
      %dma_wait3A_157 = arith.constant 0 : i32
      %dma_wait3A_158 = tpu.memref_slice %arg6[%dma_wait3A_148, %dma_wait3A_156, %dma_wait3A_157] : memref<2x800x64xf32, #tpu.memory_space<vmem>> -> memref<1x800x64xf32, #tpu.memory_space<vmem>>
      %dma_wait3A_159 = tpu.memref_squeeze %dma_wait3A_158 : memref<1x800x64xf32, #tpu.memory_space<vmem>> -> memref<800x64xf32, #tpu.memory_space<vmem>>
      %dma_wait3A_160 = arith.constant 0 : i32
      %dma_wait3A_161 = arith.constant 0 : i32
      %dma_wait3A_162 = tpu.memref_slice %arg2[%dma_wait3A_160, %dma_wait3A_161] : memref<1000000x64xf32, #tpu.memory_space<hbm>> -> memref<800x64xf32, #tpu.memory_space<hbm>>
      tpu.wait_dma2 semaphore(%arg10 : memref<!tpu.dma_semaphore, #tpu.memory_space<semaphore_mem>>) src(%dma_wait3A_162 : memref<800x64xf32, #tpu.memory_space<hbm>>) dst(%dma_wait3A_159 : memref<800x64xf32, #tpu.memory_space<vmem>>)
      %mul3A_163 = arith.constant 16 : i32
      %mul3A_164 = arith.muli %add3A_119, %mul3A_163 : i32
      %add3A_165 = arith.addi %mul3A_2, %mul3A_164 : i32
      %scan3A_166 = arith.constant 0 : i32
      %scan3A_167 = arith.constant 16 : i32
      %scan3A_168 = arith.addi %scan3A_166, %scan3A_167 : i32
      %scan3A_169 = arith.constant 1 : i32
      scf.for %scan3A_176 = %scan3A_166 to %scan3A_168 step %scan3A_169  : i32 {
        %mul3A_177 = arith.constant 50 : i32
        %mul3A_178 = arith.muli %scan3A_176, %mul3A_177 : i32
        %add3A_179 = arith.addi %add3A_165, %scan3A_176 : i32
        %dma_start3A_180 = arith.constant 1 : i32
        %dma_start3A_181 = arith.constant 0 : i32
        %dma_start3A_182 = tpu.memref_slice %arg6[%dma_start3A_180, %mul3A_178, %dma_start3A_181] : memref<2x800x64xf32, #tpu.memory_space<vmem>> -> memref<1x50x64xf32, #tpu.memory_space<vmem>>
        %dma_start3A_183 = tpu.memref_squeeze %dma_start3A_182 : memref<1x50x64xf32, #tpu.memory_space<vmem>> -> memref<50x64xf32, #tpu.memory_space<vmem>>
        %dma_start3A_184 = arith.constant 0 : i32
        %dma_start3A_185 = arith.constant 0 : i32
        %dma_start3A_186 = tpu.memref_slice %arg4[%add3A_179, %dma_start3A_184, %dma_start3A_185] : memref<4096x50x64xf32, #tpu.memory_space<hbm>> -> memref<1x50x64xf32, #tpu.memory_space<hbm>>
        %dma_start3A_187 = tpu.memref_squeeze %dma_start3A_186 : memref<1x50x64xf32, #tpu.memory_space<hbm>> -> memref<50x64xf32, #tpu.memory_space<hbm>>
        %dma_start3A_188 = arith.constant 0 : i32
        %dma_start3A_189 = arith.constant 0 : i32
        %dma_start3A_190 = tpu.memref_slice %arg4[%add3A_179, %dma_start3A_188, %dma_start3A_189] : memref<4096x50x64xf32, #tpu.memory_space<hbm>> -> memref<1x50x64xf32, #tpu.memory_space<hbm>>
        %dma_start3A_191 = tpu.memref_squeeze %dma_start3A_190 : memref<1x50x64xf32, #tpu.memory_space<hbm>> -> memref<50x64xf32, #tpu.memory_space<hbm>>
        %dma_start3A_192 = arith.constant 0 : i32
        %dma_start3A_193 = tpu.memref_slice %arg6[%dma_start3A_180, %mul3A_178, %dma_start3A_192] : memref<2x800x64xf32, #tpu.memory_space<vmem>> -> memref<1x50x64xf32, #tpu.memory_space<vmem>>
        %dma_start3A_194 = tpu.memref_squeeze %dma_start3A_193 : memref<1x50x64xf32, #tpu.memory_space<vmem>> -> memref<50x64xf32, #tpu.memory_space<vmem>>
        tpu.enqueue_dma source(%dma_start3A_194 : memref<50x64xf32, #tpu.memory_space<vmem>>) target(%dma_start3A_191 : memref<50x64xf32, #tpu.memory_space<hbm>>) target_semaphore(%arg12 : memref<!tpu.dma_semaphore, #tpu.memory_space<semaphore_mem>>)
      }
      %scan3A_170 = arith.constant 16 : i32
      %lt3A_171 = arith.constant 3 : i32
      %lt3A_172 = arith.cmpi slt, %scan3A_59, %lt3A_171 : i32
      %convert_element_type3A_173 = arith.extui %lt3A_172 : i1 to i32
      %cond3A_174 = arith.constant 0 : i32
      %cond3A_175 = arith.cmpi ne, %convert_element_type3A_173, %cond3A_174 : i32
      scf.if %cond3A_175 {
        %add3A_176 = arith.constant 2 : i32
        %add3A_177 = arith.addi %add3A_119, %add3A_176 : i32
        %mul3A_178 = arith.constant 800 : i32
        %mul3A_179 = arith.muli %add3A_177, %mul3A_178 : i32
        %add3A_180 = arith.addi %mul3A_4, %mul3A_179 : i32
        %dma_start3A_181 = arith.constant 1 : i32
        %dma_start3A_182 = arith.constant 0 : i32
        %dma_start3A_183 = tpu.memref_slice %arg5[%dma_start3A_181, %dma_start3A_182] : memref<2x800xi32, #tpu.memory_space<vmem>> -> memref<1x800xi32, #tpu.memory_space<vmem>>
        %dma_start3A_184 = tpu.memref_squeeze %dma_start3A_183 : memref<1x800xi32, #tpu.memory_space<vmem>> -> memref<800xi32, #tpu.memory_space<vmem>>
        %dma_start3A_185 = tpu.memref_slice %arg3[%add3A_180] : memref<204800xi32, #tpu.memory_space<hbm>> -> memref<800xi32, #tpu.memory_space<hbm>>
        %dma_start3A_186 = arith.constant 0 : i32
        %dma_start3A_187 = tpu.memref_slice %arg5[%dma_start3A_181, %dma_start3A_186] : memref<2x800xi32, #tpu.memory_space<vmem>> -> memref<1x800xi32, #tpu.memory_space<vmem>>
        %dma_start3A_188 = tpu.memref_squeeze %dma_start3A_187 : memref<1x800xi32, #tpu.memory_space<vmem>> -> memref<800xi32, #tpu.memory_space<vmem>>
        %dma_start3A_189 = tpu.memref_slice %arg3[%add3A_180] : memref<204800xi32, #tpu.memory_space<hbm>> -> memref<800xi32, #tpu.memory_space<hbm>>
        tpu.enqueue_dma source(%dma_start3A_189 : memref<800xi32, #tpu.memory_space<hbm>>) target(%dma_start3A_188 : memref<800xi32, #tpu.memory_space<vmem>>) target_semaphore(%arg8 : memref<!tpu.dma_semaphore, #tpu.memory_space<semaphore_mem>>)
      } else {
      }
    }
    %scan3A_29 = arith.constant 4 : i32
    %dma_wait3A = arith.constant 0 : i32
    %dma_wait3A_30 = arith.constant 0 : i32
    %dma_wait3A_31 = arith.constant 0 : i32
    %dma_wait3A_32 = tpu.memref_slice %arg6[%dma_wait3A, %dma_wait3A_30, %dma_wait3A_31] : memref<2x800x64xf32, #tpu.memory_space<vmem>> -> memref<1x800x64xf32, #tpu.memory_space<vmem>>
    %dma_wait3A_33 = tpu.memref_squeeze %dma_wait3A_32 : memref<1x800x64xf32, #tpu.memory_space<vmem>> -> memref<800x64xf32, #tpu.memory_space<vmem>>
    %dma_wait3A_34 = arith.constant 0 : i32
    %dma_wait3A_35 = arith.constant 0 : i32
    %dma_wait3A_36 = tpu.memref_slice %arg2[%dma_wait3A_34, %dma_wait3A_35] : memref<1000000x64xf32, #tpu.memory_space<hbm>> -> memref<800x64xf32, #tpu.memory_space<hbm>>
    %dma_wait3A_37 = arith.constant 0 : i32
    %dma_wait3A_38 = arith.constant 0 : i32
    %dma_wait3A_39 = tpu.memref_slice %arg6[%dma_wait3A, %dma_wait3A_37, %dma_wait3A_38] : memref<2x800x64xf32, #tpu.memory_space<vmem>> -> memref<1x800x64xf32, #tpu.memory_space<vmem>>
    %dma_wait3A_40 = tpu.memref_squeeze %dma_wait3A_39 : memref<1x800x64xf32, #tpu.memory_space<vmem>> -> memref<800x64xf32, #tpu.memory_space<vmem>>
    %dma_wait3A_41 = arith.constant 0 : i32
    %dma_wait3A_42 = arith.constant 0 : i32
    %dma_wait3A_43 = tpu.memref_slice %arg2[%dma_wait3A_41, %dma_wait3A_42] : memref<1000000x64xf32, #tpu.memory_space<hbm>> -> memref<800x64xf32, #tpu.memory_space<hbm>>
    tpu.wait_dma2 semaphore(%arg11 : memref<!tpu.dma_semaphore, #tpu.memory_space<semaphore_mem>>) src(%dma_wait3A_43 : memref<800x64xf32, #tpu.memory_space<hbm>>) dst(%dma_wait3A_40 : memref<800x64xf32, #tpu.memory_space<vmem>>)
    %dma_wait3A_44 = arith.constant 1 : i32
    %dma_wait3A_45 = arith.constant 0 : i32
    %dma_wait3A_46 = arith.constant 0 : i32
    %dma_wait3A_47 = tpu.memref_slice %arg6[%dma_wait3A_44, %dma_wait3A_45, %dma_wait3A_46] : memref<2x800x64xf32, #tpu.memory_space<vmem>> -> memref<1x800x64xf32, #tpu.memory_space<vmem>>
    %dma_wait3A_48 = tpu.memref_squeeze %dma_wait3A_47 : memref<1x800x64xf32, #tpu.memory_space<vmem>> -> memref<800x64xf32, #tpu.memory_space<vmem>>
    %dma_wait3A_49 = arith.constant 0 : i32
    %dma_wait3A_50 = arith.constant 0 : i32
    %dma_wait3A_51 = tpu.memref_slice %arg2[%dma_wait3A_49, %dma_wait3A_50] : memref<1000000x64xf32, #tpu.memory_space<hbm>> -> memref<800x64xf32, #tpu.memory_space<hbm>>
    %dma_wait3A_52 = arith.constant 0 : i32
    %dma_wait3A_53 = arith.constant 0 : i32
    %dma_wait3A_54 = tpu.memref_slice %arg6[%dma_wait3A_44, %dma_wait3A_52, %dma_wait3A_53] : memref<2x800x64xf32, #tpu.memory_space<vmem>> -> memref<1x800x64xf32, #tpu.memory_space<vmem>>
    %dma_wait3A_55 = tpu.memref_squeeze %dma_wait3A_54 : memref<1x800x64xf32, #tpu.memory_space<vmem>> -> memref<800x64xf32, #tpu.memory_space<vmem>>
    %dma_wait3A_56 = arith.constant 0 : i32
    %dma_wait3A_57 = arith.constant 0 : i32
    %dma_wait3A_58 = tpu.memref_slice %arg2[%dma_wait3A_56, %dma_wait3A_57] : memref<1000000x64xf32, #tpu.memory_space<hbm>> -> memref<800x64xf32, #tpu.memory_space<hbm>>
    tpu.wait_dma2 semaphore(%arg12 : memref<!tpu.dma_semaphore, #tpu.memory_space<semaphore_mem>>) src(%dma_wait3A_58 : memref<800x64xf32, #tpu.memory_space<hbm>>) dst(%dma_wait3A_55 : memref<800x64xf32, #tpu.memory_space<vmem>>)
    return
  }
}

#map = affine_map<(d0, d1) -> (0, 0)>
#map1 = affine_map<(d0, d1) -> (0)>
#map2 = affine_map<(d0, d1) -> (0, 0, 0)>
module attributes {stable_mosaic.version = 14 : i64} {
  func.func @_gather_body(%arg0: i32, %arg1: i32, %arg2: memref<1000000x64xf32, #tpu.memory_space<hbm>>, %arg3: memref<204800xi32, #tpu.memory_space<hbm>>, %arg4: memref<4096x50x64xf32, #tpu.memory_space<hbm>>, %arg5: memref<2x800xi32, #tpu.memory_space<vmem>>, %arg6: memref<2x800x64xf32, #tpu.memory_space<vmem>>, %arg7: memref<!tpu.dma_semaphore, #tpu.memory_space<semaphore_mem>>, %arg8: memref<!tpu.dma_semaphore, #tpu.memory_space<semaphore_mem>>, %arg9: memref<!tpu.dma_semaphore, #tpu.memory_space<semaphore_mem>>, %arg10: memref<!tpu.dma_semaphore, #tpu.memory_space<semaphore_mem>>, %arg11: memref<!tpu.dma_semaphore, #tpu.memory_space<semaphore_mem>>, %arg12: memref<!tpu.dma_semaphore, #tpu.memory_space<semaphore_mem>>) attributes {dimension_semantics = [#tpu.dimension_semantics<core_parallel>, #tpu.dimension_semantics<subcore_parallel>], iteration_bounds = array<i64: 2, 16>, scalar_prefetch = 0 : i64, scratch_operands = 8 : i64, tpu.core_type = #tpu.core_type<sc_vector_subcore>, window_params = [{transform_indices = #map}, {transform_indices = #map1}, {transform_indices = #map2}]} {
    %mul3A = arith.constant 2 : i32
    %mul3A_0 = arith.muli %arg1, %mul3A : i32
    %add3A = arith.addi %mul3A_0, %arg0 : i32
    %mul3A_1 = arith.constant 128 : i32
    %mul3A_2 = arith.muli %add3A, %mul3A_1 : i32
    %mul3A_3 = arith.constant 50 : i32
    %mul3A_4 = arith.muli %mul3A_2, %mul3A_3 : i32
    %add3A_5 = arith.constant 0 : i32
    %add3A_6 = arith.addi %mul3A_4, %add3A_5 : i32
    %dma_start3A = arith.constant 0 : i32
    %dma_start3A_7 = arith.constant 0 : i32
    %dma_start3A_8 = tpu.memref_slice %arg5[%dma_start3A, %dma_start3A_7] : memref<2x800xi32, #tpu.memory_space<vmem>> -> memref<1x800xi32, #tpu.memory_space<vmem>>
    %dma_start3A_9 = tpu.memref_squeeze %dma_start3A_8 : memref<1x800xi32, #tpu.memory_space<vmem>> -> memref<800xi32, #tpu.memory_space<vmem>>
    %dma_start3A_10 = tpu.memref_slice %arg3[%add3A_6] : memref<204800xi32, #tpu.memory_space<hbm>> -> memref<800xi32, #tpu.memory_space<hbm>>
    %dma_start3A_11 = arith.constant 0 : i32
    %dma_start3A_12 = tpu.memref_slice %arg5[%dma_start3A, %dma_start3A_11] : memref<2x800xi32, #tpu.memory_space<vmem>> -> memref<1x800xi32, #tpu.memory_space<vmem>>
    %dma_start3A_13 = tpu.memref_squeeze %dma_start3A_12 : memref<1x800xi32, #tpu.memory_space<vmem>> -> memref<800xi32, #tpu.memory_space<vmem>>
    %dma_start3A_14 = tpu.memref_slice %arg3[%add3A_6] : memref<204800xi32, #tpu.memory_space<hbm>> -> memref<800xi32, #tpu.memory_space<hbm>>
    tpu.enqueue_dma source(%dma_start3A_14 : memref<800xi32, #tpu.memory_space<hbm>>) target(%dma_start3A_13 : memref<800xi32, #tpu.memory_space<vmem>>) target_semaphore(%arg7 : memref<!tpu.dma_semaphore, #tpu.memory_space<semaphore_mem>>)
    %add3A_15 = arith.constant 800 : i32
    %add3A_16 = arith.addi %mul3A_4, %add3A_15 : i32
    %dma_start3A_17 = arith.constant 1 : i32
    %dma_start3A_18 = arith.constant 0 : i32
    %dma_start3A_19 = tpu.memref_slice %arg5[%dma_start3A_17, %dma_start3A_18] : memref<2x800xi32, #tpu.memory_space<vmem>> -> memref<1x800xi32, #tpu.memory_space<vmem>>
    %dma_start3A_20 = tpu.memref_squeeze %dma_start3A_19 : memref<1x800xi32, #tpu.memory_space<vmem>> -> memref<800xi32, #tpu.memory_space<vmem>>
    %dma_start3A_21 = tpu.memref_slice %arg3[%add3A_16] : memref<204800xi32, #tpu.memory_space<hbm>> -> memref<800xi32, #tpu.memory_space<hbm>>
    %dma_start3A_22 = arith.constant 0 : i32
    %dma_start3A_23 = tpu.memref_slice %arg5[%dma_start3A_17, %dma_start3A_22] : memref<2x800xi32, #tpu.memory_space<vmem>> -> memref<1x800xi32, #tpu.memory_space<vmem>>
    %dma_start3A_24 = tpu.memref_squeeze %dma_start3A_23 : memref<1x800xi32, #tpu.memory_space<vmem>> -> memref<800xi32, #tpu.memory_space<vmem>>
    %dma_start3A_25 = tpu.memref_slice %arg3[%add3A_16] : memref<204800xi32, #tpu.memory_space<hbm>> -> memref<800xi32, #tpu.memory_space<hbm>>
    tpu.enqueue_dma source(%dma_start3A_25 : memref<800xi32, #tpu.memory_space<hbm>>) target(%dma_start3A_24 : memref<800xi32, #tpu.memory_space<vmem>>) target_semaphore(%arg8 : memref<!tpu.dma_semaphore, #tpu.memory_space<semaphore_mem>>)
    %scan3A = arith.constant 0 : i32
    %scan3A_26 = arith.constant 4 : i32
    %scan3A_27 = arith.addi %scan3A, %scan3A_26 : i32
    %scan3A_28 = arith.constant 1 : i32
    scf.for %scan3A_59 = %scan3A to %scan3A_27 step %scan3A_28  : i32 {
      %mul3A_60 = arith.constant 2 : i32
      %mul3A_61 = arith.muli %mul3A_60, %scan3A_59 : i32
      %add3A_62 = arith.constant 0 : i32
      %add3A_63 = arith.addi %mul3A_61, %add3A_62 : i32
      %gt3A = arith.constant 0 : i32
      %gt3A_64 = arith.cmpi sgt, %scan3A_59, %gt3A : i32
      %convert_element_type3A = arith.extui %gt3A_64 : i1 to i32
      %cond3A = arith.constant 0 : i32
      %cond3A_65 = arith.cmpi ne, %convert_element_type3A, %cond3A : i32
      scf.if %cond3A_65 {
        %dma_wait3A_176 = arith.constant 0 : i32
        %dma_wait3A_177 = arith.constant 0 : i32
        %dma_wait3A_178 = arith.constant 0 : i32
        %dma_wait3A_179 = tpu.memref_slice %arg6[%dma_wait3A_176, %dma_wait3A_177, %dma_wait3A_178] : memref<2x800x64xf32, #tpu.memory_space<vmem>> -> memref<1x800x64xf32, #tpu.memory_space<vmem>>
        %dma_wait3A_180 = tpu.memref_squeeze %dma_wait3A_179 : memref<1x800x64xf32, #tpu.memory_space<vmem>> -> memref<800x64xf32, #tpu.memory_space<vmem>>
        %dma_wait3A_181 = arith.constant 0 : i32
        %dma_wait3A_182 = arith.constant 0 : i32
        %dma_wait3A_183 = tpu.memref_slice %arg2[%dma_wait3A_181, %dma_wait3A_182] : memref<1000000x64xf32, #tpu.memory_space<hbm>> -> memref<800x64xf32, #tpu.memory_space<hbm>>
        %dma_wait3A_184 = arith.constant 0 : i32
        %dma_wait3A_185 = arith.constant 0 : i32
        %dma_wait3A_186 = tpu.memref_slice %arg6[%dma_wait3A_176, %dma_wait3A_184, %dma_wait3A_185] : memref<2x800x64xf32, #tpu.memory_space<vmem>> -> memref<1x800x64xf32, #tpu.memory_space<vmem>>
        %dma_wait3A_187 = tpu.memref_squeeze %dma_wait3A_186 : memref<1x800x64xf32, #tpu.memory_space<vmem>> -> memref<800x64xf32, #tpu.memory_space<vmem>>
        %dma_wait3A_188 = arith.constant 0 : i32
        %dma_wait3A_189 = arith.constant 0 : i32
        %dma_wait3A_190 = tpu.memref_slice %arg2[%dma_wait3A_188, %dma_wait3A_189] : memref<1000000x64xf32, #tpu.memory_space<hbm>> -> memref<800x64xf32, #tpu.memory_space<hbm>>
        tpu.wait_dma2 semaphore(%arg11 : memref<!tpu.dma_semaphore, #tpu.memory_space<semaphore_mem>>) src(%dma_wait3A_190 : memref<800x64xf32, #tpu.memory_space<hbm>>) dst(%dma_wait3A_187 : memref<800x64xf32, #tpu.memory_space<vmem>>)
      } else {
      }
      %dma_wait3A_66 = arith.constant 0 : i32
      %dma_wait3A_67 = arith.constant 0 : i32
      %dma_wait3A_68 = tpu.memref_slice %arg5[%dma_wait3A_66, %dma_wait3A_67] : memref<2x800xi32, #tpu.memory_space<vmem>> -> memref<1x800xi32, #tpu.memory_space<vmem>>
      %dma_wait3A_69 = tpu.memref_squeeze %dma_wait3A_68 : memref<1x800xi32, #tpu.memory_space<vmem>> -> memref<800xi32, #tpu.memory_space<vmem>>
      %dma_wait3A_70 = arith.constant 0 : i32
      %dma_wait3A_71 = tpu.memref_slice %arg3[%dma_wait3A_70] : memref<204800xi32, #tpu.memory_space<hbm>> -> memref<800xi32, #tpu.memory_space<hbm>>
      %dma_wait3A_72 = arith.constant 0 : i32
      %dma_wait3A_73 = tpu.memref_slice %arg5[%dma_wait3A_66, %dma_wait3A_72] : memref<2x800xi32, #tpu.memory_space<vmem>> -> memref<1x800xi32, #tpu.memory_space<vmem>>
      %dma_wait3A_74 = tpu.memref_squeeze %dma_wait3A_73 : memref<1x800xi32, #tpu.memory_space<vmem>> -> memref<800xi32, #tpu.memory_space<vmem>>
      %dma_wait3A_75 = arith.constant 0 : i32
      %dma_wait3A_76 = tpu.memref_slice %arg3[%dma_wait3A_75] : memref<204800xi32, #tpu.memory_space<hbm>> -> memref<800xi32, #tpu.memory_space<hbm>>
      tpu.wait_dma2 semaphore(%arg7 : memref<!tpu.dma_semaphore, #tpu.memory_space<semaphore_mem>>) src(%dma_wait3A_76 : memref<800xi32, #tpu.memory_space<hbm>>) dst(%dma_wait3A_74 : memref<800xi32, #tpu.memory_space<vmem>>)
      %dma_start3A_77 = arith.constant 0 : i32
      %dma_start3A_78 = arith.constant 0 : i32
      %dma_start3A_79 = arith.constant 0 : i32
      %dma_start3A_80 = arith.constant 0 : i32
      %dma_start3A_81 = tpu.memref_slice %arg6[%dma_start3A_78, %dma_start3A_79, %dma_start3A_80] : memref<2x800x64xf32, #tpu.memory_space<vmem>> -> memref<1x800x64xf32, #tpu.memory_space<vmem>>
      %dma_start3A_82 = tpu.memref_squeeze %dma_start3A_81 : memref<1x800x64xf32, #tpu.memory_space<vmem>> -> memref<800x64xf32, #tpu.memory_space<vmem>>
      %dma_start3A_83 = arith.constant 0 : i32
      %dma_start3A_84 = tpu.memref_slice %arg5[%dma_start3A_77, %dma_start3A_83] : memref<2x800xi32, #tpu.memory_space<vmem>> -> memref<1x800xi32, #tpu.memory_space<vmem>>
      %dma_start3A_85 = tpu.memref_squeeze %dma_start3A_84 : memref<1x800xi32, #tpu.memory_space<vmem>> -> memref<800xi32, #tpu.memory_space<vmem>>
      %dma_start3A_86 = arith.constant 0 : i32
      %dma_start3A_87 = arith.constant 0 : i32
      %dma_start3A_88 = tpu.memref_slice %arg2[%dma_start3A_86, %dma_start3A_87] : memref<1000000x64xf32, #tpu.memory_space<hbm>> -> memref<1000000x64xf32, #tpu.memory_space<hbm>>
      tpu.enqueue_indirect_dma source(%dma_start3A_88 : memref<1000000x64xf32, #tpu.memory_space<hbm>>) target(%dma_start3A_82 : memref<800x64xf32, #tpu.memory_space<vmem>>) offsets(%dma_start3A_85 : memref<800xi32, #tpu.memory_space<vmem>>) semaphore(%arg9 : memref<!tpu.dma_semaphore, #tpu.memory_space<semaphore_mem>>)
      %dma_wait3A_89 = arith.constant 0 : i32
      %dma_wait3A_90 = arith.constant 0 : i32
      %dma_wait3A_91 = arith.constant 0 : i32
      %dma_wait3A_92 = tpu.memref_slice %arg6[%dma_wait3A_89, %dma_wait3A_90, %dma_wait3A_91] : memref<2x800x64xf32, #tpu.memory_space<vmem>> -> memref<1x800x64xf32, #tpu.memory_space<vmem>>
      %dma_wait3A_93 = tpu.memref_squeeze %dma_wait3A_92 : memref<1x800x64xf32, #tpu.memory_space<vmem>> -> memref<800x64xf32, #tpu.memory_space<vmem>>
      %dma_wait3A_94 = arith.constant 0 : i32
      %dma_wait3A_95 = arith.constant 0 : i32
      %dma_wait3A_96 = tpu.memref_slice %arg2[%dma_wait3A_94, %dma_wait3A_95] : memref<1000000x64xf32, #tpu.memory_space<hbm>> -> memref<800x64xf32, #tpu.memory_space<hbm>>
      %dma_wait3A_97 = arith.constant 0 : i32
      %dma_wait3A_98 = arith.constant 0 : i32
      %dma_wait3A_99 = tpu.memref_slice %arg6[%dma_wait3A_89, %dma_wait3A_97, %dma_wait3A_98] : memref<2x800x64xf32, #tpu.memory_space<vmem>> -> memref<1x800x64xf32, #tpu.memory_space<vmem>>
      %dma_wait3A_100 = tpu.memref_squeeze %dma_wait3A_99 : memref<1x800x64xf32, #tpu.memory_space<vmem>> -> memref<800x64xf32, #tpu.memory_space<vmem>>
      %dma_wait3A_101 = arith.constant 0 : i32
      %dma_wait3A_102 = arith.constant 0 : i32
      %dma_wait3A_103 = tpu.memref_slice %arg2[%dma_wait3A_101, %dma_wait3A_102] : memref<1000000x64xf32, #tpu.memory_space<hbm>> -> memref<800x64xf32, #tpu.memory_space<hbm>>
      tpu.wait_dma2 semaphore(%arg9 : memref<!tpu.dma_semaphore, #tpu.memory_space<semaphore_mem>>) src(%dma_wait3A_103 : memref<800x64xf32, #tpu.memory_space<hbm>>) dst(%dma_wait3A_100 : memref<800x64xf32, #tpu.memory_space<vmem>>)
      %mul3A_104 = arith.constant 16 : i32
      %mul3A_105 = arith.muli %add3A_63, %mul3A_104 : i32
      %add3A_106 = arith.addi %mul3A_2, %mul3A_105 : i32
      %scan3A_107 = arith.constant 0 : i32
      %scan3A_108 = arith.constant 16 : i32
      %scan3A_109 = arith.addi %scan3A_107, %scan3A_108 : i32
      %scan3A_110 = arith.constant 1 : i32
      scf.for %scan3A_176 = %scan3A_107 to %scan3A_109 step %scan3A_110  : i32 {
        %mul3A_177 = arith.constant 50 : i32
        %mul3A_178 = arith.muli %scan3A_176, %mul3A_177 : i32
        %add3A_179 = arith.addi %add3A_106, %scan3A_176 : i32
        %dma_start3A_180 = arith.constant 0 : i32
        %dma_start3A_181 = arith.constant 0 : i32
        %dma_start3A_182 = tpu.memref_slice %arg6[%dma_start3A_180, %mul3A_178, %dma_start3A_181] : memref<2x800x64xf32, #tpu.memory_space<vmem>> -> memref<1x50x64xf32, #tpu.memory_space<vmem>>
        %dma_start3A_183 = tpu.memref_squeeze %dma_start3A_182 : memref<1x50x64xf32, #tpu.memory_space<vmem>> -> memref<50x64xf32, #tpu.memory_space<vmem>>
        %dma_start3A_184 = arith.constant 0 : i32
        %dma_start3A_185 = arith.constant 0 : i32
        %dma_start3A_186 = tpu.memref_slice %arg4[%add3A_179, %dma_start3A_184, %dma_start3A_185] : memref<4096x50x64xf32, #tpu.memory_space<hbm>> -> memref<1x50x64xf32, #tpu.memory_space<hbm>>
        %dma_start3A_187 = tpu.memref_squeeze %dma_start3A_186 : memref<1x50x64xf32, #tpu.memory_space<hbm>> -> memref<50x64xf32, #tpu.memory_space<hbm>>
        %dma_start3A_188 = arith.constant 0 : i32
        %dma_start3A_189 = arith.constant 0 : i32
        %dma_start3A_190 = tpu.memref_slice %arg4[%add3A_179, %dma_start3A_188, %dma_start3A_189] : memref<4096x50x64xf32, #tpu.memory_space<hbm>> -> memref<1x50x64xf32, #tpu.memory_space<hbm>>
        %dma_start3A_191 = tpu.memref_squeeze %dma_start3A_190 : memref<1x50x64xf32, #tpu.memory_space<hbm>> -> memref<50x64xf32, #tpu.memory_space<hbm>>
        %dma_start3A_192 = arith.constant 0 : i32
        %dma_start3A_193 = tpu.memref_slice %arg6[%dma_start3A_180, %mul3A_178, %dma_start3A_192] : memref<2x800x64xf32, #tpu.memory_space<vmem>> -> memref<1x50x64xf32, #tpu.memory_space<vmem>>
        %dma_start3A_194 = tpu.memref_squeeze %dma_start3A_193 : memref<1x50x64xf32, #tpu.memory_space<vmem>> -> memref<50x64xf32, #tpu.memory_space<vmem>>
        tpu.enqueue_dma source(%dma_start3A_194 : memref<50x64xf32, #tpu.memory_space<vmem>>) target(%dma_start3A_191 : memref<50x64xf32, #tpu.memory_space<hbm>>) target_semaphore(%arg11 : memref<!tpu.dma_semaphore, #tpu.memory_space<semaphore_mem>>)
      }
      %scan3A_111 = arith.constant 16 : i32
      %lt3A = arith.constant 3 : i32
      %lt3A_112 = arith.cmpi slt, %scan3A_59, %lt3A : i32
      %convert_element_type3A_113 = arith.extui %lt3A_112 : i1 to i32
      %cond3A_114 = arith.constant 0 : i32
      %cond3A_115 = arith.cmpi ne, %convert_element_type3A_113, %cond3A_114 : i32
      scf.if %cond3A_115 {
        %add3A_176 = arith.constant 2 : i32
        %add3A_177 = arith.addi %add3A_63, %add3A_176 : i32
        %mul3A_178 = arith.constant 800 : i32
        %mul3A_179 = arith.muli %add3A_177, %mul3A_178 : i32
        %add3A_180 = arith.addi %mul3A_4, %mul3A_179 : i32
        %dma_start3A_181 = arith.constant 0 : i32
        %dma_start3A_182 = arith.constant 0 : i32
        %dma_start3A_183 = tpu.memref_slice %arg5[%dma_start3A_181, %dma_start3A_182] : memref<2x800xi32, #tpu.memory_space<vmem>> -> memref<1x800xi32, #tpu.memory_space<vmem>>
        %dma_start3A_184 = tpu.memref_squeeze %dma_start3A_183 : memref<1x800xi32, #tpu.memory_space<vmem>> -> memref<800xi32, #tpu.memory_space<vmem>>
        %dma_start3A_185 = tpu.memref_slice %arg3[%add3A_180] : memref<204800xi32, #tpu.memory_space<hbm>> -> memref<800xi32, #tpu.memory_space<hbm>>
        %dma_start3A_186 = arith.constant 0 : i32
        %dma_start3A_187 = tpu.memref_slice %arg5[%dma_start3A_181, %dma_start3A_186] : memref<2x800xi32, #tpu.memory_space<vmem>> -> memref<1x800xi32, #tpu.memory_space<vmem>>
        %dma_start3A_188 = tpu.memref_squeeze %dma_start3A_187 : memref<1x800xi32, #tpu.memory_space<vmem>> -> memref<800xi32, #tpu.memory_space<vmem>>
        %dma_start3A_189 = tpu.memref_slice %arg3[%add3A_180] : memref<204800xi32, #tpu.memory_space<hbm>> -> memref<800xi32, #tpu.memory_space<hbm>>
        tpu.enqueue_dma source(%dma_start3A_189 : memref<800xi32, #tpu.memory_space<hbm>>) target(%dma_start3A_188 : memref<800xi32, #tpu.memory_space<vmem>>) target_semaphore(%arg7 : memref<!tpu.dma_semaphore, #tpu.memory_space<semaphore_mem>>)
      } else {
      }
      %mul3A_116 = arith.constant 2 : i32
      %mul3A_117 = arith.muli %mul3A_116, %scan3A_59 : i32
      %add3A_118 = arith.constant 1 : i32
      %add3A_119 = arith.addi %mul3A_117, %add3A_118 : i32
      %gt3A_120 = arith.constant 0 : i32
      %gt3A_121 = arith.cmpi sgt, %scan3A_59, %gt3A_120 : i32
      %convert_element_type3A_122 = arith.extui %gt3A_121 : i1 to i32
      %cond3A_123 = arith.constant 0 : i32
      %cond3A_124 = arith.cmpi ne, %convert_element_type3A_122, %cond3A_123 : i32
      scf.if %cond3A_124 {
        %dma_wait3A_176 = arith.constant 1 : i32
        %dma_wait3A_177 = arith.constant 0 : i32
        %dma_wait3A_178 = arith.constant 0 : i32
        %dma_wait3A_179 = tpu.memref_slice %arg6[%dma_wait3A_176, %dma_wait3A_177, %dma_wait3A_178] : memref<2x800x64xf32, #tpu.memory_space<vmem>> -> memref<1x800x64xf32, #tpu.memory_space<vmem>>
        %dma_wait3A_180 = tpu.memref_squeeze %dma_wait3A_179 : memref<1x800x64xf32, #tpu.memory_space<vmem>> -> memref<800x64xf32, #tpu.memory_space<vmem>>
        %dma_wait3A_181 = arith.constant 0 : i32
        %dma_wait3A_182 = arith.constant 0 : i32
        %dma_wait3A_183 = tpu.memref_slice %arg2[%dma_wait3A_181, %dma_wait3A_182] : memref<1000000x64xf32, #tpu.memory_space<hbm>> -> memref<800x64xf32, #tpu.memory_space<hbm>>
        %dma_wait3A_184 = arith.constant 0 : i32
        %dma_wait3A_185 = arith.constant 0 : i32
        %dma_wait3A_186 = tpu.memref_slice %arg6[%dma_wait3A_176, %dma_wait3A_184, %dma_wait3A_185] : memref<2x800x64xf32, #tpu.memory_space<vmem>> -> memref<1x800x64xf32, #tpu.memory_space<vmem>>
        %dma_wait3A_187 = tpu.memref_squeeze %dma_wait3A_186 : memref<1x800x64xf32, #tpu.memory_space<vmem>> -> memref<800x64xf32, #tpu.memory_space<vmem>>
        %dma_wait3A_188 = arith.constant 0 : i32
        %dma_wait3A_189 = arith.constant 0 : i32
        %dma_wait3A_190 = tpu.memref_slice %arg2[%dma_wait3A_188, %dma_wait3A_189] : memref<1000000x64xf32, #tpu.memory_space<hbm>> -> memref<800x64xf32, #tpu.memory_space<hbm>>
        tpu.wait_dma2 semaphore(%arg12 : memref<!tpu.dma_semaphore, #tpu.memory_space<semaphore_mem>>) src(%dma_wait3A_190 : memref<800x64xf32, #tpu.memory_space<hbm>>) dst(%dma_wait3A_187 : memref<800x64xf32, #tpu.memory_space<vmem>>)
      } else {
      }
      %dma_wait3A_125 = arith.constant 1 : i32
      %dma_wait3A_126 = arith.constant 0 : i32
      %dma_wait3A_127 = tpu.memref_slice %arg5[%dma_wait3A_125, %dma_wait3A_126] : memref<2x800xi32, #tpu.memory_space<vmem>> -> memref<1x800xi32, #tpu.memory_space<vmem>>
      %dma_wait3A_128 = tpu.memref_squeeze %dma_wait3A_127 : memref<1x800xi32, #tpu.memory_space<vmem>> -> memref<800xi32, #tpu.memory_space<vmem>>
      %dma_wait3A_129 = arith.constant 0 : i32
      %dma_wait3A_130 = tpu.memref_slice %arg3[%dma_wait3A_129] : memref<204800xi32, #tpu.memory_space<hbm>> -> memref<800xi32, #tpu.memory_space<hbm>>
      %dma_wait3A_131 = arith.constant 0 : i32
      %dma_wait3A_132 = tpu.memref_slice %arg5[%dma_wait3A_125, %dma_wait3A_131] : memref<2x800xi32, #tpu.memory_space<vmem>> -> memref<1x800xi32, #tpu.memory_space<vmem>>
      %dma_wait3A_133 = tpu.memref_squeeze %dma_wait3A_132 : memref<1x800xi32, #tpu.memory_space<vmem>> -> memref<800xi32, #tpu.memory_space<vmem>>
      %dma_wait3A_134 = arith.constant 0 : i32
      %dma_wait3A_135 = tpu.memref_slice %arg3[%dma_wait3A_134] : memref<204800xi32, #tpu.memory_space<hbm>> -> memref<800xi32, #tpu.memory_space<hbm>>
      tpu.wait_dma2 semaphore(%arg8 : memref<!tpu.dma_semaphore, #tpu.memory_space<semaphore_mem>>) src(%dma_wait3A_135 : memref<800xi32, #tpu.memory_space<hbm>>) dst(%dma_wait3A_133 : memref<800xi32, #tpu.memory_space<vmem>>)
      %dma_start3A_136 = arith.constant 1 : i32
      %dma_start3A_137 = arith.constant 1 : i32
      %dma_start3A_138 = arith.constant 0 : i32
      %dma_start3A_139 = arith.constant 0 : i32
      %dma_start3A_140 = tpu.memref_slice %arg6[%dma_start3A_137, %dma_start3A_138, %dma_start3A_139] : memref<2x800x64xf32, #tpu.memory_space<vmem>> -> memref<1x800x64xf32, #tpu.memory_space<vmem>>
      %dma_start3A_141 = tpu.memref_squeeze %dma_start3A_140 : memref<1x800x64xf32, #tpu.memory_space<vmem>> -> memref<800x64xf32, #tpu.memory_space<vmem>>
      %dma_start3A_142 = arith.constant 0 : i32
      %dma_start3A_143 = tpu.memref_slice %arg5[%dma_start3A_136, %dma_start3A_142] : memref<2x800xi32, #tpu.memory_space<vmem>> -> memref<1x800xi32, #tpu.memory_space<vmem>>
      %dma_start3A_144 = tpu.memref_squeeze %dma_start3A_143 : memref<1x800xi32, #tpu.memory_space<vmem>> -> memref<800xi32, #tpu.memory_space<vmem>>
      %dma_start3A_145 = arith.constant 0 : i32
      %dma_start3A_146 = arith.constant 0 : i32
      %dma_start3A_147 = tpu.memref_slice %arg2[%dma_start3A_145, %dma_start3A_146] : memref<1000000x64xf32, #tpu.memory_space<hbm>> -> memref<1000000x64xf32, #tpu.memory_space<hbm>>
      tpu.enqueue_indirect_dma source(%dma_start3A_147 : memref<1000000x64xf32, #tpu.memory_space<hbm>>) target(%dma_start3A_141 : memref<800x64xf32, #tpu.memory_space<vmem>>) offsets(%dma_start3A_144 : memref<800xi32, #tpu.memory_space<vmem>>) semaphore(%arg10 : memref<!tpu.dma_semaphore, #tpu.memory_space<semaphore_mem>>)
      %dma_wait3A_148 = arith.constant 1 : i32
      %dma_wait3A_149 = arith.constant 0 : i32
      %dma_wait3A_150 = arith.constant 0 : i32
      %dma_wait3A_151 = tpu.memref_slice %arg6[%dma_wait3A_148, %dma_wait3A_149, %dma_wait3A_150] : memref<2x800x64xf32, #tpu.memory_space<vmem>> -> memref<1x800x64xf32, #tpu.memory_space<vmem>>
      %dma_wait3A_152 = tpu.memref_squeeze %dma_wait3A_151 : memref<1x800x64xf32, #tpu.memory_space<vmem>> -> memref<800x64xf32, #tpu.memory_space<vmem>>
      %dma_wait3A_153 = arith.constant 0 : i32
      %dma_wait3A_154 = arith.constant 0 : i32
      %dma_wait3A_155 = tpu.memref_slice %arg2[%dma_wait3A_153, %dma_wait3A_154] : memref<1000000x64xf32, #tpu.memory_space<hbm>> -> memref<800x64xf32, #tpu.memory_space<hbm>>
      %dma_wait3A_156 = arith.constant 0 : i32
      %dma_wait3A_157 = arith.constant 0 : i32
      %dma_wait3A_158 = tpu.memref_slice %arg6[%dma_wait3A_148, %dma_wait3A_156, %dma_wait3A_157] : memref<2x800x64xf32, #tpu.memory_space<vmem>> -> memref<1x800x64xf32, #tpu.memory_space<vmem>>
      %dma_wait3A_159 = tpu.memref_squeeze %dma_wait3A_158 : memref<1x800x64xf32, #tpu.memory_space<vmem>> -> memref<800x64xf32, #tpu.memory_space<vmem>>
      %dma_wait3A_160 = arith.constant 0 : i32
      %dma_wait3A_161 = arith.constant 0 : i32
      %dma_wait3A_162 = tpu.memref_slice %arg2[%dma_wait3A_160, %dma_wait3A_161] : memref<1000000x64xf32, #tpu.memory_space<hbm>> -> memref<800x64xf32, #tpu.memory_space<hbm>>
      tpu.wait_dma2 semaphore(%arg10 : memref<!tpu.dma_semaphore, #tpu.memory_space<semaphore_mem>>) src(%dma_wait3A_162 : memref<800x64xf32, #tpu.memory_space<hbm>>) dst(%dma_wait3A_159 : memref<800x64xf32, #tpu.memory_space<vmem>>)
      %mul3A_163 = arith.constant 16 : i32
      %mul3A_164 = arith.muli %add3A_119, %mul3A_163 : i32
      %add3A_165 = arith.addi %mul3A_2, %mul3A_164 : i32
      %scan3A_166 = arith.constant 0 : i32
      %scan3A_167 = arith.constant 16 : i32
      %scan3A_168 = arith.addi %scan3A_166, %scan3A_167 : i32
      %scan3A_169 = arith.constant 1 : i32
      scf.for %scan3A_176 = %scan3A_166 to %scan3A_168 step %scan3A_169  : i32 {
        %mul3A_177 = arith.constant 50 : i32
        %mul3A_178 = arith.muli %scan3A_176, %mul3A_177 : i32
        %add3A_179 = arith.addi %add3A_165, %scan3A_176 : i32
        %dma_start3A_180 = arith.constant 1 : i32
        %dma_start3A_181 = arith.constant 0 : i32
        %dma_start3A_182 = tpu.memref_slice %arg6[%dma_start3A_180, %mul3A_178, %dma_start3A_181] : memref<2x800x64xf32, #tpu.memory_space<vmem>> -> memref<1x50x64xf32, #tpu.memory_space<vmem>>
        %dma_start3A_183 = tpu.memref_squeeze %dma_start3A_182 : memref<1x50x64xf32, #tpu.memory_space<vmem>> -> memref<50x64xf32, #tpu.memory_space<vmem>>
        %dma_start3A_184 = arith.constant 0 : i32
        %dma_start3A_185 = arith.constant 0 : i32
        %dma_start3A_186 = tpu.memref_slice %arg4[%add3A_179, %dma_start3A_184, %dma_start3A_185] : memref<4096x50x64xf32, #tpu.memory_space<hbm>> -> memref<1x50x64xf32, #tpu.memory_space<hbm>>
        %dma_start3A_187 = tpu.memref_squeeze %dma_start3A_186 : memref<1x50x64xf32, #tpu.memory_space<hbm>> -> memref<50x64xf32, #tpu.memory_space<hbm>>
        %dma_start3A_188 = arith.constant 0 : i32
        %dma_start3A_189 = arith.constant 0 : i32
        %dma_start3A_190 = tpu.memref_slice %arg4[%add3A_179, %dma_start3A_188, %dma_start3A_189] : memref<4096x50x64xf32, #tpu.memory_space<hbm>> -> memref<1x50x64xf32, #tpu.memory_space<hbm>>
        %dma_start3A_191 = tpu.memref_squeeze %dma_start3A_190 : memref<1x50x64xf32, #tpu.memory_space<hbm>> -> memref<50x64xf32, #tpu.memory_space<hbm>>
        %dma_start3A_192 = arith.constant 0 : i32
        %dma_start3A_193 = tpu.memref_slice %arg6[%dma_start3A_180, %mul3A_178, %dma_start3A_192] : memref<2x800x64xf32, #tpu.memory_space<vmem>> -> memref<1x50x64xf32, #tpu.memory_space<vmem>>
        %dma_start3A_194 = tpu.memref_squeeze %dma_start3A_193 : memref<1x50x64xf32, #tpu.memory_space<vmem>> -> memref<50x64xf32, #tpu.memory_space<vmem>>
        tpu.enqueue_dma source(%dma_start3A_194 : memref<50x64xf32, #tpu.memory_space<vmem>>) target(%dma_start3A_191 : memref<50x64xf32, #tpu.memory_space<hbm>>) target_semaphore(%arg12 : memref<!tpu.dma_semaphore, #tpu.memory_space<semaphore_mem>>)
      }
      %scan3A_170 = arith.constant 16 : i32
      %lt3A_171 = arith.constant 3 : i32
      %lt3A_172 = arith.cmpi slt, %scan3A_59, %lt3A_171 : i32
      %convert_element_type3A_173 = arith.extui %lt3A_172 : i1 to i32
      %cond3A_174 = arith.constant 0 : i32
      %cond3A_175 = arith.cmpi ne, %convert_element_type3A_173, %cond3A_174 : i32
      scf.if %cond3A_175 {
        %add3A_176 = arith.constant 2 : i32
        %add3A_177 = arith.addi %add3A_119, %add3A_176 : i32
        %mul3A_178 = arith.constant 800 : i32
        %mul3A_179 = arith.muli %add3A_177, %mul3A_178 : i32
        %add3A_180 = arith.addi %mul3A_4, %mul3A_179 : i32
        %dma_start3A_181 = arith.constant 1 : i32
        %dma_start3A_182 = arith.constant 0 : i32
        %dma_start3A_183 = tpu.memref_slice %arg5[%dma_start3A_181, %dma_start3A_182] : memref<2x800xi32, #tpu.memory_space<vmem>> -> memref<1x800xi32, #tpu.memory_space<vmem>>
        %dma_start3A_184 = tpu.memref_squeeze %dma_start3A_183 : memref<1x800xi32, #tpu.memory_space<vmem>> -> memref<800xi32, #tpu.memory_space<vmem>>
        %dma_start3A_185 = tpu.memref_slice %arg3[%add3A_180] : memref<204800xi32, #tpu.memory_space<hbm>> -> memref<800xi32, #tpu.memory_space<hbm>>
        %dma_start3A_186 = arith.constant 0 : i32
        %dma_start3A_187 = tpu.memref_slice %arg5[%dma_start3A_181, %dma_start3A_186] : memref<2x800xi32, #tpu.memory_space<vmem>> -> memref<1x800xi32, #tpu.memory_space<vmem>>
        %dma_start3A_188 = tpu.memref_squeeze %dma_start3A_187 : memref<1x800xi32, #tpu.memory_space<vmem>> -> memref<800xi32, #tpu.memory_space<vmem>>
        %dma_start3A_189 = tpu.memref_slice %arg3[%add3A_180] : memref<204800xi32, #tpu.memory_space<hbm>> -> memref<800xi32, #tpu.memory_space<hbm>>
        tpu.enqueue_dma source(%dma_start3A_189 : memref<800xi32, #tpu.memory_space<hbm>>) target(%dma_start3A_188 : memref<800xi32, #tpu.memory_space<vmem>>) target_semaphore(%arg8 : memref<!tpu.dma_semaphore, #tpu.memory_space<semaphore_mem>>)
      } else {
      }
    }
    %scan3A_29 = arith.constant 4 : i32
    %dma_wait3A = arith.constant 0 : i32
    %dma_wait3A_30 = arith.constant 0 : i32
    %dma_wait3A_31 = arith.constant 0 : i32
    %dma_wait3A_32 = tpu.memref_slice %arg6[%dma_wait3A, %dma_wait3A_30, %dma_wait3A_31] : memref<2x800x64xf32, #tpu.memory_space<vmem>> -> memref<1x800x64xf32, #tpu.memory_space<vmem>>
    %dma_wait3A_33 = tpu.memref_squeeze %dma_wait3A_32 : memref<1x800x64xf32, #tpu.memory_space<vmem>> -> memref<800x64xf32, #tpu.memory_space<vmem>>
    %dma_wait3A_34 = arith.constant 0 : i32
    %dma_wait3A_35 = arith.constant 0 : i32
    %dma_wait3A_36 = tpu.memref_slice %arg2[%dma_wait3A_34, %dma_wait3A_35] : memref<1000000x64xf32, #tpu.memory_space<hbm>> -> memref<800x64xf32, #tpu.memory_space<hbm>>
    %dma_wait3A_37 = arith.constant 0 : i32
    %dma_wait3A_38 = arith.constant 0 : i32
    %dma_wait3A_39 = tpu.memref_slice %arg6[%dma_wait3A, %dma_wait3A_37, %dma_wait3A_38] : memref<2x800x64xf32, #tpu.memory_space<vmem>> -> memref<1x800x64xf32, #tpu.memory_space<vmem>>
    %dma_wait3A_40 = tpu.memref_squeeze %dma_wait3A_39 : memref<1x800x64xf32, #tpu.memory_space<vmem>> -> memref<800x64xf32, #tpu.memory_space<vmem>>
    %dma_wait3A_41 = arith.constant 0 : i32
    %dma_wait3A_42 = arith.constant 0 : i32
    %dma_wait3A_43 = tpu.memref_slice %arg2[%dma_wait3A_41, %dma_wait3A_42] : memref<1000000x64xf32, #tpu.memory_space<hbm>> -> memref<800x64xf32, #tpu.memory_space<hbm>>
    tpu.wait_dma2 semaphore(%arg11 : memref<!tpu.dma_semaphore, #tpu.memory_space<semaphore_mem>>) src(%dma_wait3A_43 : memref<800x64xf32, #tpu.memory_space<hbm>>) dst(%dma_wait3A_40 : memref<800x64xf32, #tpu.memory_space<vmem>>)
    %dma_wait3A_44 = arith.constant 1 : i32
    %dma_wait3A_45 = arith.constant 0 : i32
    %dma_wait3A_46 = arith.constant 0 : i32
    %dma_wait3A_47 = tpu.memref_slice %arg6[%dma_wait3A_44, %dma_wait3A_45, %dma_wait3A_46] : memref<2x800x64xf32, #tpu.memory_space<vmem>> -> memref<1x800x64xf32, #tpu.memory_space<vmem>>
    %dma_wait3A_48 = tpu.memref_squeeze %dma_wait3A_47 : memref<1x800x64xf32, #tpu.memory_space<vmem>> -> memref<800x64xf32, #tpu.memory_space<vmem>>
    %dma_wait3A_49 = arith.constant 0 : i32
    %dma_wait3A_50 = arith.constant 0 : i32
    %dma_wait3A_51 = tpu.memref_slice %arg2[%dma_wait3A_49, %dma_wait3A_50] : memref<1000000x64xf32, #tpu.memory_space<hbm>> -> memref<800x64xf32, #tpu.memory_space<hbm>>
    %dma_wait3A_52 = arith.constant 0 : i32
    %dma_wait3A_53 = arith.constant 0 : i32
    %dma_wait3A_54 = tpu.memref_slice %arg6[%dma_wait3A_44, %dma_wait3A_52, %dma_wait3A_53] : memref<2x800x64xf32, #tpu.memory_space<vmem>> -> memref<1x800x64xf32, #tpu.memory_space<vmem>>
    %dma_wait3A_55 = tpu.memref_squeeze %dma_wait3A_54 : memref<1x800x64xf32, #tpu.memory_space<vmem>> -> memref<800x64xf32, #tpu.memory_space<vmem>>
    %dma_wait3A_56 = arith.constant 0 : i32
    %dma_wait3A_57 = arith.constant 0 : i32
    %dma_wait3A_58 = tpu.memref_slice %arg2[%dma_wait3A_56, %dma_wait3A_57] : memref<1000000x64xf32, #tpu.memory_space<hbm>> -> memref<800x64xf32, #tpu.memory_space<hbm>>
    tpu.wait_dma2 semaphore(%arg12 : memref<!tpu.dma_semaphore, #tpu.memory_space<semaphore_mem>>) src(%dma_wait3A_58 : memref<800x64xf32, #tpu.memory_space<hbm>>) dst(%dma_wait3A_55 : memref<800x64xf32, #tpu.memory_space<vmem>>)
    return
  }
}

#map = affine_map<(d0, d1) -> (0, 0)>
#map1 = affine_map<(d0, d1) -> (0)>
#map2 = affine_map<(d0, d1) -> (0, 0, 0)>
module attributes {stable_mosaic.version = 14 : i64} {
  func.func @_gather_body(%arg0: i32, %arg1: i32, %arg2: memref<1000000x64xf32, #tpu.memory_space<hbm>>, %arg3: memref<204800xi32, #tpu.memory_space<hbm>>, %arg4: memref<4096x50x64xf32, #tpu.memory_space<hbm>>, %arg5: memref<2x800xi32, #tpu.memory_space<vmem>>, %arg6: memref<2x800x64xf32, #tpu.memory_space<vmem>>, %arg7: memref<!tpu.dma_semaphore, #tpu.memory_space<semaphore_mem>>, %arg8: memref<!tpu.dma_semaphore, #tpu.memory_space<semaphore_mem>>, %arg9: memref<!tpu.dma_semaphore, #tpu.memory_space<semaphore_mem>>, %arg10: memref<!tpu.dma_semaphore, #tpu.memory_space<semaphore_mem>>, %arg11: memref<!tpu.dma_semaphore, #tpu.memory_space<semaphore_mem>>, %arg12: memref<!tpu.dma_semaphore, #tpu.memory_space<semaphore_mem>>) attributes {dimension_semantics = [#tpu.dimension_semantics<core_parallel>, #tpu.dimension_semantics<subcore_parallel>], iteration_bounds = array<i64: 2, 16>, scalar_prefetch = 0 : i64, scratch_operands = 8 : i64, tpu.core_type = #tpu.core_type<sc_vector_subcore>, window_params = [{transform_indices = #map}, {transform_indices = #map1}, {transform_indices = #map2}]} {
    %mul3A = arith.constant 2 : i32
    %mul3A_0 = arith.muli %arg1, %mul3A : i32
    %add3A = arith.addi %mul3A_0, %arg0 : i32
    %mul3A_1 = arith.constant 128 : i32
    %mul3A_2 = arith.muli %add3A, %mul3A_1 : i32
    %mul3A_3 = arith.constant 50 : i32
    %mul3A_4 = arith.muli %mul3A_2, %mul3A_3 : i32
    %add3A_5 = arith.constant 0 : i32
    %add3A_6 = arith.addi %mul3A_4, %add3A_5 : i32
    %dma_start3A = arith.constant 0 : i32
    %dma_start3A_7 = arith.constant 0 : i32
    %dma_start3A_8 = tpu.memref_slice %arg5[%dma_start3A, %dma_start3A_7] : memref<2x800xi32, #tpu.memory_space<vmem>> -> memref<1x800xi32, #tpu.memory_space<vmem>>
    %dma_start3A_9 = tpu.memref_squeeze %dma_start3A_8 : memref<1x800xi32, #tpu.memory_space<vmem>> -> memref<800xi32, #tpu.memory_space<vmem>>
    %dma_start3A_10 = tpu.memref_slice %arg3[%add3A_6] : memref<204800xi32, #tpu.memory_space<hbm>> -> memref<800xi32, #tpu.memory_space<hbm>>
    %dma_start3A_11 = arith.constant 0 : i32
    %dma_start3A_12 = tpu.memref_slice %arg5[%dma_start3A, %dma_start3A_11] : memref<2x800xi32, #tpu.memory_space<vmem>> -> memref<1x800xi32, #tpu.memory_space<vmem>>
    %dma_start3A_13 = tpu.memref_squeeze %dma_start3A_12 : memref<1x800xi32, #tpu.memory_space<vmem>> -> memref<800xi32, #tpu.memory_space<vmem>>
    %dma_start3A_14 = tpu.memref_slice %arg3[%add3A_6] : memref<204800xi32, #tpu.memory_space<hbm>> -> memref<800xi32, #tpu.memory_space<hbm>>
    tpu.enqueue_dma source(%dma_start3A_14 : memref<800xi32, #tpu.memory_space<hbm>>) target(%dma_start3A_13 : memref<800xi32, #tpu.memory_space<vmem>>) target_semaphore(%arg7 : memref<!tpu.dma_semaphore, #tpu.memory_space<semaphore_mem>>)
    %add3A_15 = arith.constant 800 : i32
    %add3A_16 = arith.addi %mul3A_4, %add3A_15 : i32
    %dma_start3A_17 = arith.constant 1 : i32
    %dma_start3A_18 = arith.constant 0 : i32
    %dma_start3A_19 = tpu.memref_slice %arg5[%dma_start3A_17, %dma_start3A_18] : memref<2x800xi32, #tpu.memory_space<vmem>> -> memref<1x800xi32, #tpu.memory_space<vmem>>
    %dma_start3A_20 = tpu.memref_squeeze %dma_start3A_19 : memref<1x800xi32, #tpu.memory_space<vmem>> -> memref<800xi32, #tpu.memory_space<vmem>>
    %dma_start3A_21 = tpu.memref_slice %arg3[%add3A_16] : memref<204800xi32, #tpu.memory_space<hbm>> -> memref<800xi32, #tpu.memory_space<hbm>>
    %dma_start3A_22 = arith.constant 0 : i32
    %dma_start3A_23 = tpu.memref_slice %arg5[%dma_start3A_17, %dma_start3A_22] : memref<2x800xi32, #tpu.memory_space<vmem>> -> memref<1x800xi32, #tpu.memory_space<vmem>>
    %dma_start3A_24 = tpu.memref_squeeze %dma_start3A_23 : memref<1x800xi32, #tpu.memory_space<vmem>> -> memref<800xi32, #tpu.memory_space<vmem>>
    %dma_start3A_25 = tpu.memref_slice %arg3[%add3A_16] : memref<204800xi32, #tpu.memory_space<hbm>> -> memref<800xi32, #tpu.memory_space<hbm>>
    tpu.enqueue_dma source(%dma_start3A_25 : memref<800xi32, #tpu.memory_space<hbm>>) target(%dma_start3A_24 : memref<800xi32, #tpu.memory_space<vmem>>) target_semaphore(%arg8 : memref<!tpu.dma_semaphore, #tpu.memory_space<semaphore_mem>>)
    %scan3A = arith.constant 0 : i32
    %scan3A_26 = arith.constant 4 : i32
    %scan3A_27 = arith.addi %scan3A, %scan3A_26 : i32
    %scan3A_28 = arith.constant 1 : i32
    scf.for %scan3A_59 = %scan3A to %scan3A_27 step %scan3A_28  : i32 {
      %mul3A_60 = arith.constant 2 : i32
      %mul3A_61 = arith.muli %mul3A_60, %scan3A_59 : i32
      %add3A_62 = arith.constant 0 : i32
      %add3A_63 = arith.addi %mul3A_61, %add3A_62 : i32
      %gt3A = arith.constant 0 : i32
      %gt3A_64 = arith.cmpi sgt, %scan3A_59, %gt3A : i32
      %convert_element_type3A = arith.extui %gt3A_64 : i1 to i32
      %cond3A = arith.constant 0 : i32
      %cond3A_65 = arith.cmpi ne, %convert_element_type3A, %cond3A : i32
      scf.if %cond3A_65 {
        %dma_wait3A_176 = arith.constant 0 : i32
        %dma_wait3A_177 = arith.constant 0 : i32
        %dma_wait3A_178 = arith.constant 0 : i32
        %dma_wait3A_179 = tpu.memref_slice %arg6[%dma_wait3A_176, %dma_wait3A_177, %dma_wait3A_178] : memref<2x800x64xf32, #tpu.memory_space<vmem>> -> memref<1x800x64xf32, #tpu.memory_space<vmem>>
        %dma_wait3A_180 = tpu.memref_squeeze %dma_wait3A_179 : memref<1x800x64xf32, #tpu.memory_space<vmem>> -> memref<800x64xf32, #tpu.memory_space<vmem>>
        %dma_wait3A_181 = arith.constant 0 : i32
        %dma_wait3A_182 = arith.constant 0 : i32
        %dma_wait3A_183 = tpu.memref_slice %arg2[%dma_wait3A_181, %dma_wait3A_182] : memref<1000000x64xf32, #tpu.memory_space<hbm>> -> memref<800x64xf32, #tpu.memory_space<hbm>>
        %dma_wait3A_184 = arith.constant 0 : i32
        %dma_wait3A_185 = arith.constant 0 : i32
        %dma_wait3A_186 = tpu.memref_slice %arg6[%dma_wait3A_176, %dma_wait3A_184, %dma_wait3A_185] : memref<2x800x64xf32, #tpu.memory_space<vmem>> -> memref<1x800x64xf32, #tpu.memory_space<vmem>>
        %dma_wait3A_187 = tpu.memref_squeeze %dma_wait3A_186 : memref<1x800x64xf32, #tpu.memory_space<vmem>> -> memref<800x64xf32, #tpu.memory_space<vmem>>
        %dma_wait3A_188 = arith.constant 0 : i32
        %dma_wait3A_189 = arith.constant 0 : i32
        %dma_wait3A_190 = tpu.memref_slice %arg2[%dma_wait3A_188, %dma_wait3A_189] : memref<1000000x64xf32, #tpu.memory_space<hbm>> -> memref<800x64xf32, #tpu.memory_space<hbm>>
        tpu.wait_dma2 semaphore(%arg11 : memref<!tpu.dma_semaphore, #tpu.memory_space<semaphore_mem>>) src(%dma_wait3A_190 : memref<800x64xf32, #tpu.memory_space<hbm>>) dst(%dma_wait3A_187 : memref<800x64xf32, #tpu.memory_space<vmem>>)
      } else {
      }
      %dma_wait3A_66 = arith.constant 0 : i32
      %dma_wait3A_67 = arith.constant 0 : i32
      %dma_wait3A_68 = tpu.memref_slice %arg5[%dma_wait3A_66, %dma_wait3A_67] : memref<2x800xi32, #tpu.memory_space<vmem>> -> memref<1x800xi32, #tpu.memory_space<vmem>>
      %dma_wait3A_69 = tpu.memref_squeeze %dma_wait3A_68 : memref<1x800xi32, #tpu.memory_space<vmem>> -> memref<800xi32, #tpu.memory_space<vmem>>
      %dma_wait3A_70 = arith.constant 0 : i32
      %dma_wait3A_71 = tpu.memref_slice %arg3[%dma_wait3A_70] : memref<204800xi32, #tpu.memory_space<hbm>> -> memref<800xi32, #tpu.memory_space<hbm>>
      %dma_wait3A_72 = arith.constant 0 : i32
      %dma_wait3A_73 = tpu.memref_slice %arg5[%dma_wait3A_66, %dma_wait3A_72] : memref<2x800xi32, #tpu.memory_space<vmem>> -> memref<1x800xi32, #tpu.memory_space<vmem>>
      %dma_wait3A_74 = tpu.memref_squeeze %dma_wait3A_73 : memref<1x800xi32, #tpu.memory_space<vmem>> -> memref<800xi32, #tpu.memory_space<vmem>>
      %dma_wait3A_75 = arith.constant 0 : i32
      %dma_wait3A_76 = tpu.memref_slice %arg3[%dma_wait3A_75] : memref<204800xi32, #tpu.memory_space<hbm>> -> memref<800xi32, #tpu.memory_space<hbm>>
      tpu.wait_dma2 semaphore(%arg7 : memref<!tpu.dma_semaphore, #tpu.memory_space<semaphore_mem>>) src(%dma_wait3A_76 : memref<800xi32, #tpu.memory_space<hbm>>) dst(%dma_wait3A_74 : memref<800xi32, #tpu.memory_space<vmem>>)
      %dma_start3A_77 = arith.constant 0 : i32
      %dma_start3A_78 = arith.constant 0 : i32
      %dma_start3A_79 = arith.constant 0 : i32
      %dma_start3A_80 = arith.constant 0 : i32
      %dma_start3A_81 = tpu.memref_slice %arg6[%dma_start3A_78, %dma_start3A_79, %dma_start3A_80] : memref<2x800x64xf32, #tpu.memory_space<vmem>> -> memref<1x800x64xf32, #tpu.memory_space<vmem>>
      %dma_start3A_82 = tpu.memref_squeeze %dma_start3A_81 : memref<1x800x64xf32, #tpu.memory_space<vmem>> -> memref<800x64xf32, #tpu.memory_space<vmem>>
      %dma_start3A_83 = arith.constant 0 : i32
      %dma_start3A_84 = tpu.memref_slice %arg5[%dma_start3A_77, %dma_start3A_83] : memref<2x800xi32, #tpu.memory_space<vmem>> -> memref<1x800xi32, #tpu.memory_space<vmem>>
      %dma_start3A_85 = tpu.memref_squeeze %dma_start3A_84 : memref<1x800xi32, #tpu.memory_space<vmem>> -> memref<800xi32, #tpu.memory_space<vmem>>
      %dma_start3A_86 = arith.constant 0 : i32
      %dma_start3A_87 = arith.constant 0 : i32
      %dma_start3A_88 = tpu.memref_slice %arg2[%dma_start3A_86, %dma_start3A_87] : memref<1000000x64xf32, #tpu.memory_space<hbm>> -> memref<1000000x64xf32, #tpu.memory_space<hbm>>
      tpu.enqueue_indirect_dma source(%dma_start3A_88 : memref<1000000x64xf32, #tpu.memory_space<hbm>>) target(%dma_start3A_82 : memref<800x64xf32, #tpu.memory_space<vmem>>) offsets(%dma_start3A_85 : memref<800xi32, #tpu.memory_space<vmem>>) semaphore(%arg9 : memref<!tpu.dma_semaphore, #tpu.memory_space<semaphore_mem>>)
      %dma_wait3A_89 = arith.constant 0 : i32
      %dma_wait3A_90 = arith.constant 0 : i32
      %dma_wait3A_91 = arith.constant 0 : i32
      %dma_wait3A_92 = tpu.memref_slice %arg6[%dma_wait3A_89, %dma_wait3A_90, %dma_wait3A_91] : memref<2x800x64xf32, #tpu.memory_space<vmem>> -> memref<1x800x64xf32, #tpu.memory_space<vmem>>
      %dma_wait3A_93 = tpu.memref_squeeze %dma_wait3A_92 : memref<1x800x64xf32, #tpu.memory_space<vmem>> -> memref<800x64xf32, #tpu.memory_space<vmem>>
      %dma_wait3A_94 = arith.constant 0 : i32
      %dma_wait3A_95 = arith.constant 0 : i32
      %dma_wait3A_96 = tpu.memref_slice %arg2[%dma_wait3A_94, %dma_wait3A_95] : memref<1000000x64xf32, #tpu.memory_space<hbm>> -> memref<800x64xf32, #tpu.memory_space<hbm>>
      %dma_wait3A_97 = arith.constant 0 : i32
      %dma_wait3A_98 = arith.constant 0 : i32
      %dma_wait3A_99 = tpu.memref_slice %arg6[%dma_wait3A_89, %dma_wait3A_97, %dma_wait3A_98] : memref<2x800x64xf32, #tpu.memory_space<vmem>> -> memref<1x800x64xf32, #tpu.memory_space<vmem>>
      %dma_wait3A_100 = tpu.memref_squeeze %dma_wait3A_99 : memref<1x800x64xf32, #tpu.memory_space<vmem>> -> memref<800x64xf32, #tpu.memory_space<vmem>>
      %dma_wait3A_101 = arith.constant 0 : i32
      %dma_wait3A_102 = arith.constant 0 : i32
      %dma_wait3A_103 = tpu.memref_slice %arg2[%dma_wait3A_101, %dma_wait3A_102] : memref<1000000x64xf32, #tpu.memory_space<hbm>> -> memref<800x64xf32, #tpu.memory_space<hbm>>
      tpu.wait_dma2 semaphore(%arg9 : memref<!tpu.dma_semaphore, #tpu.memory_space<semaphore_mem>>) src(%dma_wait3A_103 : memref<800x64xf32, #tpu.memory_space<hbm>>) dst(%dma_wait3A_100 : memref<800x64xf32, #tpu.memory_space<vmem>>)
      %mul3A_104 = arith.constant 16 : i32
      %mul3A_105 = arith.muli %add3A_63, %mul3A_104 : i32
      %add3A_106 = arith.addi %mul3A_2, %mul3A_105 : i32
      %scan3A_107 = arith.constant 0 : i32
      %scan3A_108 = arith.constant 16 : i32
      %scan3A_109 = arith.addi %scan3A_107, %scan3A_108 : i32
      %scan3A_110 = arith.constant 1 : i32
      scf.for %scan3A_176 = %scan3A_107 to %scan3A_109 step %scan3A_110  : i32 {
        %mul3A_177 = arith.constant 50 : i32
        %mul3A_178 = arith.muli %scan3A_176, %mul3A_177 : i32
        %add3A_179 = arith.addi %add3A_106, %scan3A_176 : i32
        %dma_start3A_180 = arith.constant 0 : i32
        %dma_start3A_181 = arith.constant 0 : i32
        %dma_start3A_182 = tpu.memref_slice %arg6[%dma_start3A_180, %mul3A_178, %dma_start3A_181] : memref<2x800x64xf32, #tpu.memory_space<vmem>> -> memref<1x50x64xf32, #tpu.memory_space<vmem>>
        %dma_start3A_183 = tpu.memref_squeeze %dma_start3A_182 : memref<1x50x64xf32, #tpu.memory_space<vmem>> -> memref<50x64xf32, #tpu.memory_space<vmem>>
        %dma_start3A_184 = arith.constant 0 : i32
        %dma_start3A_185 = arith.constant 0 : i32
        %dma_start3A_186 = tpu.memref_slice %arg4[%add3A_179, %dma_start3A_184, %dma_start3A_185] : memref<4096x50x64xf32, #tpu.memory_space<hbm>> -> memref<1x50x64xf32, #tpu.memory_space<hbm>>
        %dma_start3A_187 = tpu.memref_squeeze %dma_start3A_186 : memref<1x50x64xf32, #tpu.memory_space<hbm>> -> memref<50x64xf32, #tpu.memory_space<hbm>>
        %dma_start3A_188 = arith.constant 0 : i32
        %dma_start3A_189 = arith.constant 0 : i32
        %dma_start3A_190 = tpu.memref_slice %arg4[%add3A_179, %dma_start3A_188, %dma_start3A_189] : memref<4096x50x64xf32, #tpu.memory_space<hbm>> -> memref<1x50x64xf32, #tpu.memory_space<hbm>>
        %dma_start3A_191 = tpu.memref_squeeze %dma_start3A_190 : memref<1x50x64xf32, #tpu.memory_space<hbm>> -> memref<50x64xf32, #tpu.memory_space<hbm>>
        %dma_start3A_192 = arith.constant 0 : i32
        %dma_start3A_193 = tpu.memref_slice %arg6[%dma_start3A_180, %mul3A_178, %dma_start3A_192] : memref<2x800x64xf32, #tpu.memory_space<vmem>> -> memref<1x50x64xf32, #tpu.memory_space<vmem>>
        %dma_start3A_194 = tpu.memref_squeeze %dma_start3A_193 : memref<1x50x64xf32, #tpu.memory_space<vmem>> -> memref<50x64xf32, #tpu.memory_space<vmem>>
        tpu.enqueue_dma source(%dma_start3A_194 : memref<50x64xf32, #tpu.memory_space<vmem>>) target(%dma_start3A_191 : memref<50x64xf32, #tpu.memory_space<hbm>>) target_semaphore(%arg11 : memref<!tpu.dma_semaphore, #tpu.memory_space<semaphore_mem>>)
      }
      %scan3A_111 = arith.constant 16 : i32
      %lt3A = arith.constant 3 : i32
      %lt3A_112 = arith.cmpi slt, %scan3A_59, %lt3A : i32
      %convert_element_type3A_113 = arith.extui %lt3A_112 : i1 to i32
      %cond3A_114 = arith.constant 0 : i32
      %cond3A_115 = arith.cmpi ne, %convert_element_type3A_113, %cond3A_114 : i32
      scf.if %cond3A_115 {
        %add3A_176 = arith.constant 2 : i32
        %add3A_177 = arith.addi %add3A_63, %add3A_176 : i32
        %mul3A_178 = arith.constant 800 : i32
        %mul3A_179 = arith.muli %add3A_177, %mul3A_178 : i32
        %add3A_180 = arith.addi %mul3A_4, %mul3A_179 : i32
        %dma_start3A_181 = arith.constant 0 : i32
        %dma_start3A_182 = arith.constant 0 : i32
        %dma_start3A_183 = tpu.memref_slice %arg5[%dma_start3A_181, %dma_start3A_182] : memref<2x800xi32, #tpu.memory_space<vmem>> -> memref<1x800xi32, #tpu.memory_space<vmem>>
        %dma_start3A_184 = tpu.memref_squeeze %dma_start3A_183 : memref<1x800xi32, #tpu.memory_space<vmem>> -> memref<800xi32, #tpu.memory_space<vmem>>
        %dma_start3A_185 = tpu.memref_slice %arg3[%add3A_180] : memref<204800xi32, #tpu.memory_space<hbm>> -> memref<800xi32, #tpu.memory_space<hbm>>
        %dma_start3A_186 = arith.constant 0 : i32
        %dma_start3A_187 = tpu.memref_slice %arg5[%dma_start3A_181, %dma_start3A_186] : memref<2x800xi32, #tpu.memory_space<vmem>> -> memref<1x800xi32, #tpu.memory_space<vmem>>
        %dma_start3A_188 = tpu.memref_squeeze %dma_start3A_187 : memref<1x800xi32, #tpu.memory_space<vmem>> -> memref<800xi32, #tpu.memory_space<vmem>>
        %dma_start3A_189 = tpu.memref_slice %arg3[%add3A_180] : memref<204800xi32, #tpu.memory_space<hbm>> -> memref<800xi32, #tpu.memory_space<hbm>>
        tpu.enqueue_dma source(%dma_start3A_189 : memref<800xi32, #tpu.memory_space<hbm>>) target(%dma_start3A_188 : memref<800xi32, #tpu.memory_space<vmem>>) target_semaphore(%arg7 : memref<!tpu.dma_semaphore, #tpu.memory_space<semaphore_mem>>)
      } else {
      }
      %mul3A_116 = arith.constant 2 : i32
      %mul3A_117 = arith.muli %mul3A_116, %scan3A_59 : i32
      %add3A_118 = arith.constant 1 : i32
      %add3A_119 = arith.addi %mul3A_117, %add3A_118 : i32
      %gt3A_120 = arith.constant 0 : i32
      %gt3A_121 = arith.cmpi sgt, %scan3A_59, %gt3A_120 : i32
      %convert_element_type3A_122 = arith.extui %gt3A_121 : i1 to i32
      %cond3A_123 = arith.constant 0 : i32
      %cond3A_124 = arith.cmpi ne, %convert_element_type3A_122, %cond3A_123 : i32
      scf.if %cond3A_124 {
        %dma_wait3A_176 = arith.constant 1 : i32
        %dma_wait3A_177 = arith.constant 0 : i32
        %dma_wait3A_178 = arith.constant 0 : i32
        %dma_wait3A_179 = tpu.memref_slice %arg6[%dma_wait3A_176, %dma_wait3A_177, %dma_wait3A_178] : memref<2x800x64xf32, #tpu.memory_space<vmem>> -> memref<1x800x64xf32, #tpu.memory_space<vmem>>
        %dma_wait3A_180 = tpu.memref_squeeze %dma_wait3A_179 : memref<1x800x64xf32, #tpu.memory_space<vmem>> -> memref<800x64xf32, #tpu.memory_space<vmem>>
        %dma_wait3A_181 = arith.constant 0 : i32
        %dma_wait3A_182 = arith.constant 0 : i32
        %dma_wait3A_183 = tpu.memref_slice %arg2[%dma_wait3A_181, %dma_wait3A_182] : memref<1000000x64xf32, #tpu.memory_space<hbm>> -> memref<800x64xf32, #tpu.memory_space<hbm>>
        %dma_wait3A_184 = arith.constant 0 : i32
        %dma_wait3A_185 = arith.constant 0 : i32
        %dma_wait3A_186 = tpu.memref_slice %arg6[%dma_wait3A_176, %dma_wait3A_184, %dma_wait3A_185] : memref<2x800x64xf32, #tpu.memory_space<vmem>> -> memref<1x800x64xf32, #tpu.memory_space<vmem>>
        %dma_wait3A_187 = tpu.memref_squeeze %dma_wait3A_186 : memref<1x800x64xf32, #tpu.memory_space<vmem>> -> memref<800x64xf32, #tpu.memory_space<vmem>>
        %dma_wait3A_188 = arith.constant 0 : i32
        %dma_wait3A_189 = arith.constant 0 : i32
        %dma_wait3A_190 = tpu.memref_slice %arg2[%dma_wait3A_188, %dma_wait3A_189] : memref<1000000x64xf32, #tpu.memory_space<hbm>> -> memref<800x64xf32, #tpu.memory_space<hbm>>
        tpu.wait_dma2 semaphore(%arg12 : memref<!tpu.dma_semaphore, #tpu.memory_space<semaphore_mem>>) src(%dma_wait3A_190 : memref<800x64xf32, #tpu.memory_space<hbm>>) dst(%dma_wait3A_187 : memref<800x64xf32, #tpu.memory_space<vmem>>)
      } else {
      }
      %dma_wait3A_125 = arith.constant 1 : i32
      %dma_wait3A_126 = arith.constant 0 : i32
      %dma_wait3A_127 = tpu.memref_slice %arg5[%dma_wait3A_125, %dma_wait3A_126] : memref<2x800xi32, #tpu.memory_space<vmem>> -> memref<1x800xi32, #tpu.memory_space<vmem>>
      %dma_wait3A_128 = tpu.memref_squeeze %dma_wait3A_127 : memref<1x800xi32, #tpu.memory_space<vmem>> -> memref<800xi32, #tpu.memory_space<vmem>>
      %dma_wait3A_129 = arith.constant 0 : i32
      %dma_wait3A_130 = tpu.memref_slice %arg3[%dma_wait3A_129] : memref<204800xi32, #tpu.memory_space<hbm>> -> memref<800xi32, #tpu.memory_space<hbm>>
      %dma_wait3A_131 = arith.constant 0 : i32
      %dma_wait3A_132 = tpu.memref_slice %arg5[%dma_wait3A_125, %dma_wait3A_131] : memref<2x800xi32, #tpu.memory_space<vmem>> -> memref<1x800xi32, #tpu.memory_space<vmem>>
      %dma_wait3A_133 = tpu.memref_squeeze %dma_wait3A_132 : memref<1x800xi32, #tpu.memory_space<vmem>> -> memref<800xi32, #tpu.memory_space<vmem>>
      %dma_wait3A_134 = arith.constant 0 : i32
      %dma_wait3A_135 = tpu.memref_slice %arg3[%dma_wait3A_134] : memref<204800xi32, #tpu.memory_space<hbm>> -> memref<800xi32, #tpu.memory_space<hbm>>
      tpu.wait_dma2 semaphore(%arg8 : memref<!tpu.dma_semaphore, #tpu.memory_space<semaphore_mem>>) src(%dma_wait3A_135 : memref<800xi32, #tpu.memory_space<hbm>>) dst(%dma_wait3A_133 : memref<800xi32, #tpu.memory_space<vmem>>)
      %dma_start3A_136 = arith.constant 1 : i32
      %dma_start3A_137 = arith.constant 1 : i32
      %dma_start3A_138 = arith.constant 0 : i32
      %dma_start3A_139 = arith.constant 0 : i32
      %dma_start3A_140 = tpu.memref_slice %arg6[%dma_start3A_137, %dma_start3A_138, %dma_start3A_139] : memref<2x800x64xf32, #tpu.memory_space<vmem>> -> memref<1x800x64xf32, #tpu.memory_space<vmem>>
      %dma_start3A_141 = tpu.memref_squeeze %dma_start3A_140 : memref<1x800x64xf32, #tpu.memory_space<vmem>> -> memref<800x64xf32, #tpu.memory_space<vmem>>
      %dma_start3A_142 = arith.constant 0 : i32
      %dma_start3A_143 = tpu.memref_slice %arg5[%dma_start3A_136, %dma_start3A_142] : memref<2x800xi32, #tpu.memory_space<vmem>> -> memref<1x800xi32, #tpu.memory_space<vmem>>
      %dma_start3A_144 = tpu.memref_squeeze %dma_start3A_143 : memref<1x800xi32, #tpu.memory_space<vmem>> -> memref<800xi32, #tpu.memory_space<vmem>>
      %dma_start3A_145 = arith.constant 0 : i32
      %dma_start3A_146 = arith.constant 0 : i32
      %dma_start3A_147 = tpu.memref_slice %arg2[%dma_start3A_145, %dma_start3A_146] : memref<1000000x64xf32, #tpu.memory_space<hbm>> -> memref<1000000x64xf32, #tpu.memory_space<hbm>>
      tpu.enqueue_indirect_dma source(%dma_start3A_147 : memref<1000000x64xf32, #tpu.memory_space<hbm>>) target(%dma_start3A_141 : memref<800x64xf32, #tpu.memory_space<vmem>>) offsets(%dma_start3A_144 : memref<800xi32, #tpu.memory_space<vmem>>) semaphore(%arg10 : memref<!tpu.dma_semaphore, #tpu.memory_space<semaphore_mem>>)
      %dma_wait3A_148 = arith.constant 1 : i32
      %dma_wait3A_149 = arith.constant 0 : i32
      %dma_wait3A_150 = arith.constant 0 : i32
      %dma_wait3A_151 = tpu.memref_slice %arg6[%dma_wait3A_148, %dma_wait3A_149, %dma_wait3A_150] : memref<2x800x64xf32, #tpu.memory_space<vmem>> -> memref<1x800x64xf32, #tpu.memory_space<vmem>>
      %dma_wait3A_152 = tpu.memref_squeeze %dma_wait3A_151 : memref<1x800x64xf32, #tpu.memory_space<vmem>> -> memref<800x64xf32, #tpu.memory_space<vmem>>
      %dma_wait3A_153 = arith.constant 0 : i32
      %dma_wait3A_154 = arith.constant 0 : i32
      %dma_wait3A_155 = tpu.memref_slice %arg2[%dma_wait3A_153, %dma_wait3A_154] : memref<1000000x64xf32, #tpu.memory_space<hbm>> -> memref<800x64xf32, #tpu.memory_space<hbm>>
      %dma_wait3A_156 = arith.constant 0 : i32
      %dma_wait3A_157 = arith.constant 0 : i32
      %dma_wait3A_158 = tpu.memref_slice %arg6[%dma_wait3A_148, %dma_wait3A_156, %dma_wait3A_157] : memref<2x800x64xf32, #tpu.memory_space<vmem>> -> memref<1x800x64xf32, #tpu.memory_space<vmem>>
      %dma_wait3A_159 = tpu.memref_squeeze %dma_wait3A_158 : memref<1x800x64xf32, #tpu.memory_space<vmem>> -> memref<800x64xf32, #tpu.memory_space<vmem>>
      %dma_wait3A_160 = arith.constant 0 : i32
      %dma_wait3A_161 = arith.constant 0 : i32
      %dma_wait3A_162 = tpu.memref_slice %arg2[%dma_wait3A_160, %dma_wait3A_161] : memref<1000000x64xf32, #tpu.memory_space<hbm>> -> memref<800x64xf32, #tpu.memory_space<hbm>>
      tpu.wait_dma2 semaphore(%arg10 : memref<!tpu.dma_semaphore, #tpu.memory_space<semaphore_mem>>) src(%dma_wait3A_162 : memref<800x64xf32, #tpu.memory_space<hbm>>) dst(%dma_wait3A_159 : memref<800x64xf32, #tpu.memory_space<vmem>>)
      %mul3A_163 = arith.constant 16 : i32
      %mul3A_164 = arith.muli %add3A_119, %mul3A_163 : i32
      %add3A_165 = arith.addi %mul3A_2, %mul3A_164 : i32
      %scan3A_166 = arith.constant 0 : i32
      %scan3A_167 = arith.constant 16 : i32
      %scan3A_168 = arith.addi %scan3A_166, %scan3A_167 : i32
      %scan3A_169 = arith.constant 1 : i32
      scf.for %scan3A_176 = %scan3A_166 to %scan3A_168 step %scan3A_169  : i32 {
        %mul3A_177 = arith.constant 50 : i32
        %mul3A_178 = arith.muli %scan3A_176, %mul3A_177 : i32
        %add3A_179 = arith.addi %add3A_165, %scan3A_176 : i32
        %dma_start3A_180 = arith.constant 1 : i32
        %dma_start3A_181 = arith.constant 0 : i32
        %dma_start3A_182 = tpu.memref_slice %arg6[%dma_start3A_180, %mul3A_178, %dma_start3A_181] : memref<2x800x64xf32, #tpu.memory_space<vmem>> -> memref<1x50x64xf32, #tpu.memory_space<vmem>>
        %dma_start3A_183 = tpu.memref_squeeze %dma_start3A_182 : memref<1x50x64xf32, #tpu.memory_space<vmem>> -> memref<50x64xf32, #tpu.memory_space<vmem>>
        %dma_start3A_184 = arith.constant 0 : i32
        %dma_start3A_185 = arith.constant 0 : i32
        %dma_start3A_186 = tpu.memref_slice %arg4[%add3A_179, %dma_start3A_184, %dma_start3A_185] : memref<4096x50x64xf32, #tpu.memory_space<hbm>> -> memref<1x50x64xf32, #tpu.memory_space<hbm>>
        %dma_start3A_187 = tpu.memref_squeeze %dma_start3A_186 : memref<1x50x64xf32, #tpu.memory_space<hbm>> -> memref<50x64xf32, #tpu.memory_space<hbm>>
        %dma_start3A_188 = arith.constant 0 : i32
        %dma_start3A_189 = arith.constant 0 : i32
        %dma_start3A_190 = tpu.memref_slice %arg4[%add3A_179, %dma_start3A_188, %dma_start3A_189] : memref<4096x50x64xf32, #tpu.memory_space<hbm>> -> memref<1x50x64xf32, #tpu.memory_space<hbm>>
        %dma_start3A_191 = tpu.memref_squeeze %dma_start3A_190 : memref<1x50x64xf32, #tpu.memory_space<hbm>> -> memref<50x64xf32, #tpu.memory_space<hbm>>
        %dma_start3A_192 = arith.constant 0 : i32
        %dma_start3A_193 = tpu.memref_slice %arg6[%dma_start3A_180, %mul3A_178, %dma_start3A_192] : memref<2x800x64xf32, #tpu.memory_space<vmem>> -> memref<1x50x64xf32, #tpu.memory_space<vmem>>
        %dma_start3A_194 = tpu.memref_squeeze %dma_start3A_193 : memref<1x50x64xf32, #tpu.memory_space<vmem>> -> memref<50x64xf32, #tpu.memory_space<vmem>>
        tpu.enqueue_dma source(%dma_start3A_194 : memref<50x64xf32, #tpu.memory_space<vmem>>) target(%dma_start3A_191 : memref<50x64xf32, #tpu.memory_space<hbm>>) target_semaphore(%arg12 : memref<!tpu.dma_semaphore, #tpu.memory_space<semaphore_mem>>)
      }
      %scan3A_170 = arith.constant 16 : i32
      %lt3A_171 = arith.constant 3 : i32
      %lt3A_172 = arith.cmpi slt, %scan3A_59, %lt3A_171 : i32
      %convert_element_type3A_173 = arith.extui %lt3A_172 : i1 to i32
      %cond3A_174 = arith.constant 0 : i32
      %cond3A_175 = arith.cmpi ne, %convert_element_type3A_173, %cond3A_174 : i32
      scf.if %cond3A_175 {
        %add3A_176 = arith.constant 2 : i32
        %add3A_177 = arith.addi %add3A_119, %add3A_176 : i32
        %mul3A_178 = arith.constant 800 : i32
        %mul3A_179 = arith.muli %add3A_177, %mul3A_178 : i32
        %add3A_180 = arith.addi %mul3A_4, %mul3A_179 : i32
        %dma_start3A_181 = arith.constant 1 : i32
        %dma_start3A_182 = arith.constant 0 : i32
        %dma_start3A_183 = tpu.memref_slice %arg5[%dma_start3A_181, %dma_start3A_182] : memref<2x800xi32, #tpu.memory_space<vmem>> -> memref<1x800xi32, #tpu.memory_space<vmem>>
        %dma_start3A_184 = tpu.memref_squeeze %dma_start3A_183 : memref<1x800xi32, #tpu.memory_space<vmem>> -> memref<800xi32, #tpu.memory_space<vmem>>
        %dma_start3A_185 = tpu.memref_slice %arg3[%add3A_180] : memref<204800xi32, #tpu.memory_space<hbm>> -> memref<800xi32, #tpu.memory_space<hbm>>
        %dma_start3A_186 = arith.constant 0 : i32
        %dma_start3A_187 = tpu.memref_slice %arg5[%dma_start3A_181, %dma_start3A_186] : memref<2x800xi32, #tpu.memory_space<vmem>> -> memref<1x800xi32, #tpu.memory_space<vmem>>
        %dma_start3A_188 = tpu.memref_squeeze %dma_start3A_187 : memref<1x800xi32, #tpu.memory_space<vmem>> -> memref<800xi32, #tpu.memory_space<vmem>>
        %dma_start3A_189 = tpu.memref_slice %arg3[%add3A_180] : memref<204800xi32, #tpu.memory_space<hbm>> -> memref<800xi32, #tpu.memory_space<hbm>>
        tpu.enqueue_dma source(%dma_start3A_189 : memref<800xi32, #tpu.memory_space<hbm>>) target(%dma_start3A_188 : memref<800xi32, #tpu.memory_space<vmem>>) target_semaphore(%arg8 : memref<!tpu.dma_semaphore, #tpu.memory_space<semaphore_mem>>)
      } else {
      }
    }
    %scan3A_29 = arith.constant 4 : i32
    %dma_wait3A = arith.constant 0 : i32
    %dma_wait3A_30 = arith.constant 0 : i32
    %dma_wait3A_31 = arith.constant 0 : i32
    %dma_wait3A_32 = tpu.memref_slice %arg6[%dma_wait3A, %dma_wait3A_30, %dma_wait3A_31] : memref<2x800x64xf32, #tpu.memory_space<vmem>> -> memref<1x800x64xf32, #tpu.memory_space<vmem>>
    %dma_wait3A_33 = tpu.memref_squeeze %dma_wait3A_32 : memref<1x800x64xf32, #tpu.memory_space<vmem>> -> memref<800x64xf32, #tpu.memory_space<vmem>>
    %dma_wait3A_34 = arith.constant 0 : i32
    %dma_wait3A_35 = arith.constant 0 : i32
    %dma_wait3A_36 = tpu.memref_slice %arg2[%dma_wait3A_34, %dma_wait3A_35] : memref<1000000x64xf32, #tpu.memory_space<hbm>> -> memref<800x64xf32, #tpu.memory_space<hbm>>
    %dma_wait3A_37 = arith.constant 0 : i32
    %dma_wait3A_38 = arith.constant 0 : i32
    %dma_wait3A_39 = tpu.memref_slice %arg6[%dma_wait3A, %dma_wait3A_37, %dma_wait3A_38] : memref<2x800x64xf32, #tpu.memory_space<vmem>> -> memref<1x800x64xf32, #tpu.memory_space<vmem>>
    %dma_wait3A_40 = tpu.memref_squeeze %dma_wait3A_39 : memref<1x800x64xf32, #tpu.memory_space<vmem>> -> memref<800x64xf32, #tpu.memory_space<vmem>>
    %dma_wait3A_41 = arith.constant 0 : i32
    %dma_wait3A_42 = arith.constant 0 : i32
    %dma_wait3A_43 = tpu.memref_slice %arg2[%dma_wait3A_41, %dma_wait3A_42] : memref<1000000x64xf32, #tpu.memory_space<hbm>> -> memref<800x64xf32, #tpu.memory_space<hbm>>
    tpu.wait_dma2 semaphore(%arg11 : memref<!tpu.dma_semaphore, #tpu.memory_space<semaphore_mem>>) src(%dma_wait3A_43 : memref<800x64xf32, #tpu.memory_space<hbm>>) dst(%dma_wait3A_40 : memref<800x64xf32, #tpu.memory_space<vmem>>)
    %dma_wait3A_44 = arith.constant 1 : i32
    %dma_wait3A_45 = arith.constant 0 : i32
    %dma_wait3A_46 = arith.constant 0 : i32
    %dma_wait3A_47 = tpu.memref_slice %arg6[%dma_wait3A_44, %dma_wait3A_45, %dma_wait3A_46] : memref<2x800x64xf32, #tpu.memory_space<vmem>> -> memref<1x800x64xf32, #tpu.memory_space<vmem>>
    %dma_wait3A_48 = tpu.memref_squeeze %dma_wait3A_47 : memref<1x800x64xf32, #tpu.memory_space<vmem>> -> memref<800x64xf32, #tpu.memory_space<vmem>>
    %dma_wait3A_49 = arith.constant 0 : i32
    %dma_wait3A_50 = arith.constant 0 : i32
    %dma_wait3A_51 = tpu.memref_slice %arg2[%dma_wait3A_49, %dma_wait3A_50] : memref<1000000x64xf32, #tpu.memory_space<hbm>> -> memref<800x64xf32, #tpu.memory_space<hbm>>
    %dma_wait3A_52 = arith.constant 0 : i32
    %dma_wait3A_53 = arith.constant 0 : i32
    %dma_wait3A_54 = tpu.memref_slice %arg6[%dma_wait3A_44, %dma_wait3A_52, %dma_wait3A_53] : memref<2x800x64xf32, #tpu.memory_space<vmem>> -> memref<1x800x64xf32, #tpu.memory_space<vmem>>
    %dma_wait3A_55 = tpu.memref_squeeze %dma_wait3A_54 : memref<1x800x64xf32, #tpu.memory_space<vmem>> -> memref<800x64xf32, #tpu.memory_space<vmem>>
    %dma_wait3A_56 = arith.constant 0 : i32
    %dma_wait3A_57 = arith.constant 0 : i32
    %dma_wait3A_58 = tpu.memref_slice %arg2[%dma_wait3A_56, %dma_wait3A_57] : memref<1000000x64xf32, #tpu.memory_space<hbm>> -> memref<800x64xf32, #tpu.memory_space<hbm>>
    tpu.wait_dma2 semaphore(%arg12 : memref<!tpu.dma_semaphore, #tpu.memory_space<semaphore_mem>>) src(%dma_wait3A_58 : memref<800x64xf32, #tpu.memory_space<hbm>>) dst(%dma_wait3A_55 : memref<800x64xf32, #tpu.memory_space<vmem>>)
    return
  }
}

</mosaic_0001>

<sc_bundles>
// kernel: kernel.12.cloned.1.call-start
scs
__scs_entry_jumppad:
0x0: {  	(pc) =	sbr.rel $0x88, $3  }
0x1: {  	(tag) =	ssettag $0x0;
	lr =	simm.s32 $0x1  }
0x2: {  	[smem:$0x3F9F] =	sst lr;
	_ =	strace $0xD0000000  }
0x3: {  	_ = 	snop  }
0x4: {  	_ = 	snop  }
0x5: {  	_ = 	snop  }
0x6: {  	_ = 	snop  }
0x7: {  	_ = 	snop  }
__scs_overlays_trampoline_lowered:
0x8: {  	[smem:$0x3FAE] =	sst s0  }
0x9: {  	[smem:$0x3FAF] =	sst s1  }
0xa: {  	[smem:$0x3FB0] =	sst s2  }
0xb: {  	[smem:$0x3FB1] =	sst s3  }
0xc: {  	[smem:$0x3FB2] =	sst s4  }
0xd: {  	[smem:$0x3FB3] =	sst s5  }
0xe: {  	[smem:$0x3FB4] =	sst s6  }
0xf: {  	[smem:$0x3FB5] =	sst s7  }
0x10: {  	[smem:$0x3FB6] =	sst s8  }
0x11: {  	[smem:$0x3FB7] =	sst s9;
	s0 =	simm.s32 @!p0 $0x0  }
0x12: {  	s1 =	sld [smem:$0x3F9D];
	s0 =	simm.s32 @p0 $0x1  }
0x13: {  	[smem:$0x3FB8] =	sst s0;
	s0 =	simm.s32 @!p1 $0x0  }
0x14: {  	s2 =	sld [smem:$0x3F9C];
	s0 =	simm.s32 @p1 $0x1  }
0x15: {  	[smem:$0x3FB9] =	sst s0;
	s0 =	simm.s32 @!p2 $0x0  }
0x16: {  	s3 =	sld [smem:$0x3FDB];
	s0 =	simm.s32 @p2 $0x1  }
0x17: {  	s4 =	simm.s32 $0x1BF5;
	[smem:$0x3FBB] =	sst s0  }
0x18: {  	s0 =	sld [smem:$0x3F9E];
	_ =	swait.ge [sflag:s4], $0x0  }
0x19: {  	s7 =	sld [smem:$0x3F9F]  }
0x1a: {  	s8 =	sadd.s32 $0xFFFFE003, lr  }
0x1b: {  	s9 =	sadd.s32 $0xFFFFFEF7, lr;
	s5 =	simm.s32 $0xFFFFFFFF;
	p2 =	slt.u32 s8, $0xFFFFF086  }
0x1c: {  	p1 =	slt.u32 s9, $0xF7A;
	s5 =	simm.s32 @!p2 $0x0  }
0x1d: {  	s5 =	simm.s32 @p1 $0x1;
	p0 =	seq.s32 s7, s2  }
0x1e: {  	s7 =	smul.u32 @!p0 $0xF7A, s2;
	p2 =	seq.s32 @!p0 s5, $0x0  }
0x1f: {  	s9 =	smul.u32 $0xF7A, s1;
	s8 =	simm.s32 @!p0 $0x1BF5;
	p2 =	por !p2, p0  }
0x20: {  	[sflag:s8] =	ssyncset.s32 @!p0 $0xFFFFF086;
	s6 =	sadd.s32 @!p0 s3, s7;
	s7 =	simm.s32 @!p0 $0x108  }
0x21: {  	s3 =	sadd.s32 s3, s9;
	s6 =	sadd.s32 @!p0 $0x88, s6;
	s7 =	simm.s32 @p2 $0x1082  }
0x22: {  	[simem:s7], [sflag:s8] =	dma.local @!p0 [hbm:s6], $0xF7A  }
0x23: {  	s9 =	sor.u32 $0xD0000000, s2;
	s6 =	simm.s32 $0x108;
	_ =	swait.ge @!p0 [sflag:s8], $0x0  }
0x24: {  	s3 =	sadd.s32 $0x88, s3;
	s6 =	simm.s32 @!p1 $0x1082;
	[sflag:s4] =	ssyncset.s32 $0xFFFFF086  }
0x25: {  	[simem:s6], [sflag:s4] =	dma.local [hbm:s3], $0xF7A  }
0x26: {  	[smem:$0x3F9F] =	sst s1;
	(tag) =	ssettag s2;
	_ =	strace s9  }
0x27: {  	s1 =	sld [smem:$0x3FAF]  }
0x28: {  	s2 =	sld [smem:$0x3FB0]  }
0x29: {  	s4 =	sld [smem:$0x3FB2]  }
0x2a: {  	p0 =	seq.s32 s5, $0x0;
	s5 =	sld [smem:$0x3FB3]  }
0x2b: {  	s6 =	sld [smem:$0x3FB4]  }
0x2c: {  	s7 =	sld [smem:$0x3FB5]  }
0x2d: {  	s3 =	simm.s32 $0x108;
	s8 =	sld [smem:$0x3FB6]  }
0x2e: {  	s3 =	simm.s32 @!p0 $0x1082;
	s9 =	sld [smem:$0x3FB7]  }
0x2f: {  	lr =	sadd.s32 s0, s3;
	s0 =	sld [smem:$0x3FAE]  }
0x30: {  	s3 =	sld [smem:$0x3FB1]  }
0x31: {  	[smem:$0x3FBA] =	sst s10  }
0x32: {  	s10 =	sld [smem:$0x3FB8];
	_ =	sdelay $0x3  }
0x33: {  	p0 =	seq.s32 s10, $0x1;
	s10 =	sld [smem:$0x3FBA];
	_ =	sdelay $0x3  }
0x34: {  	[smem:$0x3FBA] =	sst s10  }
0x35: {  	s10 =	sld [smem:$0x3FB9];
	_ =	sdelay $0x3  }
0x36: {  	p1 =	seq.s32 s10, $0x1;
	s10 =	sld [smem:$0x3FBA];
	_ =	sdelay $0x3  }
0x37: {  	[smem:$0x3FBA] =	sst s10  }
0x38: {  	s10 =	sld [smem:$0x3FBB]  }
0x39: {  	_ = 	snop;
	(pc) =	sbr.ind lr, $3  }
0x3a: {  	_ = 	snop  }
0x3b: {  	_ = 	snop  }
0x3c: {  	p2 =	seq.s32 s10, $0x1;
	s10 =	sld [smem:$0x3FBA]  }
0x3d: {  	_ =	shalt  }
0x3e: {  	_ =	shalt  }
0x3f: {  	_ =	shalt  }
0x40: {  	_ =	shalt  }
0x41: {  	_ =	shalt  }
0x42: {  	_ =	shalt  }
0x43: {  	_ =	shalt  }
0x44: {  	_ =	shalt  }
0x45: {  	_ =	shalt  }
0x46: {  	_ =	shalt  }
0x47: {  	_ =	shalt  }
0x48: {  	_ =	shalt  }
0x49: {  	_ =	shalt  }
0x4a: {  	_ =	shalt  }
0x4b: {  	_ =	shalt  }
0x4c: {  	_ =	shalt  }
0x4d: {  	_ =	shalt  }
0x4e: {  	_ =	shalt  }
0x4f: {  	_ =	shalt  }
0x50: {  	_ =	shalt  }
0x51: {  	_ =	shalt  }
0x52: {  	_ =	shalt  }
0x53: {  	_ =	shalt  }
0x54: {  	_ =	shalt  }
0x55: {  	_ =	shalt  }
0x56: {  	_ =	shalt  }
0x57: {  	_ =	shalt  }
0x58: {  	_ =	shalt  }
0x59: {  	_ =	shalt  }
0x5a: {  	_ =	shalt  }
0x5b: {  	_ =	shalt  }
0x5c: {  	_ =	shalt  }
0x5d: {  	_ =	shalt  }
0x5e: {  	_ =	shalt  }
0x5f: {  	_ =	shalt  }
0x60: {  	_ =	shalt  }
0x61: {  	_ =	shalt  }
0x62: {  	_ =	shalt  }
0x63: {  	_ =	shalt  }
0x64: {  	_ =	shalt  }
0x65: {  	_ =	shalt  }
0x66: {  	_ =	shalt  }
0x67: {  	_ =	shalt  }
0x68: {  	_ =	shalt  }
0x69: {  	_ =	shalt  }
0x6a: {  	_ =	shalt  }
0x6b: {  	_ =	shalt  }
0x6c: {  	_ =	shalt  }
0x6d: {  	_ =	shalt  }
0x6e: {  	_ =	shalt  }
0x6f: {  	_ =	shalt  }
0x70: {  	_ =	shalt  }
0x71: {  	_ =	shalt  }
0x72: {  	_ =	shalt  }
0x73: {  	_ =	shalt  }
0x74: {  	_ =	shalt  }
0x75: {  	_ =	shalt  }
0x76: {  	_ =	shalt  }
0x77: {  	_ =	shalt  }
0x78: {  	_ =	shalt  }
0x79: {  	_ =	shalt  }
0x7a: {  	_ =	shalt  }
0x7b: {  	_ =	shalt  }
0x7c: {  	_ =	shalt  }
0x7d: {  	_ =	shalt  }
0x7e: {  	_ =	shalt  }
0x7f: {  	_ =	shalt  }
0x80: {  	_ =	shalt  }
0x81: {  	_ =	shalt  }
0x82: {  	_ =	shalt  }
0x83: {  	_ =	shalt  }
0x84: {  	_ =	shalt  }
0x85: {  	_ =	shalt  }
0x86: {  	_ =	shalt  }
0x87: {  	_ =	shalt  }
.Lfunc_end0:
.L_simem_size_0:
called_computation.6_lowered:
.L_overlay_start_0:
0x88: {  	s2 =	sld [smem:$0x3FD9]  }
0x89: {  	s3 =	sld [smem:$0x3FFE];
	_ =	sdelay $0x1  }
0x8a: {  	s1 =	srdreg.scid  }
0x8b: {  	s0 =	sand.u32 $0x1, s1  }
0x8c: {  	s17 =	sshll.u32 s0, $0xA;
	s2 =	sadd.s32 s3, s2  }
0x8d: {  	s2 =	sadd.s32 s2, s17  }
0x8e: {  	[smem:$0x3FC6] =	sst s2  }
0x8f: {  	_ = 	snop  }
0x90: {  	s18 =	sld [smem:$0x3FD0];
	(tm) =	ssettm $0x1  }
0x91: {  	s19 =	sld [smem:$0x3FFB];
	_ =	sdelay $0x3  }
0x92: {  	_ =	strace s19  }
0x93: {  	s2 =	sld [smem:$0x3FFC];
	_ =	sdelay $0x3  }
0x94: {  	_ =	strace s2  }
0x95: {  	s2 =	sld [smem:$0x3FFD];
	_ =	sdelay $0x3  }
0x96: {  	_ =	strace s2  }
0x97: {  	_ =	strace $0x8FFFFFFF  }
0x98: {  	s20 =	sld [smem:$0x3FDB];
	_ =	sdelay $0x1  }
0x99: {  	s4 =	simm.s32 $_scs_section_size  }
0x9a: {  	s5 =	simm.s32 $_size__tile_overlayer_lowered;
	s6 =	simm.s32 $_tile_overlayer_lowered  }
0x9b: {  	s7 =	simm.s32 $0x1BFF;
	s21 =	sshll.u32 s6, $0x1;
	s4 =	sadd.s32 s4, s20  }
0x9c: {  	s22 =	simm.s32 $0x0;
	s5 =	sshll.u32 s5, $0x1;
	s6 =	sadd.s32 s21, s4  }
0x9d: {  	[timem:s22], [sflag:s7] =	dma.local [hbm:s6], s5  }
0x9e: {  	_ =	swait.ge [sflag:s7], s5  }
0x9f: {  	s5 =	ssub.s32 $0x0, s5;
	[sflag:s7] =	ssyncset.done $0x0  }
0xa0: {  	[sflag:s7] =	ssyncadd.s32 s5;
	_ =	sdelay $0x1  }
0xa1: {  	s23 =	simm.s32 $0x1B8B  }
0xa2: {  	_ =	swait.ge [sflag:s23], $0x1  }
0xa3: {  	[sflag:s23] =	ssyncset.done $0x0  }
0xa4: {  	[sflag:s23] =	ssyncadd.s32 $0xFFFFFFFF  }
0xa5: {  	s5 =	sld [smem:$0x0]  }
0xa6: {  	s6 =	sand.u32 $0xFFFFFFFE, s1  }
0xa7: {  	p0 =	sne.s32 s1, s6  }
0xa8: {  	s6 =	sshll.u32 @p0 s6, $0xE  }
0xa9: {  	s6 =	sadd.s32 @p0 $0x11B8D, s6;
	s7 =	sshll.u32 @p0 s5, $0x11  }
0xaa: {  	s6 =	sor.u32 @p0 s7, s6  }
0xab: {  	[sflag:s6] =	ssyncadd.remote.s32 @p0 $0x1;
	_ =	sdelay $0x1  }
0xac: {  	s6 =	simm.s32 @p0 $0x1B8D  }
0xad: {  	_ =	swait.eq @p0 [sflag:s6], $0x1  }
0xae: {  	[sflag:s6] =	ssyncadd.s32 @p0 $0xFFFFFFFF  }
0xaf: {  	s7 =	sshll.u32 @!p0 s1, $0xE  }
0xb0: {  	s7 =	sor.u32 @!p0 $0x4000, s7;
	s6 =	simm.s32 @!p0 $0x1B8D  }
0xb1: {  	s5 =	sshll.u32 @!p0 s5, $0x11;
	s7 =	sadd.s32 @!p0 $0x11B8D, s7;
	_ =	swait.eq @!p0 [sflag:s6], $0x1  }
0xb2: {  	s5 =	sor.u32 @!p0 s5, s7;
	[sflag:s6] =	ssyncadd.s32 @!p0 $0xFFFFFFFF  }
0xb3: {  	s25 =	simm.s32 $0x1B8E;
	s24 =	sld [smem:$0x3FFE];
	[sflag:s5] =	ssyncadd.remote.s32 @!p0 $0x1  }
0xb4: {  	s26 =	simm.s32 $execute0_lowered;
	[smem:$0x3FD2] =	sst s25  }
0xb5: {  	s6 =	sshll.u32 s26, $0x1;
	_ =	strace $0x80000049;
	[dreg:$0x1] =	wrdreg $0xFFFFFFFF  }
0xb6: {  	s28 =	simm.s32 $_size_execute0_lowered;
	s4 =	sadd.s32 s4, s6;
	[dreg:$0x0] =	wrdreg $0x0  }
0xb7: {  	s6 =	sshll.u32 s28, $0x1;
	[dreg:$0x2] =	wrdreg s4  }
0xb8: {  	[dreg:$0x3] =	wrdreg s6  }
0xb9: {  	[dreg:$0x4] =	wrdreg $0xC0  }
0xba: {  	_ =	task [dreg:s22], $0x5FFFF  }
0xbb: {  	[dreg:$0x1] =	wrdreg $0xFFFFFFFF  }
0xbc: {  	[dreg:$0x0] =	wrdreg $0x60  }
0xbd: {  	[dreg:$0x2] =	wrdreg s24  }
0xbe: {  	[dreg:$0x3] =	wrdreg s18  }
0xbf: {  	[dreg:$0x4] =	wrdreg $0xB  }
0xc0: {  	_ =	task.clear_ibuf [dreg:s22], $0x5FFFF;
	_ =	strace $0x90000049  }
0xc1: {  	s29 =	simm.s32 $0xB;
	_ =	strace $0x8000004B  }
0xc2: {  	_ =	swait.ge [sflag:s29], $0x1  }
0xc3: {  	[sflag:s29] =	ssyncadd.s32 $0xFFFFFFFF  }
0xc4: {  	_ =	strace $0x9000004B  }
0xc5: {  	_ =	sfence  }
0xc6: {  	s30 =	sld [smem:$0x0];
	_ =	sdelay $0x2  }
0xc7: {  	s31 =	sshll.u32 s1, $0xD;
	s1 =	sshrl.u32 s1, $0x2  }
0xc8: {  	s4 =	sand.u32 $0x4000, s31;
	s1 =	sadd.s32 s1, s30  }
0xc9: {  	s0 =	sor.u32 s4, s0;
	s1 =	sshll.u32 s1, $0x11  }
0xca: {  	s0 =	sor.u32 s1, s0  }
0xcb: {  	s0 =	sadd.s32 $0x8F2B, s0  }
0xcc: {  	[sflag:s0] =	ssyncadd.remote.s32 $0x1  }
0xcd: {  	_ =	sfence.sel $0xFFFF  }
0xce: {  	[dreg:$0x0] =	wrdreg $0xFFFFFFFF;
	(pc) =	sbr.abs _section_cstart, $3  }
0xcf: {  	[dreg:$0x1] =	wrdreg $0xFFFFFFFF  }
0xd0: {  	_ =	task.clear_ibuf [dreg:s22], $0x2FFFF;
	_ =	strace $0x9FFFFFFF  }
0xd1: {  	(tm) =	ssettm $0x7FFFFFFF  }
tec
execute0_lowered:
.L_overlay_start_1:
0x0: {  	(tag) =	ssettag $0x1  }
0x1: {  	s0 =	rddreg [dreg:$0x0]  }
0x2: {  	s1 =	srdreg.scid;
	s10 =	stileid.u32  }
0x3: {  	s11 =	rddreg [dreg:$0x1];
	s3 =	simm.s32 $0x0;
	s28 =	simm.s32 $0x320  }
0x4: {  	s29 =	simm.s32 $0x1;
	s30 =	simm.s32 $0x640;
	s31 =	simm.s32 $0x3  }
0x5: {  	s1 =	sand.u32 $0x1, s1;
	s2 =	sshll.u32 s10, $0x1;
	[smem:$0x7FF] =	sst s3  }
0x6: {  	s4 =	sadd.s32 $0x8C00, s0;
	s5 =	sadd.s32 $0xF44C00, s0;
	s12 =	sadd.s32 $0x320, s11  }
0x7: {  	s13 =	sadd.s32 $0x4B0, s11;
	s14 =	sadd.s32 $0x640, s11;
	s15 =	sadd.s32 $0x7D0, s11  }
0x8: {  	s16 =	sadd.s32 $0x960, s11;
	s17 =	sadd.s32 $0xAF0, s11;
	s26 =	smul.u32 $0x19000, s10  }
0x9: {  	s18 =	sadd.s32 $0xC80, s11;
	s19 =	sadd.s32 $0xE10, s11;
	s20 =	sadd.s32 $0xFA0, s11  }
0xa: {  	s21 =	sadd.s32 $0x1130, s11;
	s2 =	sor.u32 s1, s2;
	s7 =	ssub.s32 $0x2, s1  }
0xb: {  	_ =	strace $0x8000004A;
	s1 =	smul.u32 $0xC800, s1;
	s8 =	sshrl.u32 s7, $0x1  }
0xc: {  	s6 =	smul.u32 $0x1900, s2;
	s2 =	sshll.u32 s2, $0x7;
	s22 =	ssub.s32 s7, s8  }
0xd: {  	[dreg:$0x4] =	wrdreg s2;
	s8 =	simm.s32 $0x4;
	s2 =	simm.s32 $0x0  }
0xe: {  	s9 =	sshrl.u32 s6, $0x3;
	s25 =	sadd.s32 $0x960, s6;
	s0 =	smax.u32 s22, $0x1  }
0xf: {  	s22 =	sadd.s32 $0x12C0, s11;
	s23 =	sadd.s32 s4, s9;
	[dreg:$0x6] =	wrdreg s25  }
.Ltmp0:
0x10: {  	s9 =	sadd.s32 $0x640, s6;
	[dreg:$0x7] =	wrdreg s0;
	(pc) =	sbr.rel .LBB2_1-.Ltmp0, $4  }
0x11: {  	s0 =	sadd.s32 s26, s11;
	s26 =	sadd.s32 $0x1770, s11;
	[dreg:$0x3] =	wrdreg s23  }
0x12: {  	s24 =	sadd.s32 $0x64, s23;
	s23 =	sadd.s32 $0x1450, s11;
	s0 =	sadd.s32 s1, s0  }
0x13: {  	[dreg:$0x5] =	wrdreg s24;
	s24 =	sadd.s32 $0x15E0, s11;
	s0 =	sadd.s32 $0x1900, s0  }
0x14: {  	s11 =	simm.s32 $0x6;
	[dreg:$0x8] =	wrdreg s0;
	s0 =	simm.s32 $0x2  }
.LBB2_6:
0x15: {  	s1 =	simm.s32 $0x5  }
0x16: {  	_ =	swait.ge [sflag:s1], $0xC800  }
0x17: {  	[sflag:s1] =	ssyncset.done $0x0  }
0x18: {  	[sflag:s1] =	ssyncadd.s32 $0xFFFF3800  }
0x19: {  	_ =	swait.ge [sflag:s11], $0xC800  }
0x1a: {  	s2 =	rddreg [dreg:$0x9]  }
0x1b: {  	s25 =	rddreg [dreg:$0x7];
	s2 =	sadd.s32 $0x1, s2  }
0x1c: {  	p0 =	sne.s32 s2, s25  }
.Ltmp1:
0x1d: {  	_ = 	snop;
	(pc) =	sbr.rel @!p0 .LBB2_7-.Ltmp1, $3  }
0x1e: {  	_ =	sdelay $0x1  }
0x1f: {  	[sflag:s11] =	ssyncset.done $0x0  }
0x20: {  	[sflag:s11] =	ssyncadd.s32 $0xFFFF3800  }
.LBB2_1:
0x21: {  	[dreg:$0x9] =	wrdreg s2  }
0x22: {  	s1 =	rddreg [dreg:$0x3]  }
0x23: {  	[tilespmem:s3], [sflag:$0x1] =	stream.linear.gather [hbm4b:s1+s3], $0x320, $0x38;
	[tilespmem:$0x19640] =	vst v63  }
0x24: {  	s25 =	rddreg [dreg:$0x5]  }
0x25: {  	[tilespmem:s28], [sflag:$0x2] =	stream.linear.gather [hbm4b:s25+s3], $0x320, $0x38;
	[tilespmem:$0x19640] =	vst v63  }
0x26: {  	s6 =	rddreg [dreg:$0x8];
	s25 =	simm.s32 $0x0  }
.LBB2_2:
0x27: {  	p0 =	seq.s32 s25, $0x0  }
0x28: {  	s1 =	simm.s32 @!p0 $0x5  }
0x29: {  	_ =	swait.ge @!p0 [sflag:s1], $0xC800  }
0x2a: {  	[sflag:s1] =	ssyncset.done @!p0 $0x0  }
0x2b: {  	[sflag:s1] =	ssyncadd.s32 @!p0 $0xFFFF3800  }
0x2c: {  	_ =	swait.ge [sflag:s29], $0x320  }
0x2d: {  	[sflag:s29] =	ssyncset.done $0x0  }
0x2e: {  	[sflag:s29] =	ssyncadd.s32 $0xFFFFFCE0  }
0x2f: {  	[tilespmem:s30], [sflag:$0x3] =	stream.indirect.gather [hbm4b:s5+s28], $0x40, s3, s28, $0xb8;
	[tilespmem:$0x19640] =	vst v63  }
0x30: {  	s7 =	sshll.u32 s25, $0x5;
	s2 =	rddreg [dreg:$0x4];
	_ =	swait.ge [sflag:s31], $0xC800  }
0x31: {  	s1 =	sor.u32 s7, s2;
	[sflag:s31] =	ssyncset.done $0x0  }
0x32: {  	s1 =	smul.u32 $0x190, s1;
	[sflag:s31] =	ssyncadd.s32 $0xFFFF3800  }
0x33: {  	s10 =	rddreg [dreg:$0x1]  }
0x34: {  	s2 =	sadd.s32 s10, s1  }
0x35: {  	[hbm4b:s2+s3] =	stream.linear.scatter [tilespmem:s30], [sflag:$0x5], $0xC80, $0x38;
	[tilespmem:$0x19640] =	vst v63  }
0x36: {  	s7 =	simm.s32 $0x12C0;
	s2 =	sadd.s32 $0x190, s2  }
0x37: {  	[hbm4b:s2+s3] =	stream.linear.scatter [tilespmem:s7], [sflag:$0x5], $0xC80, $0x38;
	[tilespmem:$0x19640] =	vst v63  }
0x38: {  	s10 =	simm.s32 $0x1F40;
	s7 =	sadd.s32 s12, s1  }
0x39: {  	[hbm4b:s7+s3] =	stream.linear.scatter [tilespmem:s10], [sflag:$0x5], $0xC80, $0x38;
	[tilespmem:$0x19640] =	vst v63  }
0x3a: {  	s7 =	sadd.s32 s13, s1;
	s10 =	simm.s32 $0x2BC0  }
0x3b: {  	[hbm4b:s7+s3] =	stream.linear.scatter [tilespmem:s10], [sflag:$0x5], $0xC80, $0x38;
	[tilespmem:$0x19640] =	vst v63  }
0x3c: {  	s7 =	sadd.s32 s14, s1;
	s10 =	simm.s32 $0x3840  }
0x3d: {  	[hbm4b:s7+s3] =	stream.linear.scatter [tilespmem:s10], [sflag:$0x5], $0xC80, $0x38;
	[tilespmem:$0x19640] =	vst v63  }
0x3e: {  	s7 =	sadd.s32 s15, s1;
	s10 =	simm.s32 $0x44C0  }
0x3f: {  	[hbm4b:s7+s3] =	stream.linear.scatter [tilespmem:s10], [sflag:$0x5], $0xC80, $0x38;
	[tilespmem:$0x19640] =	vst v63  }
0x40: {  	s7 =	sadd.s32 s16, s1;
	s10 =	simm.s32 $0x5140  }
0x41: {  	[hbm4b:s7+s3] =	stream.linear.scatter [tilespmem:s10], [sflag:$0x5], $0xC80, $0x38;
	[tilespmem:$0x19640] =	vst v63  }
0x42: {  	s7 =	sadd.s32 s17, s1;
	s10 =	simm.s32 $0x5DC0  }
0x43: {  	[hbm4b:s7+s3] =	stream.linear.scatter [tilespmem:s10], [sflag:$0x5], $0xC80, $0x38;
	[tilespmem:$0x19640] =	vst v63  }
0x44: {  	s7 =	sadd.s32 s18, s1;
	s10 =	simm.s32 $0x6A40  }
0x45: {  	[hbm4b:s7+s3] =	stream.linear.scatter [tilespmem:s10], [sflag:$0x5], $0xC80, $0x38;
	[tilespmem:$0x19640] =	vst v63  }
0x46: {  	s7 =	sadd.s32 s19, s1;
	s10 =	simm.s32 $0x76C0  }
0x47: {  	[hbm4b:s7+s3] =	stream.linear.scatter [tilespmem:s10], [sflag:$0x5], $0xC80, $0x38;
	[tilespmem:$0x19640] =	vst v63  }
0x48: {  	s7 =	sadd.s32 s20, s1;
	s10 =	simm.s32 $0x8340  }
0x49: {  	[hbm4b:s7+s3] =	stream.linear.scatter [tilespmem:s10], [sflag:$0x5], $0xC80, $0x38;
	[tilespmem:$0x19640] =	vst v63  }
0x4a: {  	s7 =	sadd.s32 s21, s1;
	s10 =	simm.s32 $0x8FC0  }
0x4b: {  	[hbm4b:s7+s3] =	stream.linear.scatter [tilespmem:s10], [sflag:$0x5], $0xC80, $0x38;
	[tilespmem:$0x19640] =	vst v63  }
0x4c: {  	s7 =	sadd.s32 s22, s1;
	s10 =	simm.s32 $0x9C40  }
0x4d: {  	[hbm4b:s7+s3] =	stream.linear.scatter [tilespmem:s10], [sflag:$0x5], $0xC80, $0x38;
	[tilespmem:$0x19640] =	vst v63  }
0x4e: {  	s7 =	sadd.s32 s23, s1;
	s10 =	simm.s32 $0xA8C0  }
0x4f: {  	[hbm4b:s7+s3] =	stream.linear.scatter [tilespmem:s10], [sflag:$0x5], $0xC80, $0x38;
	[tilespmem:$0x19640] =	vst v63  }
0x50: {  	p0 =	seq.s32 s25, $0x3;
	s7 =	sadd.s32 s24, s1;
	s10 =	simm.s32 $0xB540  }
0x51: {  	[hbm4b:s7+s3] =	stream.linear.scatter [tilespmem:s10], [sflag:$0x5], $0xC80, $0x38;
	[tilespmem:$0x19640] =	vst v63  }
0x52: {  	s2 =	smul.u32 @!p0 $0x640, s25;
	s1 =	sadd.s32 s26, s1;
	s10 =	simm.s32 $0xC1C0  }
0x53: {  	[hbm4b:s1+s3] =	stream.linear.scatter [tilespmem:s10], [sflag:$0x5], $0xC80, $0x38;
	[tilespmem:$0x19640] =	vst v63  }
0x54: {  	s1 =	sadd.s32 @!p0 s2, s9  }
0x55: {  	p1 =	seq.s32 @!p0 s25, $0x0;
	s1 =	sshrl.u32 @!p0 s1, $0x3  }
0x56: {  	p1 =	por p0, !p1;
	s2 =	simm.s32 @!p0 $0x0;
	s1 =	sadd.s32 @!p0 s4, s1  }
0x57: {  	[tilespmem:s2], [sflag:$0x1] =	stream.linear.gather @!p0 [hbm4b:s1+s2], $0x320, $0x38;
	[tilespmem:$0x19640] =	vst v63  }
0x58: {  	_ =	swait.ge @p1 [sflag:s11], $0xC800  }
0x59: {  	[sflag:s11] =	ssyncset.done @p1 $0x0  }
0x5a: {  	[sflag:s11] =	ssyncadd.s32 @p1 $0xFFFF3800  }
0x5b: {  	_ =	swait.ge [sflag:s0], $0x320  }
0x5c: {  	[sflag:s0] =	ssyncset.done $0x0  }
0x5d: {  	s2 =	simm.s32 $0xCE40;
	[sflag:s0] =	ssyncadd.s32 $0xFFFFFCE0  }
0x5e: {  	[tilespmem:s2], [sflag:$0x4] =	stream.indirect.gather [hbm4b:s5+s28], $0x40, s28, s28, $0xb8;
	[tilespmem:$0x19640] =	vst v63  }
0x5f: {  	_ =	swait.ge [sflag:s8], $0xC800  }
0x60: {  	s7 =	sadd.s32 $0x0, s6;
	[sflag:s8] =	ssyncset.done $0x0  }
0x61: {  	s10 =	simm.s32 $0xDAC0;
	s1 =	simm.s32 $0x190;
	[sflag:s8] =	ssyncadd.s32 $0xFFFF3800  }
.LBB2_3:
0x62: {  	[hbm4b:s7+s3] =	stream.linear.scatter [tilespmem:s2], [sflag:$0x6], $0xC80, $0x38;
	[tilespmem:$0x19640] =	vst v63  }
0x63: {  	s7 =	smov.u32 s1;
	s2 =	smov.u32 s10;
	p1 =	sne.s32 s1, $0x1770  }
.Ltmp2:
0x64: {  	s1 =	sadd.s32 $0x190, s1;
	(pc) =	sbr.rel @p1 .LBB2_3-.Ltmp2, $2  }
0x65: {  	_ =	sdelay $0x2  }
0x66: {  	s10 =	sadd.s32 $0xC80, s10;
	s7 =	sadd.s32 s7, s6  }
.Ltmp3:
0x67: {  	(pc) =	sbr.rel @p0 .LBB2_6-.Ltmp3, $2  }
0x68: {  	_ =	sdelay $0x2  }
0x69: {  	[hbm4b:s7+s3] =	stream.linear.scatter [tilespmem:s2], [sflag:$0x6], $0xC80, $0x38;
	[tilespmem:$0x19640] =	vst v63  }
0x6a: {  	s1 =	smul.u32 $0x640, s25  }
.Ltmp4:
0x6b: {  	s2 =	rddreg [dreg:$0x6];
	(pc) =	sbr.rel .LBB2_2-.Ltmp4, $4  }
0x6c: {  	s1 =	sadd.s32 s1, s2  }
0x6d: {  	s1 =	sshrl.u32 s1, $0x3  }
0x6e: {  	s25 =	sadd.s32 $0x1, s25;
	s6 =	sadd.s32 $0x3200, s6;
	s1 =	sadd.s32 s4, s1  }
0x6f: {  	[tilespmem:s28], [sflag:$0x2] =	stream.linear.gather [hbm4b:s1+s3], $0x320, $0x38;
	[tilespmem:$0x19640] =	vst v63  }
.LBB2_7:
0x70: {  	_ =	sfence.sel $0x180000  }
0x71: {  	[bflag:$0x0] =	sbarrier.arrive $0xFFFF  }
0x72: {  	_ =	strace $0x9000004A  }
0x73: {  	s0 =	stileid.u32;
	[bflag:$0x2] =	sbarrier.arrive $0xFFFF  }
0x74: {  	p0 =	sne.s32 s0, $0x0;
	s0 =	rddreg [dreg:$0x2]  }
0x75: {  	s0 =	sadd.s32 @!p0 $0x100000, s0  }
0x76: {  	[sflag:s0] =	ssyncadd.tile.s32 @!p0 $0x1;
	_ =	shalt  }
.Lfunc_end2:
_tile_overlayer_lowered:
.L_overlay_start_2:
0x77: {  	(tag) =	ssettag $0x2  }
0x78: {  	s0 =	rddreg [dreg:$0x0];
	s2 =	stileid.u32  }
0x79: {  	s1 =	rddreg [dreg:$0x1];
	p0 =	sne.s32 s2, $0x0  }
0x7a: {  	s3 =	rddreg [dreg:$0x2];
	[bflag:$0x3] =	sbarrier.arrive $0xFFFF;
	s2 =	simm.s32 @!p0 $0x1C07  }
0x7b: {  	[timem:s3], [sflag:s2] =	dma.local @!p0 [hbm:s0], s1  }
0x7c: {  	s0 =	simm.s32 @!p0 $0x7  }
0x7d: {  	_ =	swait.ge @!p0 [sflag:s0], s1  }
0x7e: {  	s1 =	ssub.s32 @!p0 $0x0, s1;
	[sflag:s0] =	ssyncset.done @!p0 $0x0  }
0x7f: {  	[sflag:s0] =	ssyncadd.s32 @!p0 s1  }
0x80: {  	[bflag:$0x3] =	sbarrier.arrive $0xFFFF  }
0x81: {  	_ =	shalt  }

// kernel: kernel.15.cloned.1.call-start
scs
__scs_entry_jumppad:
0x0: {  	(pc) =	sbr.rel $0x88, $3  }
0x1: {  	(tag) =	ssettag $0x0;
	lr =	simm.s32 $0x1  }
0x2: {  	[smem:$0x3F9F] =	sst lr;
	_ =	strace $0xD0000000  }
0x3: {  	_ = 	snop  }
0x4: {  	_ = 	snop  }
0x5: {  	_ = 	snop  }
0x6: {  	_ = 	snop  }
0x7: {  	_ = 	snop  }
__scs_overlays_trampoline_lowered:
0x8: {  	[smem:$0x3FAE] =	sst s0  }
0x9: {  	[smem:$0x3FAF] =	sst s1  }
0xa: {  	[smem:$0x3FB0] =	sst s2  }
0xb: {  	[smem:$0x3FB1] =	sst s3  }
0xc: {  	[smem:$0x3FB2] =	sst s4  }
0xd: {  	[smem:$0x3FB3] =	sst s5  }
0xe: {  	[smem:$0x3FB4] =	sst s6  }
0xf: {  	[smem:$0x3FB5] =	sst s7  }
0x10: {  	[smem:$0x3FB6] =	sst s8  }
0x11: {  	[smem:$0x3FB7] =	sst s9;
	s0 =	simm.s32 @!p0 $0x0  }
0x12: {  	s1 =	sld [smem:$0x3F9D];
	s0 =	simm.s32 @p0 $0x1  }
0x13: {  	[smem:$0x3FB8] =	sst s0;
	s0 =	simm.s32 @!p1 $0x0  }
0x14: {  	s2 =	sld [smem:$0x3F9C];
	s0 =	simm.s32 @p1 $0x1  }
0x15: {  	[smem:$0x3FB9] =	sst s0;
	s0 =	simm.s32 @!p2 $0x0  }
0x16: {  	s3 =	sld [smem:$0x3FDB];
	s0 =	simm.s32 @p2 $0x1  }
0x17: {  	s4 =	simm.s32 $0x1BF5;
	[smem:$0x3FBB] =	sst s0  }
0x18: {  	s0 =	sld [smem:$0x3F9E];
	_ =	swait.ge [sflag:s4], $0x0  }
0x19: {  	s7 =	sld [smem:$0x3F9F]  }
0x1a: {  	s8 =	sadd.s32 $0xFFFFE003, lr  }
0x1b: {  	s9 =	sadd.s32 $0xFFFFFEF7, lr;
	s5 =	simm.s32 $0xFFFFFFFF;
	p2 =	slt.u32 s8, $0xFFFFF086  }
0x1c: {  	p1 =	slt.u32 s9, $0xF7A;
	s5 =	simm.s32 @!p2 $0x0  }
0x1d: {  	s5 =	simm.s32 @p1 $0x1;
	p0 =	seq.s32 s7, s2  }
0x1e: {  	s7 =	smul.u32 @!p0 $0xF7A, s2;
	p2 =	seq.s32 @!p0 s5, $0x0  }
0x1f: {  	s9 =	smul.u32 $0xF7A, s1;
	s8 =	simm.s32 @!p0 $0x1BF5;
	p2 =	por !p2, p0  }
0x20: {  	[sflag:s8] =	ssyncset.s32 @!p0 $0xFFFFF086;
	s6 =	sadd.s32 @!p0 s3, s7;
	s7 =	simm.s32 @!p0 $0x108  }
0x21: {  	s3 =	sadd.s32 s3, s9;
	s6 =	sadd.s32 @!p0 $0x88, s6;
	s7 =	simm.s32 @p2 $0x1082  }
0x22: {  	[simem:s7], [sflag:s8] =	dma.local @!p0 [hbm:s6], $0xF7A  }
0x23: {  	s9 =	sor.u32 $0xD0000000, s2;
	s6 =	simm.s32 $0x108;
	_ =	swait.ge @!p0 [sflag:s8], $0x0  }
0x24: {  	s3 =	sadd.s32 $0x88, s3;
	s6 =	simm.s32 @!p1 $0x1082;
	[sflag:s4] =	ssyncset.s32 $0xFFFFF086  }
0x25: {  	[simem:s6], [sflag:s4] =	dma.local [hbm:s3], $0xF7A  }
0x26: {  	[smem:$0x3F9F] =	sst s1;
	(tag) =	ssettag s2;
	_ =	strace s9  }
0x27: {  	s1 =	sld [smem:$0x3FAF]  }
0x28: {  	s2 =	sld [smem:$0x3FB0]  }
0x29: {  	s4 =	sld [smem:$0x3FB2]  }
0x2a: {  	p0 =	seq.s32 s5, $0x0;
	s5 =	sld [smem:$0x3FB3]  }
0x2b: {  	s6 =	sld [smem:$0x3FB4]  }
0x2c: {  	s7 =	sld [smem:$0x3FB5]  }
0x2d: {  	s3 =	simm.s32 $0x108;
	s8 =	sld [smem:$0x3FB6]  }
0x2e: {  	s3 =	simm.s32 @!p0 $0x1082;
	s9 =	sld [smem:$0x3FB7]  }
0x2f: {  	lr =	sadd.s32 s0, s3;
	s0 =	sld [smem:$0x3FAE]  }
0x30: {  	s3 =	sld [smem:$0x3FB1]  }
0x31: {  	[smem:$0x3FBA] =	sst s10  }
0x32: {  	s10 =	sld [smem:$0x3FB8];
	_ =	sdelay $0x3  }
0x33: {  	p0 =	seq.s32 s10, $0x1;
	s10 =	sld [smem:$0x3FBA];
	_ =	sdelay $0x3  }
0x34: {  	[smem:$0x3FBA] =	sst s10  }
0x35: {  	s10 =	sld [smem:$0x3FB9];
	_ =	sdelay $0x3  }
0x36: {  	p1 =	seq.s32 s10, $0x1;
	s10 =	sld [smem:$0x3FBA];
	_ =	sdelay $0x3  }
0x37: {  	[smem:$0x3FBA] =	sst s10  }
0x38: {  	s10 =	sld [smem:$0x3FBB]  }
0x39: {  	_ = 	snop;
	(pc) =	sbr.ind lr, $3  }
0x3a: {  	_ = 	snop  }
0x3b: {  	_ = 	snop  }
0x3c: {  	p2 =	seq.s32 s10, $0x1;
	s10 =	sld [smem:$0x3FBA]  }
0x3d: {  	_ =	shalt  }
0x3e: {  	_ =	shalt  }
0x3f: {  	_ =	shalt  }
0x40: {  	_ =	shalt  }
0x41: {  	_ =	shalt  }
0x42: {  	_ =	shalt  }
0x43: {  	_ =	shalt  }
0x44: {  	_ =	shalt  }
0x45: {  	_ =	shalt  }
0x46: {  	_ =	shalt  }
0x47: {  	_ =	shalt  }
0x48: {  	_ =	shalt  }
0x49: {  	_ =	shalt  }
0x4a: {  	_ =	shalt  }
0x4b: {  	_ =	shalt  }
0x4c: {  	_ =	shalt  }
0x4d: {  	_ =	shalt  }
0x4e: {  	_ =	shalt  }
0x4f: {  	_ =	shalt  }
0x50: {  	_ =	shalt  }
0x51: {  	_ =	shalt  }
0x52: {  	_ =	shalt  }
0x53: {  	_ =	shalt  }
0x54: {  	_ =	shalt  }
0x55: {  	_ =	shalt  }
0x56: {  	_ =	shalt  }
0x57: {  	_ =	shalt  }
0x58: {  	_ =	shalt  }
0x59: {  	_ =	shalt  }
0x5a: {  	_ =	shalt  }
0x5b: {  	_ =	shalt  }
0x5c: {  	_ =	shalt  }
0x5d: {  	_ =	shalt  }
0x5e: {  	_ =	shalt  }
0x5f: {  	_ =	shalt  }
0x60: {  	_ =	shalt  }
0x61: {  	_ =	shalt  }
0x62: {  	_ =	shalt  }
0x63: {  	_ =	shalt  }
0x64: {  	_ =	shalt  }
0x65: {  	_ =	shalt  }
0x66: {  	_ =	shalt  }
0x67: {  	_ =	shalt  }
0x68: {  	_ =	shalt  }
0x69: {  	_ =	shalt  }
0x6a: {  	_ =	shalt  }
0x6b: {  	_ =	shalt  }
0x6c: {  	_ =	shalt  }
0x6d: {  	_ =	shalt  }
0x6e: {  	_ =	shalt  }
0x6f: {  	_ =	shalt  }
0x70: {  	_ =	shalt  }
0x71: {  	_ =	shalt  }
0x72: {  	_ =	shalt  }
0x73: {  	_ =	shalt  }
0x74: {  	_ =	shalt  }
0x75: {  	_ =	shalt  }
0x76: {  	_ =	shalt  }
0x77: {  	_ =	shalt  }
0x78: {  	_ =	shalt  }
0x79: {  	_ =	shalt  }
0x7a: {  	_ =	shalt  }
0x7b: {  	_ =	shalt  }
0x7c: {  	_ =	shalt  }
0x7d: {  	_ =	shalt  }
0x7e: {  	_ =	shalt  }
0x7f: {  	_ =	shalt  }
0x80: {  	_ =	shalt  }
0x81: {  	_ =	shalt  }
0x82: {  	_ =	shalt  }
0x83: {  	_ =	shalt  }
0x84: {  	_ =	shalt  }
0x85: {  	_ =	shalt  }
0x86: {  	_ =	shalt  }
0x87: {  	_ =	shalt  }
.Lfunc_end0:
.L_simem_size_0:
called_computation.7_lowered:
.L_overlay_start_0:
0x88: {  	s2 =	sld [smem:$0x3FD9]  }
0x89: {  	s3 =	sld [smem:$0x3FFE];
	_ =	sdelay $0x1  }
0x8a: {  	s1 =	srdreg.scid  }
0x8b: {  	s0 =	sand.u32 $0x1, s1  }
0x8c: {  	s17 =	sshll.u32 s0, $0xA;
	s2 =	sadd.s32 s3, s2  }
0x8d: {  	s2 =	sadd.s32 s2, s17  }
0x8e: {  	[smem:$0x3FC6] =	sst s2  }
0x8f: {  	_ = 	snop  }
0x90: {  	(tm) =	ssettm $0x1  }
0x91: {  	s18 =	sld [smem:$0x3FFB];
	_ =	sdelay $0x3  }
0x92: {  	_ =	strace s18  }
0x93: {  	s2 =	sld [smem:$0x3FFC];
	_ =	sdelay $0x3  }
0x94: {  	_ =	strace s2  }
0x95: {  	s2 =	sld [smem:$0x3FFD];
	_ =	sdelay $0x3  }
0x96: {  	_ =	strace s2  }
0x97: {  	_ =	strace $0x8FFFFFFF  }
0x98: {  	s19 =	sld [smem:$0x3FDB];
	_ =	sdelay $0x1  }
0x99: {  	s20 =	simm.s32 $_scs_section_size  }
0x9a: {  	s4 =	simm.s32 $_size__tile_overlayer_lowered;
	s5 =	simm.s32 $_tile_overlayer_lowered  }
0x9b: {  	s6 =	simm.s32 $0x1BFF;
	s21 =	sshll.u32 s5, $0x1;
	s3 =	sadd.s32 s20, s19  }
0x9c: {  	s22 =	simm.s32 $0x0;
	s4 =	sshll.u32 s4, $0x1;
	s5 =	sadd.s32 s21, s3  }
0x9d: {  	[timem:s22], [sflag:s6] =	dma.local [hbm:s5], s4  }
0x9e: {  	_ =	swait.ge [sflag:s6], s4  }
0x9f: {  	s4 =	ssub.s32 $0x0, s4;
	[sflag:s6] =	ssyncset.done $0x0  }
0xa0: {  	[sflag:s6] =	ssyncadd.s32 s4;
	_ =	sdelay $0x1  }
0xa1: {  	s23 =	simm.s32 $0x1B8B  }
0xa2: {  	_ =	swait.ge [sflag:s23], $0x1  }
0xa3: {  	[sflag:s23] =	ssyncset.done $0x0  }
0xa4: {  	[sflag:s23] =	ssyncadd.s32 $0xFFFFFFFF  }
0xa5: {  	s4 =	sld [smem:$0x0]  }
0xa6: {  	s5 =	sand.u32 $0xFFFFFFFE, s1  }
0xa7: {  	p0 =	sne.s32 s1, s5  }
0xa8: {  	s5 =	sshll.u32 @p0 s5, $0xE  }
0xa9: {  	s5 =	sadd.s32 @p0 $0x11B8D, s5;
	s6 =	sshll.u32 @p0 s4, $0x11  }
0xaa: {  	s5 =	sor.u32 @p0 s6, s5  }
0xab: {  	[sflag:s5] =	ssyncadd.remote.s32 @p0 $0x1;
	_ =	sdelay $0x1  }
0xac: {  	s5 =	simm.s32 @p0 $0x1B8D  }
0xad: {  	_ =	swait.eq @p0 [sflag:s5], $0x1  }
0xae: {  	[sflag:s5] =	ssyncadd.s32 @p0 $0xFFFFFFFF  }
0xaf: {  	s6 =	sshll.u32 @!p0 s1, $0xE  }
0xb0: {  	s6 =	sor.u32 @!p0 $0x4000, s6;
	s5 =	simm.s32 @!p0 $0x1B8D  }
0xb1: {  	s4 =	sshll.u32 @!p0 s4, $0x11;
	s6 =	sadd.s32 @!p0 $0x11B8D, s6;
	_ =	swait.eq @!p0 [sflag:s5], $0x1  }
0xb2: {  	s4 =	sor.u32 @!p0 s4, s6;
	[sflag:s5] =	ssyncadd.s32 @!p0 $0xFFFFFFFF  }
0xb3: {  	s25 =	simm.s32 $0x1B8E;
	s24 =	sld [smem:$0x3FFE];
	[sflag:s4] =	ssyncadd.remote.s32 @!p0 $0x1  }
0xb4: {  	s26 =	simm.s32 $execute0_lowered;
	[smem:$0x3FD2] =	sst s25  }
0xb5: {  	s5 =	sshll.u32 s26, $0x1;
	_ =	strace $0x8000004C;
	[dreg:$0x1] =	wrdreg $0xFFFFFFFF  }
0xb6: {  	s28 =	simm.s32 $_size_execute0_lowered;
	s3 =	sadd.s32 s3, s5;
	[dreg:$0x0] =	wrdreg $0x0  }
0xb7: {  	s5 =	sshll.u32 s28, $0x1;
	[dreg:$0x2] =	wrdreg s3  }
0xb8: {  	[dreg:$0x3] =	wrdreg s5  }
0xb9: {  	[dreg:$0x4] =	wrdreg $0xC0  }
0xba: {  	_ =	task [dreg:s22], $0x5FFFF  }
0xbb: {  	[dreg:$0x1] =	wrdreg $0xFFFFFFFF  }
0xbc: {  	[dreg:$0x0] =	wrdreg $0x60  }
0xbd: {  	[dreg:$0x2] =	wrdreg s24  }
0xbe: {  	[dreg:$0x3] =	wrdreg $0xC  }
0xbf: {  	_ =	task.clear_ibuf [dreg:s22], $0x4FFFF;
	_ =	strace $0x9000004C  }
0xc0: {  	s29 =	simm.s32 $0xC;
	_ =	strace $0x8000004E  }
0xc1: {  	_ =	swait.ge [sflag:s29], $0x1  }
0xc2: {  	[sflag:s29] =	ssyncadd.s32 $0xFFFFFFFF  }
0xc3: {  	_ =	strace $0x9000004E  }
0xc4: {  	_ =	sfence  }
0xc5: {  	s30 =	sld [smem:$0x0];
	_ =	sdelay $0x2  }
0xc6: {  	s31 =	sshll.u32 s1, $0xD;
	s1 =	sshrl.u32 s1, $0x2  }
0xc7: {  	s4 =	sand.u32 $0x4000, s31;
	s1 =	sadd.s32 s1, s30  }
0xc8: {  	s0 =	sor.u32 s4, s0;
	s1 =	sshll.u32 s1, $0x11  }
0xc9: {  	s0 =	sor.u32 s1, s0  }
0xca: {  	s0 =	sadd.s32 $0x8F2B, s0  }
0xcb: {  	[sflag:s0] =	ssyncadd.remote.s32 $0x1  }
0xcc: {  	_ =	sfence.sel $0xFFFF  }
0xcd: {  	[dreg:$0x0] =	wrdreg $0xFFFFFFFF;
	(pc) =	sbr.abs _section_cstart, $3  }
0xce: {  	[dreg:$0x1] =	wrdreg $0xFFFFFFFF  }
0xcf: {  	_ =	task.clear_ibuf [dreg:s22], $0x2FFFF;
	_ =	strace $0x9FFFFFFF  }
0xd0: {  	(tm) =	ssettm $0x7FFFFFFF  }
0xd1: {  	_ =	shalt  }
tec
execute0_lowered:
.L_overlay_start_1:
0x0: {  	(tag) =	ssettag $0x1  }
0x1: {  	s0 =	rddreg [dreg:$0x0];
	s2 =	simm.s32 $0x0;
	s28 =	simm.s32 $0x320  }
0x2: {  	s30 =	simm.s32 $0x640;
	[smem:$0x7FF] =	sst s2;
	s18 =	sadd.s32 $0x1A5400, s0  }
0x3: {  	s26 =	sadd.s32 $0x1A5720, s0;
	s9 =	sadd.s32 $0x1A58B0, s0  }
0x4: {  	s1 =	srdreg.scid;
	s10 =	sadd.s32 $0x1A5A40, s0;
	s11 =	sadd.s32 $0x1A5BD0, s0  }
0x5: {  	s13 =	stileid.u32;
	s12 =	sadd.s32 $0x1A5D60, s0;
	s14 =	sadd.s32 $0x1A5EF0, s0  }
0x6: {  	s3 =	sshll.u32 s13, $0x1;
	s15 =	sadd.s32 $0x1A6080, s0;
	s17 =	sadd.s32 $0x1A6210, s0  }
0x7: {  	s4 =	sadd.s32 $0xF000, s0;
	s13 =	smul.u32 $0x19000, s13;
	s19 =	sadd.s32 $0x1A63A0, s0  }
0x8: {  	s29 =	simm.s32 $0x1;
	s20 =	sadd.s32 $0x1A6530, s0;
	s21 =	sadd.s32 $0x1A66C0, s0  }
0x9: {  	s31 =	simm.s32 $0x3;
	s22 =	sadd.s32 $0x1A6850, s0;
	s23 =	sadd.s32 $0x1A69E0, s0  }
0xa: {  	s1 =	sand.u32 $0x1, s1;
	s24 =	sadd.s32 $0x1A6B70, s0;
	_ =	strace $0x8000004D  }
0xb: {  	s5 =	sor.u32 s1, s3;
	s3 =	sadd.s32 $0xF44C00, s0;
	s6 =	ssub.s32 $0x2, s1  }
0xc: {  	[dreg:$0x3] =	wrdreg s26;
	s7 =	smul.u32 $0x1900, s5;
	s8 =	sshrl.u32 s6, $0x1  }
0xd: {  	s1 =	smul.u32 $0xC800, s1;
	s5 =	sshll.u32 s5, $0x7;
	s6 =	ssub.s32 s6, s8  }
0xe: {  	[dreg:$0x4] =	wrdreg s5;
	s5 =	sadd.s32 s13, s18;
	s25 =	sadd.s32 $0x640, s7  }
0xf: {  	s8 =	sshrl.u32 s7, $0x3;
	s6 =	smax.u32 s6, $0x1;
	s1 =	sadd.s32 s1, s5  }
.Ltmp0:
0x10: {  	[dreg:$0x2] =	wrdreg s25;
	s25 =	sadd.s32 s4, s8;
	(pc) =	sbr.rel .LBB2_1-.Ltmp0, $4  }
0x11: {  	[dreg:$0x6] =	wrdreg s6;
	s8 =	smov.u32 s18;
	s18 =	sadd.s32 $0x1900, s1  }
0x12: {  	s16 =	sadd.s32 $0x960, s7;
	s1 =	simm.s32 $0x0;
	[dreg:$0x7] =	wrdreg s18  }
0x13: {  	[dreg:$0x5] =	wrdreg s25;
	s26 =	sadd.s32 $0x64, s25;
	s18 =	simm.s32 $0x2  }
0x14: {  	s25 =	simm.s32 $0x6;
	[dreg:$0x8] =	wrdreg s26;
	s26 =	simm.s32 $0x4  }
.LBB2_6:
0x15: {  	s0 =	simm.s32 $0x5  }
0x16: {  	_ =	swait.ge [sflag:s0], $0xC800  }
0x17: {  	[sflag:s0] =	ssyncset.done $0x0  }
0x18: {  	[sflag:s0] =	ssyncadd.s32 $0xFFFF3800  }
0x19: {  	_ =	swait.ge [sflag:s25], $0xC800  }
0x1a: {  	s1 =	rddreg [dreg:$0x9]  }
0x1b: {  	s13 =	rddreg [dreg:$0x6];
	s1 =	sadd.s32 $0x1, s1  }
0x1c: {  	p0 =	sne.s32 s1, s13  }
.Ltmp1:
0x1d: {  	_ = 	snop;
	(pc) =	sbr.rel @!p0 .LBB2_7-.Ltmp1, $3  }
0x1e: {  	_ =	sdelay $0x1  }
0x1f: {  	[sflag:s25] =	ssyncset.done $0x0  }
0x20: {  	[sflag:s25] =	ssyncadd.s32 $0xFFFF3800  }
.LBB2_1:
0x21: {  	[dreg:$0x9] =	wrdreg s1  }
0x22: {  	s0 =	rddreg [dreg:$0x5]  }
0x23: {  	s13 =	rddreg [dreg:$0x8]  }
0x24: {  	[tilespmem:s2], [sflag:$0x1] =	stream.linear.gather [hbm4b:s0+s2], $0x320, $0x38;
	[tilespmem:$0x19640] =	vst v63  }
0x25: {  	s1 =	simm.s32 $0x0;
	s0 =	rddreg [dreg:$0x7]  }
0x26: {  	[tilespmem:s28], [sflag:$0x2] =	stream.linear.gather [hbm4b:s13+s2], $0x320, $0x38;
	[tilespmem:$0x19640] =	vst v63  }
.LBB2_2:
0x27: {  	p0 =	seq.s32 s1, $0x0  }
0x28: {  	s5 =	simm.s32 @!p0 $0x5  }
0x29: {  	_ =	swait.ge @!p0 [sflag:s5], $0xC800  }
0x2a: {  	[sflag:s5] =	ssyncset.done @!p0 $0x0  }
0x2b: {  	[sflag:s5] =	ssyncadd.s32 @!p0 $0xFFFF3800  }
0x2c: {  	_ =	swait.ge [sflag:s29], $0x320  }
0x2d: {  	s7 =	sshll.u32 s1, $0x5;
	[sflag:s29] =	ssyncset.done $0x0;
	s6 =	rddreg [dreg:$0x4]  }
0x2e: {  	[sflag:s29] =	ssyncadd.s32 $0xFFFFFCE0;
	s5 =	sor.u32 s7, s6  }
0x2f: {  	[tilespmem:s30], [sflag:$0x3] =	stream.indirect.gather [hbm4b:s3+s28], $0x40, s2, s28, $0xb8;
	[tilespmem:$0x19640] =	vst v63  }
0x30: {  	s5 =	smul.u32 $0x190, s5;
	_ =	swait.ge [sflag:s31], $0xC800  }
0x31: {  	[sflag:s31] =	ssyncset.done $0x0  }
0x32: {  	s13 =	sadd.s32 s8, s5;
	[sflag:s31] =	ssyncadd.s32 $0xFFFF3800  }
0x33: {  	[hbm4b:s13+s2] =	stream.linear.scatter [tilespmem:s30], [sflag:$0x5], $0xC80, $0x38;
	[tilespmem:$0x19640] =	vst v63  }
0x34: {  	s7 =	simm.s32 $0x12C0;
	s6 =	sadd.s32 $0x190, s13  }
0x35: {  	[hbm4b:s6+s2] =	stream.linear.scatter [tilespmem:s7], [sflag:$0x5], $0xC80, $0x38;
	[tilespmem:$0x19640] =	vst v63  }
0x36: {  	s7 =	rddreg [dreg:$0x3]  }
0x37: {  	s13 =	simm.s32 $0x1F40;
	s6 =	sadd.s32 s7, s5  }
0x38: {  	[hbm4b:s6+s2] =	stream.linear.scatter [tilespmem:s13], [sflag:$0x5], $0xC80, $0x38;
	[tilespmem:$0x19640] =	vst v63  }
0x39: {  	s7 =	sadd.s32 s9, s5;
	s13 =	simm.s32 $0x2BC0  }
0x3a: {  	[hbm4b:s7+s2] =	stream.linear.scatter [tilespmem:s13], [sflag:$0x5], $0xC80, $0x38;
	[tilespmem:$0x19640] =	vst v63  }
0x3b: {  	s7 =	sadd.s32 s10, s5;
	s13 =	simm.s32 $0x3840  }
0x3c: {  	[hbm4b:s7+s2] =	stream.linear.scatter [tilespmem:s13], [sflag:$0x5], $0xC80, $0x38;
	[tilespmem:$0x19640] =	vst v63  }
0x3d: {  	s7 =	sadd.s32 s11, s5;
	s13 =	simm.s32 $0x44C0  }
0x3e: {  	[hbm4b:s7+s2] =	stream.linear.scatter [tilespmem:s13], [sflag:$0x5], $0xC80, $0x38;
	[tilespmem:$0x19640] =	vst v63  }
0x3f: {  	s7 =	sadd.s32 s12, s5;
	s13 =	simm.s32 $0x5140  }
0x40: {  	[hbm4b:s7+s2] =	stream.linear.scatter [tilespmem:s13], [sflag:$0x5], $0xC80, $0x38;
	[tilespmem:$0x19640] =	vst v63  }
0x41: {  	s7 =	sadd.s32 s14, s5;
	s13 =	simm.s32 $0x5DC0  }
0x42: {  	[hbm4b:s7+s2] =	stream.linear.scatter [tilespmem:s13], [sflag:$0x5], $0xC80, $0x38;
	[tilespmem:$0x19640] =	vst v63  }
0x43: {  	s7 =	sadd.s32 s15, s5;
	s13 =	simm.s32 $0x6A40  }
0x44: {  	[hbm4b:s7+s2] =	stream.linear.scatter [tilespmem:s13], [sflag:$0x5], $0xC80, $0x38;
	[tilespmem:$0x19640] =	vst v63  }
0x45: {  	s7 =	sadd.s32 s17, s5;
	s13 =	simm.s32 $0x76C0  }
0x46: {  	[hbm4b:s7+s2] =	stream.linear.scatter [tilespmem:s13], [sflag:$0x5], $0xC80, $0x38;
	[tilespmem:$0x19640] =	vst v63  }
0x47: {  	s7 =	sadd.s32 s19, s5;
	s13 =	simm.s32 $0x8340  }
0x48: {  	[hbm4b:s7+s2] =	stream.linear.scatter [tilespmem:s13], [sflag:$0x5], $0xC80, $0x38;
	[tilespmem:$0x19640] =	vst v63  }
0x49: {  	s7 =	sadd.s32 s20, s5;
	s13 =	simm.s32 $0x8FC0  }
0x4a: {  	[hbm4b:s7+s2] =	stream.linear.scatter [tilespmem:s13], [sflag:$0x5], $0xC80, $0x38;
	[tilespmem:$0x19640] =	vst v63  }
0x4b: {  	s7 =	sadd.s32 s21, s5;
	s13 =	simm.s32 $0x9C40  }
0x4c: {  	[hbm4b:s7+s2] =	stream.linear.scatter [tilespmem:s13], [sflag:$0x5], $0xC80, $0x38;
	[tilespmem:$0x19640] =	vst v63  }
0x4d: {  	s7 =	sadd.s32 s22, s5;
	s13 =	simm.s32 $0xA8C0  }
0x4e: {  	[hbm4b:s7+s2] =	stream.linear.scatter [tilespmem:s13], [sflag:$0x5], $0xC80, $0x38;
	[tilespmem:$0x19640] =	vst v63  }
0x4f: {  	p0 =	seq.s32 s1, $0x3;
	s7 =	sadd.s32 s23, s5;
	s13 =	simm.s32 $0xB540  }
0x50: {  	[hbm4b:s7+s2] =	stream.linear.scatter [tilespmem:s13], [sflag:$0x5], $0xC80, $0x38;
	[tilespmem:$0x19640] =	vst v63  }
0x51: {  	s6 =	smul.u32 @!p0 $0x640, s1;
	s5 =	sadd.s32 s24, s5;
	s13 =	simm.s32 $0xC1C0  }
0x52: {  	[hbm4b:s5+s2] =	stream.linear.scatter [tilespmem:s13], [sflag:$0x5], $0xC80, $0x38;
	[tilespmem:$0x19640] =	vst v63  }
0x53: {  	s5 =	rddreg [dreg:$0x2]  }
0x54: {  	s5 =	sadd.s32 @!p0 s6, s5  }
0x55: {  	p1 =	seq.s32 @!p0 s1, $0x0;
	s5 =	sshrl.u32 @!p0 s5, $0x3  }
0x56: {  	p1 =	por p0, !p1;
	s6 =	simm.s32 @!p0 $0x0;
	s5 =	sadd.s32 @!p0 s4, s5  }
0x57: {  	[tilespmem:s6], [sflag:$0x1] =	stream.linear.gather @!p0 [hbm4b:s5+s6], $0x320, $0x38;
	[tilespmem:$0x19640] =	vst v63  }
0x58: {  	_ =	swait.ge @p1 [sflag:s25], $0xC800  }
0x59: {  	[sflag:s25] =	ssyncset.done @p1 $0x0  }
0x5a: {  	[sflag:s25] =	ssyncadd.s32 @p1 $0xFFFF3800  }
0x5b: {  	_ =	swait.ge [sflag:s18], $0x320  }
0x5c: {  	[sflag:s18] =	ssyncset.done $0x0  }
0x5d: {  	s13 =	simm.s32 $0xCE40;
	[sflag:s18] =	ssyncadd.s32 $0xFFFFFCE0  }
0x5e: {  	[tilespmem:s13], [sflag:$0x4] =	stream.indirect.gather [hbm4b:s3+s28], $0x40, s28, s28, $0xb8;
	[tilespmem:$0x19640] =	vst v63  }
0x5f: {  	_ =	swait.ge [sflag:s26], $0xC800  }
0x60: {  	s7 =	sadd.s32 $0x0, s0;
	[sflag:s26] =	ssyncset.done $0x0  }
0x61: {  	s5 =	simm.s32 $0x190;
	s6 =	simm.s32 $0xDAC0;
	[sflag:s26] =	ssyncadd.s32 $0xFFFF3800  }
.LBB2_3:
0x62: {  	[hbm4b:s7+s2] =	stream.linear.scatter [tilespmem:s13], [sflag:$0x6], $0xC80, $0x38;
	[tilespmem:$0x19640] =	vst v63  }
0x63: {  	s7 =	smov.u32 s5;
	s13 =	smov.u32 s6;
	p1 =	sne.s32 s5, $0x1770  }
.Ltmp2:
0x64: {  	s5 =	sadd.s32 $0x190, s5;
	(pc) =	sbr.rel @p1 .LBB2_3-.Ltmp2, $2  }
0x65: {  	_ =	sdelay $0x2  }
0x66: {  	s6 =	sadd.s32 $0xC80, s6;
	s7 =	sadd.s32 s7, s0  }
.Ltmp3:
0x67: {  	(pc) =	sbr.rel @p0 .LBB2_6-.Ltmp3, $2  }
0x68: {  	_ =	sdelay $0x2  }
0x69: {  	[hbm4b:s7+s2] =	stream.linear.scatter [tilespmem:s13], [sflag:$0x6], $0xC80, $0x38;
	[tilespmem:$0x19640] =	vst v63  }
0x6a: {  	s5 =	smul.u32 $0x640, s1  }
.Ltmp4:
0x6b: {  	_ = 	snop;
	(pc) =	sbr.rel .LBB2_2-.Ltmp4, $4  }
0x6c: {  	s5 =	sadd.s32 s5, s16  }
0x6d: {  	s5 =	sshrl.u32 s5, $0x3  }
0x6e: {  	s1 =	sadd.s32 $0x1, s1;
	s0 =	sadd.s32 $0x3200, s0;
	s5 =	sadd.s32 s4, s5  }
0x6f: {  	[tilespmem:s28], [sflag:$0x2] =	stream.linear.gather [hbm4b:s5+s2], $0x320, $0x38;
	[tilespmem:$0x19640] =	vst v63  }
.LBB2_7:
0x70: {  	_ =	sfence.sel $0x180000  }
0x71: {  	[bflag:$0x0] =	sbarrier.arrive $0xFFFF  }
0x72: {  	_ =	strace $0x9000004D  }
0x73: {  	s0 =	stileid.u32;
	[bflag:$0x2] =	sbarrier.arrive $0xFFFF  }
0x74: {  	p0 =	sne.s32 s0, $0x0;
	s0 =	rddreg [dreg:$0x1]  }
0x75: {  	s0 =	sadd.s32 @!p0 $0x100000, s0  }
0x76: {  	[sflag:s0] =	ssyncadd.tile.s32 @!p0 $0x1;
	_ =	shalt  }
.Lfunc_end2:
_tile_overlayer_lowered:
.L_overlay_start_2:
0x77: {  	(tag) =	ssettag $0x2  }
0x78: {  	s0 =	rddreg [dreg:$0x0];
	s2 =	stileid.u32  }
0x79: {  	s1 =	rddreg [dreg:$0x1];
	p0 =	sne.s32 s2, $0x0  }
0x7a: {  	s3 =	rddreg [dreg:$0x2];
	[bflag:$0x3] =	sbarrier.arrive $0xFFFF;
	s2 =	simm.s32 @!p0 $0x1C07  }
0x7b: {  	[timem:s3], [sflag:s2] =	dma.local @!p0 [hbm:s0], s1  }
0x7c: {  	s0 =	simm.s32 @!p0 $0x7  }
0x7d: {  	_ =	swait.ge @!p0 [sflag:s0], s1  }
0x7e: {  	s1 =	ssub.s32 @!p0 $0x0, s1;
	[sflag:s0] =	ssyncset.done @!p0 $0x0  }
0x7f: {  	[sflag:s0] =	ssyncadd.s32 @!p0 s1  }
0x80: {  	[bflag:$0x3] =	sbarrier.arrive $0xFFFF  }
0x81: {  	_ =	shalt  }

// kernel: kernel.6.cloned.1.call-start
scs
__scs_entry_jumppad:
0x0: {  	(pc) =	sbr.rel $0x88, $3  }
0x1: {  	(tag) =	ssettag $0x0;
	lr =	simm.s32 $0x1  }
0x2: {  	[smem:$0x3F9F] =	sst lr;
	_ =	strace $0xD0000000  }
0x3: {  	_ = 	snop  }
0x4: {  	_ = 	snop  }
0x5: {  	_ = 	snop  }
0x6: {  	_ = 	snop  }
0x7: {  	_ = 	snop  }
__scs_overlays_trampoline_lowered:
0x8: {  	[smem:$0x3FAE] =	sst s0  }
0x9: {  	[smem:$0x3FAF] =	sst s1  }
0xa: {  	[smem:$0x3FB0] =	sst s2  }
0xb: {  	[smem:$0x3FB1] =	sst s3  }
0xc: {  	[smem:$0x3FB2] =	sst s4  }
0xd: {  	[smem:$0x3FB3] =	sst s5  }
0xe: {  	[smem:$0x3FB4] =	sst s6  }
0xf: {  	[smem:$0x3FB5] =	sst s7  }
0x10: {  	[smem:$0x3FB6] =	sst s8  }
0x11: {  	[smem:$0x3FB7] =	sst s9;
	s0 =	simm.s32 @!p0 $0x0  }
0x12: {  	s1 =	sld [smem:$0x3F9D];
	s0 =	simm.s32 @p0 $0x1  }
0x13: {  	[smem:$0x3FB8] =	sst s0;
	s0 =	simm.s32 @!p1 $0x0  }
0x14: {  	s2 =	sld [smem:$0x3F9C];
	s0 =	simm.s32 @p1 $0x1  }
0x15: {  	[smem:$0x3FB9] =	sst s0;
	s0 =	simm.s32 @!p2 $0x0  }
0x16: {  	s3 =	sld [smem:$0x3FDB];
	s0 =	simm.s32 @p2 $0x1  }
0x17: {  	s4 =	simm.s32 $0x1BF5;
	[smem:$0x3FBB] =	sst s0  }
0x18: {  	s0 =	sld [smem:$0x3F9E];
	_ =	swait.ge [sflag:s4], $0x0  }
0x19: {  	s7 =	sld [smem:$0x3F9F]  }
0x1a: {  	s8 =	sadd.s32 $0xFFFFE003, lr  }
0x1b: {  	s9 =	sadd.s32 $0xFFFFFEF7, lr;
	s5 =	simm.s32 $0xFFFFFFFF;
	p2 =	slt.u32 s8, $0xFFFFF086  }
0x1c: {  	p1 =	slt.u32 s9, $0xF7A;
	s5 =	simm.s32 @!p2 $0x0  }
0x1d: {  	s5 =	simm.s32 @p1 $0x1;
	p0 =	seq.s32 s7, s2  }
0x1e: {  	s7 =	smul.u32 @!p0 $0xF7A, s2;
	p2 =	seq.s32 @!p0 s5, $0x0  }
0x1f: {  	s9 =	smul.u32 $0xF7A, s1;
	s8 =	simm.s32 @!p0 $0x1BF5;
	p2 =	por !p2, p0  }
0x20: {  	[sflag:s8] =	ssyncset.s32 @!p0 $0xFFFFF086;
	s6 =	sadd.s32 @!p0 s3, s7;
	s7 =	simm.s32 @!p0 $0x108  }
0x21: {  	s3 =	sadd.s32 s3, s9;
	s6 =	sadd.s32 @!p0 $0x88, s6;
	s7 =	simm.s32 @p2 $0x1082  }
0x22: {  	[simem:s7], [sflag:s8] =	dma.local @!p0 [hbm:s6], $0xF7A  }
0x23: {  	s9 =	sor.u32 $0xD0000000, s2;
	s6 =	simm.s32 $0x108;
	_ =	swait.ge @!p0 [sflag:s8], $0x0  }
0x24: {  	s3 =	sadd.s32 $0x88, s3;
	s6 =	simm.s32 @!p1 $0x1082;
	[sflag:s4] =	ssyncset.s32 $0xFFFFF086  }
0x25: {  	[simem:s6], [sflag:s4] =	dma.local [hbm:s3], $0xF7A  }
0x26: {  	[smem:$0x3F9F] =	sst s1;
	(tag) =	ssettag s2;
	_ =	strace s9  }
0x27: {  	s1 =	sld [smem:$0x3FAF]  }
0x28: {  	s2 =	sld [smem:$0x3FB0]  }
0x29: {  	s4 =	sld [smem:$0x3FB2]  }
0x2a: {  	p0 =	seq.s32 s5, $0x0;
	s5 =	sld [smem:$0x3FB3]  }
0x2b: {  	s6 =	sld [smem:$0x3FB4]  }
0x2c: {  	s7 =	sld [smem:$0x3FB5]  }
0x2d: {  	s3 =	simm.s32 $0x108;
	s8 =	sld [smem:$0x3FB6]  }
0x2e: {  	s3 =	simm.s32 @!p0 $0x1082;
	s9 =	sld [smem:$0x3FB7]  }
0x2f: {  	lr =	sadd.s32 s0, s3;
	s0 =	sld [smem:$0x3FAE]  }
0x30: {  	s3 =	sld [smem:$0x3FB1]  }
0x31: {  	[smem:$0x3FBA] =	sst s10  }
0x32: {  	s10 =	sld [smem:$0x3FB8];
	_ =	sdelay $0x3  }
0x33: {  	p0 =	seq.s32 s10, $0x1;
	s10 =	sld [smem:$0x3FBA];
	_ =	sdelay $0x3  }
0x34: {  	[smem:$0x3FBA] =	sst s10  }
0x35: {  	s10 =	sld [smem:$0x3FB9];
	_ =	sdelay $0x3  }
0x36: {  	p1 =	seq.s32 s10, $0x1;
	s10 =	sld [smem:$0x3FBA];
	_ =	sdelay $0x3  }
0x37: {  	[smem:$0x3FBA] =	sst s10  }
0x38: {  	s10 =	sld [smem:$0x3FBB]  }
0x39: {  	_ = 	snop;
	(pc) =	sbr.ind lr, $3  }
0x3a: {  	_ = 	snop  }
0x3b: {  	_ = 	snop  }
0x3c: {  	p2 =	seq.s32 s10, $0x1;
	s10 =	sld [smem:$0x3FBA]  }
0x3d: {  	_ =	shalt  }
0x3e: {  	_ =	shalt  }
0x3f: {  	_ =	shalt  }
0x40: {  	_ =	shalt  }
0x41: {  	_ =	shalt  }
0x42: {  	_ =	shalt  }
0x43: {  	_ =	shalt  }
0x44: {  	_ =	shalt  }
0x45: {  	_ =	shalt  }
0x46: {  	_ =	shalt  }
0x47: {  	_ =	shalt  }
0x48: {  	_ =	shalt  }
0x49: {  	_ =	shalt  }
0x4a: {  	_ =	shalt  }
0x4b: {  	_ =	shalt  }
0x4c: {  	_ =	shalt  }
0x4d: {  	_ =	shalt  }
0x4e: {  	_ =	shalt  }
0x4f: {  	_ =	shalt  }
0x50: {  	_ =	shalt  }
0x51: {  	_ =	shalt  }
0x52: {  	_ =	shalt  }
0x53: {  	_ =	shalt  }
0x54: {  	_ =	shalt  }
0x55: {  	_ =	shalt  }
0x56: {  	_ =	shalt  }
0x57: {  	_ =	shalt  }
0x58: {  	_ =	shalt  }
0x59: {  	_ =	shalt  }
0x5a: {  	_ =	shalt  }
0x5b: {  	_ =	shalt  }
0x5c: {  	_ =	shalt  }
0x5d: {  	_ =	shalt  }
0x5e: {  	_ =	shalt  }
0x5f: {  	_ =	shalt  }
0x60: {  	_ =	shalt  }
0x61: {  	_ =	shalt  }
0x62: {  	_ =	shalt  }
0x63: {  	_ =	shalt  }
0x64: {  	_ =	shalt  }
0x65: {  	_ =	shalt  }
0x66: {  	_ =	shalt  }
0x67: {  	_ =	shalt  }
0x68: {  	_ =	shalt  }
0x69: {  	_ =	shalt  }
0x6a: {  	_ =	shalt  }
0x6b: {  	_ =	shalt  }
0x6c: {  	_ =	shalt  }
0x6d: {  	_ =	shalt  }
0x6e: {  	_ =	shalt  }
0x6f: {  	_ =	shalt  }
0x70: {  	_ =	shalt  }
0x71: {  	_ =	shalt  }
0x72: {  	_ =	shalt  }
0x73: {  	_ =	shalt  }
0x74: {  	_ =	shalt  }
0x75: {  	_ =	shalt  }
0x76: {  	_ =	shalt  }
0x77: {  	_ =	shalt  }
0x78: {  	_ =	shalt  }
0x79: {  	_ =	shalt  }
0x7a: {  	_ =	shalt  }
0x7b: {  	_ =	shalt  }
0x7c: {  	_ =	shalt  }
0x7d: {  	_ =	shalt  }
0x7e: {  	_ =	shalt  }
0x7f: {  	_ =	shalt  }
0x80: {  	_ =	shalt  }
0x81: {  	_ =	shalt  }
0x82: {  	_ =	shalt  }
0x83: {  	_ =	shalt  }
0x84: {  	_ =	shalt  }
0x85: {  	_ =	shalt  }
0x86: {  	_ =	shalt  }
0x87: {  	_ =	shalt  }
.Lfunc_end0:
.L_simem_size_0:
called_computation.4_lowered:
.L_overlay_start_0:
0x88: {  	s2 =	sld [smem:$0x3FD9]  }
0x89: {  	s3 =	sld [smem:$0x3FFE];
	_ =	sdelay $0x1  }
0x8a: {  	s1 =	srdreg.scid  }
0x8b: {  	s0 =	sand.u32 $0x1, s1  }
0x8c: {  	s17 =	sshll.u32 s0, $0xA;
	s2 =	sadd.s32 s3, s2  }
0x8d: {  	s2 =	sadd.s32 s2, s17  }
0x8e: {  	[smem:$0x3FC6] =	sst s2  }
0x8f: {  	_ = 	snop  }
0x90: {  	(tm) =	ssettm $0x1  }
0x91: {  	s18 =	sld [smem:$0x3FFB];
	_ =	sdelay $0x3  }
0x92: {  	_ =	strace s18  }
0x93: {  	s2 =	sld [smem:$0x3FFC];
	_ =	sdelay $0x3  }
0x94: {  	_ =	strace s2  }
0x95: {  	s2 =	sld [smem:$0x3FFD];
	_ =	sdelay $0x3  }
0x96: {  	_ =	strace s2  }
0x97: {  	_ =	strace $0x8FFFFFFF  }
0x98: {  	s19 =	sld [smem:$0x3FDB];
	_ =	sdelay $0x1  }
0x99: {  	s20 =	simm.s32 $_scs_section_size  }
0x9a: {  	s4 =	simm.s32 $_size__tile_overlayer_lowered;
	s5 =	simm.s32 $_tile_overlayer_lowered  }
0x9b: {  	s6 =	simm.s32 $0x1BFF;
	s21 =	sshll.u32 s5, $0x1;
	s3 =	sadd.s32 s20, s19  }
0x9c: {  	s22 =	simm.s32 $0x0;
	s4 =	sshll.u32 s4, $0x1;
	s5 =	sadd.s32 s21, s3  }
0x9d: {  	[timem:s22], [sflag:s6] =	dma.local [hbm:s5], s4  }
0x9e: {  	_ =	swait.ge [sflag:s6], s4  }
0x9f: {  	s4 =	ssub.s32 $0x0, s4;
	[sflag:s6] =	ssyncset.done $0x0  }
0xa0: {  	[sflag:s6] =	ssyncadd.s32 s4;
	_ =	sdelay $0x1  }
0xa1: {  	s23 =	simm.s32 $0x1B8B  }
0xa2: {  	_ =	swait.ge [sflag:s23], $0x1  }
0xa3: {  	[sflag:s23] =	ssyncset.done $0x0  }
0xa4: {  	[sflag:s23] =	ssyncadd.s32 $0xFFFFFFFF  }
0xa5: {  	s4 =	sld [smem:$0x0]  }
0xa6: {  	s5 =	sand.u32 $0xFFFFFFFE, s1  }
0xa7: {  	p0 =	sne.s32 s1, s5  }
0xa8: {  	s5 =	sshll.u32 @p0 s5, $0xE  }
0xa9: {  	s5 =	sadd.s32 @p0 $0x11B8D, s5;
	s6 =	sshll.u32 @p0 s4, $0x11  }
0xaa: {  	s5 =	sor.u32 @p0 s6, s5  }
0xab: {  	[sflag:s5] =	ssyncadd.remote.s32 @p0 $0x1;
	_ =	sdelay $0x1  }
0xac: {  	s5 =	simm.s32 @p0 $0x1B8D  }
0xad: {  	_ =	swait.eq @p0 [sflag:s5], $0x1  }
0xae: {  	[sflag:s5] =	ssyncadd.s32 @p0 $0xFFFFFFFF  }
0xaf: {  	s6 =	sshll.u32 @!p0 s1, $0xE  }
0xb0: {  	s6 =	sor.u32 @!p0 $0x4000, s6;
	s5 =	simm.s32 @!p0 $0x1B8D  }
0xb1: {  	s4 =	sshll.u32 @!p0 s4, $0x11;
	s6 =	sadd.s32 @!p0 $0x11B8D, s6;
	_ =	swait.eq @!p0 [sflag:s5], $0x1  }
0xb2: {  	s4 =	sor.u32 @!p0 s4, s6;
	[sflag:s5] =	ssyncadd.s32 @!p0 $0xFFFFFFFF  }
0xb3: {  	s25 =	simm.s32 $0x1B8E;
	s24 =	sld [smem:$0x3FFE];
	[sflag:s4] =	ssyncadd.remote.s32 @!p0 $0x1  }
0xb4: {  	s26 =	simm.s32 $execute0_lowered;
	[smem:$0x3FD2] =	sst s25  }
0xb5: {  	s5 =	sshll.u32 s26, $0x1;
	_ =	strace $0x8000004F;
	[dreg:$0x1] =	wrdreg $0xFFFFFFFF  }
0xb6: {  	s28 =	simm.s32 $_size_execute0_lowered;
	s3 =	sadd.s32 s3, s5;
	[dreg:$0x0] =	wrdreg $0x0  }
0xb7: {  	s5 =	sshll.u32 s28, $0x1;
	[dreg:$0x2] =	wrdreg s3  }
0xb8: {  	[dreg:$0x3] =	wrdreg s5  }
0xb9: {  	[dreg:$0x4] =	wrdreg $0xC0  }
0xba: {  	_ =	task [dreg:s22], $0x5FFFF  }
0xbb: {  	[dreg:$0x1] =	wrdreg $0xFFFFFFFF  }
0xbc: {  	[dreg:$0x0] =	wrdreg $0x60  }
0xbd: {  	[dreg:$0x2] =	wrdreg s24  }
0xbe: {  	[dreg:$0x3] =	wrdreg $0xA  }
0xbf: {  	_ =	task.clear_ibuf [dreg:s22], $0x4FFFF;
	_ =	strace $0x9000004F  }
0xc0: {  	s29 =	simm.s32 $0xA;
	_ =	strace $0x80000051  }
0xc1: {  	_ =	swait.ge [sflag:s29], $0x1  }
0xc2: {  	[sflag:s29] =	ssyncadd.s32 $0xFFFFFFFF  }
0xc3: {  	_ =	strace $0x90000051  }
0xc4: {  	_ =	sfence  }
0xc5: {  	s30 =	sld [smem:$0x0];
	_ =	sdelay $0x2  }
0xc6: {  	s31 =	sshll.u32 s1, $0xD;
	s1 =	sshrl.u32 s1, $0x2  }
0xc7: {  	s4 =	sand.u32 $0x4000, s31;
	s1 =	sadd.s32 s1, s30  }
0xc8: {  	s0 =	sor.u32 s4, s0;
	s1 =	sshll.u32 s1, $0x11  }
0xc9: {  	s0 =	sor.u32 s1, s0  }
0xca: {  	s0 =	sadd.s32 $0x8F2B, s0  }
0xcb: {  	[sflag:s0] =	ssyncadd.remote.s32 $0x1  }
0xcc: {  	_ =	sfence.sel $0xFFFF  }
0xcd: {  	[dreg:$0x0] =	wrdreg $0xFFFFFFFF;
	(pc) =	sbr.abs _section_cstart, $3  }
0xce: {  	[dreg:$0x1] =	wrdreg $0xFFFFFFFF  }
0xcf: {  	_ =	task.clear_ibuf [dreg:s22], $0x2FFFF;
	_ =	strace $0x9FFFFFFF  }
0xd0: {  	(tm) =	ssettm $0x7FFFFFFF  }
0xd1: {  	_ =	shalt  }
tec
execute0_lowered:
.L_overlay_start_1:
0x0: {  	(tag) =	ssettag $0x1  }
0x1: {  	s0 =	rddreg [dreg:$0x0];
	s2 =	simm.s32 $0x0  }
0x2: {  	s28 =	simm.s32 $0x320;
	s30 =	simm.s32 $0x640;
	[smem:$0x7FF] =	sst s2  }
0x3: {  	s4 =	sadd.s32 $0x335400, s0;
	s18 =	sadd.s32 $0x33B800, s0  }
0x4: {  	s26 =	sadd.s32 $0x33BB20, s0;
	s9 =	sadd.s32 $0x33BCB0, s0  }
0x5: {  	s10 =	sadd.s32 $0x33BE40, s0;
	s11 =	sadd.s32 $0x33BFD0, s0  }
0x6: {  	s1 =	srdreg.scid;
	s12 =	sadd.s32 $0x33C160, s0;
	s14 =	sadd.s32 $0x33C2F0, s0  }
0x7: {  	s13 =	stileid.u32;
	s15 =	sadd.s32 $0x33C480, s0;
	s17 =	sadd.s32 $0x33C610, s0  }
0x8: {  	s3 =	sshll.u32 s13, $0x1;
	s13 =	smul.u32 $0x19000, s13;
	s19 =	sadd.s32 $0x33C7A0, s0  }
0x9: {  	s29 =	simm.s32 $0x1;
	s20 =	sadd.s32 $0x33C930, s0;
	s21 =	sadd.s32 $0x33CAC0, s0  }
0xa: {  	s31 =	simm.s32 $0x3;
	s22 =	sadd.s32 $0x33CC50, s0;
	s23 =	sadd.s32 $0x33CDE0, s0  }
0xb: {  	s1 =	sand.u32 $0x1, s1;
	s24 =	sadd.s32 $0x33CF70, s0;
	_ =	strace $0x80000050  }
0xc: {  	s5 =	sor.u32 s1, s3;
	s3 =	sadd.s32 $0xF44C00, s0;
	s6 =	ssub.s32 $0x2, s1  }
0xd: {  	[dreg:$0x3] =	wrdreg s26;
	s7 =	smul.u32 $0x1900, s5;
	s8 =	sshrl.u32 s6, $0x1  }
0xe: {  	s1 =	smul.u32 $0xC800, s1;
	s5 =	sshll.u32 s5, $0x7;
	s6 =	ssub.s32 s6, s8  }
0xf: {  	[dreg:$0x4] =	wrdreg s5;
	s5 =	sadd.s32 s13, s18;
	s25 =	sadd.s32 $0x640, s7  }
0x10: {  	s8 =	sshrl.u32 s7, $0x3;
	s6 =	smax.u32 s6, $0x1;
	s1 =	sadd.s32 s1, s5  }
.Ltmp0:
0x11: {  	[dreg:$0x2] =	wrdreg s25;
	s25 =	sadd.s32 s4, s8;
	(pc) =	sbr.rel .LBB2_1-.Ltmp0, $4  }
0x12: {  	[dreg:$0x6] =	wrdreg s6;
	s8 =	smov.u32 s18;
	s18 =	sadd.s32 $0x1900, s1  }
0x13: {  	s16 =	sadd.s32 $0x960, s7;
	s1 =	simm.s32 $0x0;
	[dreg:$0x7] =	wrdreg s18  }
0x14: {  	[dreg:$0x5] =	wrdreg s25;
	s26 =	sadd.s32 $0x64, s25;
	s18 =	simm.s32 $0x2  }
0x15: {  	s25 =	simm.s32 $0x6;
	[dreg:$0x8] =	wrdreg s26;
	s26 =	simm.s32 $0x4  }
.LBB2_6:
0x16: {  	s0 =	simm.s32 $0x5  }
0x17: {  	_ =	swait.ge [sflag:s0], $0xC800  }
0x18: {  	[sflag:s0] =	ssyncset.done $0x0  }
0x19: {  	[sflag:s0] =	ssyncadd.s32 $0xFFFF3800  }
0x1a: {  	_ =	swait.ge [sflag:s25], $0xC800  }
0x1b: {  	s1 =	rddreg [dreg:$0x9]  }
0x1c: {  	s13 =	rddreg [dreg:$0x6];
	s1 =	sadd.s32 $0x1, s1  }
0x1d: {  	p0 =	sne.s32 s1, s13  }
.Ltmp1:
0x1e: {  	_ = 	snop;
	(pc) =	sbr.rel @!p0 .LBB2_7-.Ltmp1, $3  }
0x1f: {  	_ =	sdelay $0x1  }
0x20: {  	[sflag:s25] =	ssyncset.done $0x0  }
0x21: {  	[sflag:s25] =	ssyncadd.s32 $0xFFFF3800  }
.LBB2_1:
0x22: {  	[dreg:$0x9] =	wrdreg s1  }
0x23: {  	s0 =	rddreg [dreg:$0x5]  }
0x24: {  	s13 =	rddreg [dreg:$0x8]  }
0x25: {  	[tilespmem:s2], [sflag:$0x1] =	stream.linear.gather [hbm4b:s0+s2], $0x320, $0x38;
	[tilespmem:$0x19640] =	vst v63  }
0x26: {  	s1 =	simm.s32 $0x0;
	s0 =	rddreg [dreg:$0x7]  }
0x27: {  	[tilespmem:s28], [sflag:$0x2] =	stream.linear.gather [hbm4b:s13+s2], $0x320, $0x38;
	[tilespmem:$0x19640] =	vst v63  }
.LBB2_2:
0x28: {  	p0 =	seq.s32 s1, $0x0  }
0x29: {  	s5 =	simm.s32 @!p0 $0x5  }
0x2a: {  	_ =	swait.ge @!p0 [sflag:s5], $0xC800  }
0x2b: {  	[sflag:s5] =	ssyncset.done @!p0 $0x0  }
0x2c: {  	[sflag:s5] =	ssyncadd.s32 @!p0 $0xFFFF3800  }
0x2d: {  	_ =	swait.ge [sflag:s29], $0x320  }
0x2e: {  	s7 =	sshll.u32 s1, $0x5;
	[sflag:s29] =	ssyncset.done $0x0;
	s6 =	rddreg [dreg:$0x4]  }
0x2f: {  	[sflag:s29] =	ssyncadd.s32 $0xFFFFFCE0;
	s5 =	sor.u32 s7, s6  }
0x30: {  	[tilespmem:s30], [sflag:$0x3] =	stream.indirect.gather [hbm4b:s3+s28], $0x40, s2, s28, $0xb8;
	[tilespmem:$0x19640] =	vst v63  }
0x31: {  	s5 =	smul.u32 $0x190, s5;
	_ =	swait.ge [sflag:s31], $0xC800  }
0x32: {  	[sflag:s31] =	ssyncset.done $0x0  }
0x33: {  	s13 =	sadd.s32 s8, s5;
	[sflag:s31] =	ssyncadd.s32 $0xFFFF3800  }
0x34: {  	[hbm4b:s13+s2] =	stream.linear.scatter [tilespmem:s30], [sflag:$0x5], $0xC80, $0x38;
	[tilespmem:$0x19640] =	vst v63  }
0x35: {  	s7 =	simm.s32 $0x12C0;
	s6 =	sadd.s32 $0x190, s13  }
0x36: {  	[hbm4b:s6+s2] =	stream.linear.scatter [tilespmem:s7], [sflag:$0x5], $0xC80, $0x38;
	[tilespmem:$0x19640] =	vst v63  }
0x37: {  	s7 =	rddreg [dreg:$0x3]  }
0x38: {  	s13 =	simm.s32 $0x1F40;
	s6 =	sadd.s32 s7, s5  }
0x39: {  	[hbm4b:s6+s2] =	stream.linear.scatter [tilespmem:s13], [sflag:$0x5], $0xC80, $0x38;
	[tilespmem:$0x19640] =	vst v63  }
0x3a: {  	s7 =	sadd.s32 s9, s5;
	s13 =	simm.s32 $0x2BC0  }
0x3b: {  	[hbm4b:s7+s2] =	stream.linear.scatter [tilespmem:s13], [sflag:$0x5], $0xC80, $0x38;
	[tilespmem:$0x19640] =	vst v63  }
0x3c: {  	s7 =	sadd.s32 s10, s5;
	s13 =	simm.s32 $0x3840  }
0x3d: {  	[hbm4b:s7+s2] =	stream.linear.scatter [tilespmem:s13], [sflag:$0x5], $0xC80, $0x38;
	[tilespmem:$0x19640] =	vst v63  }
0x3e: {  	s7 =	sadd.s32 s11, s5;
	s13 =	simm.s32 $0x44C0  }
0x3f: {  	[hbm4b:s7+s2] =	stream.linear.scatter [tilespmem:s13], [sflag:$0x5], $0xC80, $0x38;
	[tilespmem:$0x19640] =	vst v63  }
0x40: {  	s7 =	sadd.s32 s12, s5;
	s13 =	simm.s32 $0x5140  }
0x41: {  	[hbm4b:s7+s2] =	stream.linear.scatter [tilespmem:s13], [sflag:$0x5], $0xC80, $0x38;
	[tilespmem:$0x19640] =	vst v63  }
0x42: {  	s7 =	sadd.s32 s14, s5;
	s13 =	simm.s32 $0x5DC0  }
0x43: {  	[hbm4b:s7+s2] =	stream.linear.scatter [tilespmem:s13], [sflag:$0x5], $0xC80, $0x38;
	[tilespmem:$0x19640] =	vst v63  }
0x44: {  	s7 =	sadd.s32 s15, s5;
	s13 =	simm.s32 $0x6A40  }
0x45: {  	[hbm4b:s7+s2] =	stream.linear.scatter [tilespmem:s13], [sflag:$0x5], $0xC80, $0x38;
	[tilespmem:$0x19640] =	vst v63  }
0x46: {  	s7 =	sadd.s32 s17, s5;
	s13 =	simm.s32 $0x76C0  }
0x47: {  	[hbm4b:s7+s2] =	stream.linear.scatter [tilespmem:s13], [sflag:$0x5], $0xC80, $0x38;
	[tilespmem:$0x19640] =	vst v63  }
0x48: {  	s7 =	sadd.s32 s19, s5;
	s13 =	simm.s32 $0x8340  }
0x49: {  	[hbm4b:s7+s2] =	stream.linear.scatter [tilespmem:s13], [sflag:$0x5], $0xC80, $0x38;
	[tilespmem:$0x19640] =	vst v63  }
0x4a: {  	s7 =	sadd.s32 s20, s5;
	s13 =	simm.s32 $0x8FC0  }
0x4b: {  	[hbm4b:s7+s2] =	stream.linear.scatter [tilespmem:s13], [sflag:$0x5], $0xC80, $0x38;
	[tilespmem:$0x19640] =	vst v63  }
0x4c: {  	s7 =	sadd.s32 s21, s5;
	s13 =	simm.s32 $0x9C40  }
0x4d: {  	[hbm4b:s7+s2] =	stream.linear.scatter [tilespmem:s13], [sflag:$0x5], $0xC80, $0x38;
	[tilespmem:$0x19640] =	vst v63  }
0x4e: {  	s7 =	sadd.s32 s22, s5;
	s13 =	simm.s32 $0xA8C0  }
0x4f: {  	[hbm4b:s7+s2] =	stream.linear.scatter [tilespmem:s13], [sflag:$0x5], $0xC80, $0x38;
	[tilespmem:$0x19640] =	vst v63  }
0x50: {  	p0 =	seq.s32 s1, $0x3;
	s7 =	sadd.s32 s23, s5;
	s13 =	simm.s32 $0xB540  }
0x51: {  	[hbm4b:s7+s2] =	stream.linear.scatter [tilespmem:s13], [sflag:$0x5], $0xC80, $0x38;
	[tilespmem:$0x19640] =	vst v63  }
0x52: {  	s6 =	smul.u32 @!p0 $0x640, s1;
	s5 =	sadd.s32 s24, s5;
	s13 =	simm.s32 $0xC1C0  }
0x53: {  	[hbm4b:s5+s2] =	stream.linear.scatter [tilespmem:s13], [sflag:$0x5], $0xC80, $0x38;
	[tilespmem:$0x19640] =	vst v63  }
0x54: {  	s5 =	rddreg [dreg:$0x2]  }
0x55: {  	s5 =	sadd.s32 @!p0 s6, s5  }
0x56: {  	p1 =	seq.s32 @!p0 s1, $0x0;
	s5 =	sshrl.u32 @!p0 s5, $0x3  }
0x57: {  	p1 =	por p0, !p1;
	s6 =	simm.s32 @!p0 $0x0;
	s5 =	sadd.s32 @!p0 s4, s5  }
0x58: {  	[tilespmem:s6], [sflag:$0x1] =	stream.linear.gather @!p0 [hbm4b:s5+s6], $0x320, $0x38;
	[tilespmem:$0x19640] =	vst v63  }
0x59: {  	_ =	swait.ge @p1 [sflag:s25], $0xC800  }
0x5a: {  	[sflag:s25] =	ssyncset.done @p1 $0x0  }
0x5b: {  	[sflag:s25] =	ssyncadd.s32 @p1 $0xFFFF3800  }
0x5c: {  	_ =	swait.ge [sflag:s18], $0x320  }
0x5d: {  	[sflag:s18] =	ssyncset.done $0x0  }
0x5e: {  	s13 =	simm.s32 $0xCE40;
	[sflag:s18] =	ssyncadd.s32 $0xFFFFFCE0  }
0x5f: {  	[tilespmem:s13], [sflag:$0x4] =	stream.indirect.gather [hbm4b:s3+s28], $0x40, s28, s28, $0xb8;
	[tilespmem:$0x19640] =	vst v63  }
0x60: {  	_ =	swait.ge [sflag:s26], $0xC800  }
0x61: {  	s7 =	sadd.s32 $0x0, s0;
	[sflag:s26] =	ssyncset.done $0x0  }
0x62: {  	s5 =	simm.s32 $0x190;
	s6 =	simm.s32 $0xDAC0;
	[sflag:s26] =	ssyncadd.s32 $0xFFFF3800  }
.LBB2_3:
0x63: {  	[hbm4b:s7+s2] =	stream.linear.scatter [tilespmem:s13], [sflag:$0x6], $0xC80, $0x38;
	[tilespmem:$0x19640] =	vst v63  }
0x64: {  	s7 =	smov.u32 s5;
	s13 =	smov.u32 s6;
	p1 =	sne.s32 s5, $0x1770  }
.Ltmp2:
0x65: {  	s5 =	sadd.s32 $0x190, s5;
	(pc) =	sbr.rel @p1 .LBB2_3-.Ltmp2, $2  }
0x66: {  	_ =	sdelay $0x2  }
0x67: {  	s6 =	sadd.s32 $0xC80, s6;
	s7 =	sadd.s32 s7, s0  }
.Ltmp3:
0x68: {  	(pc) =	sbr.rel @p0 .LBB2_6-.Ltmp3, $2  }
0x69: {  	_ =	sdelay $0x2  }
0x6a: {  	[hbm4b:s7+s2] =	stream.linear.scatter [tilespmem:s13], [sflag:$0x6], $0xC80, $0x38;
	[tilespmem:$0x19640] =	vst v63  }
0x6b: {  	s5 =	smul.u32 $0x640, s1  }
.Ltmp4:
0x6c: {  	_ = 	snop;
	(pc) =	sbr.rel .LBB2_2-.Ltmp4, $4  }
0x6d: {  	s5 =	sadd.s32 s5, s16  }
0x6e: {  	s5 =	sshrl.u32 s5, $0x3  }
0x6f: {  	s1 =	sadd.s32 $0x1, s1;
	s0 =	sadd.s32 $0x3200, s0;
	s5 =	sadd.s32 s4, s5  }
0x70: {  	[tilespmem:s28], [sflag:$0x2] =	stream.linear.gather [hbm4b:s5+s2], $0x320, $0x38;
	[tilespmem:$0x19640] =	vst v63  }
.LBB2_7:
0x71: {  	_ =	sfence.sel $0x180000  }
0x72: {  	[bflag:$0x0] =	sbarrier.arrive $0xFFFF  }
0x73: {  	_ =	strace $0x90000050  }
0x74: {  	s0 =	stileid.u32;
	[bflag:$0x2] =	sbarrier.arrive $0xFFFF  }
0x75: {  	p0 =	sne.s32 s0, $0x0;
	s0 =	rddreg [dreg:$0x1]  }
0x76: {  	s0 =	sadd.s32 @!p0 $0x100000, s0  }
0x77: {  	[sflag:s0] =	ssyncadd.tile.s32 @!p0 $0x1;
	_ =	shalt  }
.Lfunc_end2:
_tile_overlayer_lowered:
.L_overlay_start_2:
0x78: {  	(tag) =	ssettag $0x2  }
0x79: {  	s0 =	rddreg [dreg:$0x0];
	s2 =	stileid.u32  }
0x7a: {  	s1 =	rddreg [dreg:$0x1];
	p0 =	sne.s32 s2, $0x0  }
0x7b: {  	s3 =	rddreg [dreg:$0x2];
	[bflag:$0x3] =	sbarrier.arrive $0xFFFF;
	s2 =	simm.s32 @!p0 $0x1C07  }
0x7c: {  	[timem:s3], [sflag:s2] =	dma.local @!p0 [hbm:s0], s1  }
0x7d: {  	s0 =	simm.s32 @!p0 $0x7  }
0x7e: {  	_ =	swait.ge @!p0 [sflag:s0], s1  }
0x7f: {  	s1 =	ssub.s32 @!p0 $0x0, s1;
	[sflag:s0] =	ssyncset.done @!p0 $0x0  }
0x80: {  	[sflag:s0] =	ssyncadd.s32 @!p0 s1  }
0x81: {  	[bflag:$0x3] =	sbarrier.arrive $0xFFFF  }
0x82: {  	_ =	shalt  }

// kernel: kernel.9.cloned.1.call-start
scs
__scs_entry_jumppad:
0x0: {  	(pc) =	sbr.rel $0x88, $3  }
0x1: {  	(tag) =	ssettag $0x0;
	lr =	simm.s32 $0x1  }
0x2: {  	[smem:$0x3F9F] =	sst lr;
	_ =	strace $0xD0000000  }
0x3: {  	_ = 	snop  }
0x4: {  	_ = 	snop  }
0x5: {  	_ = 	snop  }
0x6: {  	_ = 	snop  }
0x7: {  	_ = 	snop  }
__scs_overlays_trampoline_lowered:
0x8: {  	[smem:$0x3FAE] =	sst s0  }
0x9: {  	[smem:$0x3FAF] =	sst s1  }
0xa: {  	[smem:$0x3FB0] =	sst s2  }
0xb: {  	[smem:$0x3FB1] =	sst s3  }
0xc: {  	[smem:$0x3FB2] =	sst s4  }
0xd: {  	[smem:$0x3FB3] =	sst s5  }
0xe: {  	[smem:$0x3FB4] =	sst s6  }
0xf: {  	[smem:$0x3FB5] =	sst s7  }
0x10: {  	[smem:$0x3FB6] =	sst s8  }
0x11: {  	[smem:$0x3FB7] =	sst s9;
	s0 =	simm.s32 @!p0 $0x0  }
0x12: {  	s1 =	sld [smem:$0x3F9D];
	s0 =	simm.s32 @p0 $0x1  }
0x13: {  	[smem:$0x3FB8] =	sst s0;
	s0 =	simm.s32 @!p1 $0x0  }
0x14: {  	s2 =	sld [smem:$0x3F9C];
	s0 =	simm.s32 @p1 $0x1  }
0x15: {  	[smem:$0x3FB9] =	sst s0;
	s0 =	simm.s32 @!p2 $0x0  }
0x16: {  	s3 =	sld [smem:$0x3FDB];
	s0 =	simm.s32 @p2 $0x1  }
0x17: {  	s4 =	simm.s32 $0x1BF5;
	[smem:$0x3FBB] =	sst s0  }
0x18: {  	s0 =	sld [smem:$0x3F9E];
	_ =	swait.ge [sflag:s4], $0x0  }
0x19: {  	s7 =	sld [smem:$0x3F9F]  }
0x1a: {  	s8 =	sadd.s32 $0xFFFFE003, lr  }
0x1b: {  	s9 =	sadd.s32 $0xFFFFFEF7, lr;
	s5 =	simm.s32 $0xFFFFFFFF;
	p2 =	slt.u32 s8, $0xFFFFF086  }
0x1c: {  	p1 =	slt.u32 s9, $0xF7A;
	s5 =	simm.s32 @!p2 $0x0  }
0x1d: {  	s5 =	simm.s32 @p1 $0x1;
	p0 =	seq.s32 s7, s2  }
0x1e: {  	s7 =	smul.u32 @!p0 $0xF7A, s2;
	p2 =	seq.s32 @!p0 s5, $0x0  }
0x1f: {  	s9 =	smul.u32 $0xF7A, s1;
	s8 =	simm.s32 @!p0 $0x1BF5;
	p2 =	por !p2, p0  }
0x20: {  	[sflag:s8] =	ssyncset.s32 @!p0 $0xFFFFF086;
	s6 =	sadd.s32 @!p0 s3, s7;
	s7 =	simm.s32 @!p0 $0x108  }
0x21: {  	s3 =	sadd.s32 s3, s9;
	s6 =	sadd.s32 @!p0 $0x88, s6;
	s7 =	simm.s32 @p2 $0x1082  }
0x22: {  	[simem:s7], [sflag:s8] =	dma.local @!p0 [hbm:s6], $0xF7A  }
0x23: {  	s9 =	sor.u32 $0xD0000000, s2;
	s6 =	simm.s32 $0x108;
	_ =	swait.ge @!p0 [sflag:s8], $0x0  }
0x24: {  	s3 =	sadd.s32 $0x88, s3;
	s6 =	simm.s32 @!p1 $0x1082;
	[sflag:s4] =	ssyncset.s32 $0xFFFFF086  }
0x25: {  	[simem:s6], [sflag:s4] =	dma.local [hbm:s3], $0xF7A  }
0x26: {  	[smem:$0x3F9F] =	sst s1;
	(tag) =	ssettag s2;
	_ =	strace s9  }
0x27: {  	s1 =	sld [smem:$0x3FAF]  }
0x28: {  	s2 =	sld [smem:$0x3FB0]  }
0x29: {  	s4 =	sld [smem:$0x3FB2]  }
0x2a: {  	p0 =	seq.s32 s5, $0x0;
	s5 =	sld [smem:$0x3FB3]  }
0x2b: {  	s6 =	sld [smem:$0x3FB4]  }
0x2c: {  	s7 =	sld [smem:$0x3FB5]  }
0x2d: {  	s3 =	simm.s32 $0x108;
	s8 =	sld [smem:$0x3FB6]  }
0x2e: {  	s3 =	simm.s32 @!p0 $0x1082;
	s9 =	sld [smem:$0x3FB7]  }
0x2f: {  	lr =	sadd.s32 s0, s3;
	s0 =	sld [smem:$0x3FAE]  }
0x30: {  	s3 =	sld [smem:$0x3FB1]  }
0x31: {  	[smem:$0x3FBA] =	sst s10  }
0x32: {  	s10 =	sld [smem:$0x3FB8];
	_ =	sdelay $0x3  }
0x33: {  	p0 =	seq.s32 s10, $0x1;
	s10 =	sld [smem:$0x3FBA];
	_ =	sdelay $0x3  }
0x34: {  	[smem:$0x3FBA] =	sst s10  }
0x35: {  	s10 =	sld [smem:$0x3FB9];
	_ =	sdelay $0x3  }
0x36: {  	p1 =	seq.s32 s10, $0x1;
	s10 =	sld [smem:$0x3FBA];
	_ =	sdelay $0x3  }
0x37: {  	[smem:$0x3FBA] =	sst s10  }
0x38: {  	s10 =	sld [smem:$0x3FBB]  }
0x39: {  	_ = 	snop;
	(pc) =	sbr.ind lr, $3  }
0x3a: {  	_ = 	snop  }
0x3b: {  	_ = 	snop  }
0x3c: {  	p2 =	seq.s32 s10, $0x1;
	s10 =	sld [smem:$0x3FBA]  }
0x3d: {  	_ =	shalt  }
0x3e: {  	_ =	shalt  }
0x3f: {  	_ =	shalt  }
0x40: {  	_ =	shalt  }
0x41: {  	_ =	shalt  }
0x42: {  	_ =	shalt  }
0x43: {  	_ =	shalt  }
0x44: {  	_ =	shalt  }
0x45: {  	_ =	shalt  }
0x46: {  	_ =	shalt  }
0x47: {  	_ =	shalt  }
0x48: {  	_ =	shalt  }
0x49: {  	_ =	shalt  }
0x4a: {  	_ =	shalt  }
0x4b: {  	_ =	shalt  }
0x4c: {  	_ =	shalt  }
0x4d: {  	_ =	shalt  }
0x4e: {  	_ =	shalt  }
0x4f: {  	_ =	shalt  }
0x50: {  	_ =	shalt  }
0x51: {  	_ =	shalt  }
0x52: {  	_ =	shalt  }
0x53: {  	_ =	shalt  }
0x54: {  	_ =	shalt  }
0x55: {  	_ =	shalt  }
0x56: {  	_ =	shalt  }
0x57: {  	_ =	shalt  }
0x58: {  	_ =	shalt  }
0x59: {  	_ =	shalt  }
0x5a: {  	_ =	shalt  }
0x5b: {  	_ =	shalt  }
0x5c: {  	_ =	shalt  }
0x5d: {  	_ =	shalt  }
0x5e: {  	_ =	shalt  }
0x5f: {  	_ =	shalt  }
0x60: {  	_ =	shalt  }
0x61: {  	_ =	shalt  }
0x62: {  	_ =	shalt  }
0x63: {  	_ =	shalt  }
0x64: {  	_ =	shalt  }
0x65: {  	_ =	shalt  }
0x66: {  	_ =	shalt  }
0x67: {  	_ =	shalt  }
0x68: {  	_ =	shalt  }
0x69: {  	_ =	shalt  }
0x6a: {  	_ =	shalt  }
0x6b: {  	_ =	shalt  }
0x6c: {  	_ =	shalt  }
0x6d: {  	_ =	shalt  }
0x6e: {  	_ =	shalt  }
0x6f: {  	_ =	shalt  }
0x70: {  	_ =	shalt  }
0x71: {  	_ =	shalt  }
0x72: {  	_ =	shalt  }
0x73: {  	_ =	shalt  }
0x74: {  	_ =	shalt  }
0x75: {  	_ =	shalt  }
0x76: {  	_ =	shalt  }
0x77: {  	_ =	shalt  }
0x78: {  	_ =	shalt  }
0x79: {  	_ =	shalt  }
0x7a: {  	_ =	shalt  }
0x7b: {  	_ =	shalt  }
0x7c: {  	_ =	shalt  }
0x7d: {  	_ =	shalt  }
0x7e: {  	_ =	shalt  }
0x7f: {  	_ =	shalt  }
0x80: {  	_ =	shalt  }
0x81: {  	_ =	shalt  }
0x82: {  	_ =	shalt  }
0x83: {  	_ =	shalt  }
0x84: {  	_ =	shalt  }
0x85: {  	_ =	shalt  }
0x86: {  	_ =	shalt  }
0x87: {  	_ =	shalt  }
.Lfunc_end0:
.L_simem_size_0:
called_computation.5_lowered:
.L_overlay_start_0:
0x88: {  	s2 =	sld [smem:$0x3FD9]  }
0x89: {  	s3 =	sld [smem:$0x3FFE];
	_ =	sdelay $0x1  }
0x8a: {  	s1 =	srdreg.scid  }
0x8b: {  	s0 =	sand.u32 $0x1, s1  }
0x8c: {  	s16 =	sshll.u32 s0, $0xA;
	s2 =	sadd.s32 s3, s2  }
0x8d: {  	s2 =	sadd.s32 s2, s16  }
0x8e: {  	[smem:$0x3FC6] =	sst s2  }
0x8f: {  	_ = 	snop  }
0x90: {  	(tm) =	ssettm $0x1  }
0x91: {  	s17 =	sld [smem:$0x3FFB];
	_ =	sdelay $0x3  }
0x92: {  	_ =	strace s17  }
0x93: {  	s2 =	sld [smem:$0x3FFC];
	_ =	sdelay $0x3  }
0x94: {  	_ =	strace s2  }
0x95: {  	s2 =	sld [smem:$0x3FFD];
	_ =	sdelay $0x3  }
0x96: {  	_ =	strace s2  }
0x97: {  	_ =	strace $0x8FFFFFFF  }
0x98: {  	s18 =	sld [smem:$0x3FDB];
	_ =	sdelay $0x1  }
0x99: {  	s19 =	simm.s32 $_scs_section_size  }
0x9a: {  	s4 =	simm.s32 $_size__tile_overlayer_lowered;
	s5 =	simm.s32 $_tile_overlayer_lowered  }
0x9b: {  	s22 =	simm.s32 $0x1BFF;
	s21 =	sshll.u32 s5, $0x1;
	s2 =	sadd.s32 s19, s18  }
0x9c: {  	s6 =	simm.s32 $0x0;
	s20 =	sshll.u32 s4, $0x1;
	s4 =	sadd.s32 s21, s2  }
0x9d: {  	[timem:s6], [sflag:s22] =	dma.local [hbm:s4], s20  }
0x9e: {  	_ =	swait.ge [sflag:s22], s20  }
0x9f: {  	s3 =	ssub.s32 $0x0, s20;
	[sflag:s22] =	ssyncset.done $0x0  }
0xa0: {  	[sflag:s22] =	ssyncadd.s32 s3;
	_ =	sdelay $0x1  }
0xa1: {  	s23 =	simm.s32 $0x1B8B  }
0xa2: {  	_ =	swait.ge [sflag:s23], $0x1  }
0xa3: {  	[sflag:s23] =	ssyncset.done $0x0  }
0xa4: {  	s25 =	simm.s32 $0x1B8E;
	s24 =	sld [smem:$0x3FFE];
	[sflag:s23] =	ssyncadd.s32 $0xFFFFFFFF  }
0xa5: {  	s26 =	simm.s32 $execute0_lowered;
	[smem:$0x3FD2] =	sst s25  }
0xa6: {  	s4 =	sshll.u32 s26, $0x1;
	_ =	strace $0x80000046;
	[dreg:$0x1] =	wrdreg $0xFFFFFFFF  }
0xa7: {  	s28 =	simm.s32 $_size_execute0_lowered;
	s2 =	sadd.s32 s2, s4;
	[dreg:$0x0] =	wrdreg $0x0  }
0xa8: {  	s4 =	sshll.u32 s28, $0x1;
	[dreg:$0x2] =	wrdreg s2  }
0xa9: {  	[dreg:$0x3] =	wrdreg s4  }
0xaa: {  	[dreg:$0x4] =	wrdreg $0xC0  }
0xab: {  	_ =	task [dreg:s6], $0x5FFFF  }
0xac: {  	[dreg:$0x1] =	wrdreg $0xFFFFFFFF  }
0xad: {  	[dreg:$0x0] =	wrdreg $0x60  }
0xae: {  	[dreg:$0x2] =	wrdreg s24  }
0xaf: {  	[dreg:$0x3] =	wrdreg $0x9  }
0xb0: {  	_ =	task.clear_ibuf [dreg:s6], $0x4FFFF;
	_ =	strace $0x90000046  }
0xb1: {  	s29 =	simm.s32 $0x9;
	_ =	strace $0x80000048  }
0xb2: {  	_ =	swait.ge [sflag:s29], $0x1  }
0xb3: {  	[sflag:s29] =	ssyncadd.s32 $0xFFFFFFFF  }
0xb4: {  	_ =	strace $0x90000048  }
0xb5: {  	_ =	sfence  }
0xb6: {  	s30 =	sld [smem:$0x0];
	_ =	sdelay $0x2  }
0xb7: {  	s31 =	sshll.u32 s1, $0xD;
	s1 =	sshrl.u32 s1, $0x2  }
0xb8: {  	s3 =	sand.u32 $0x4000, s31;
	s1 =	sadd.s32 s1, s30  }
0xb9: {  	s0 =	sor.u32 s3, s0;
	s1 =	sshll.u32 s1, $0x11  }
0xba: {  	s0 =	sor.u32 s1, s0  }
0xbb: {  	s0 =	sadd.s32 $0x8F2B, s0  }
0xbc: {  	[sflag:s0] =	ssyncadd.remote.s32 $0x1  }
0xbd: {  	_ =	sfence.sel $0xFFFF  }
0xbe: {  	[dreg:$0x0] =	wrdreg $0xFFFFFFFF;
	(pc) =	sbr.abs _section_cstart, $3  }
0xbf: {  	[dreg:$0x1] =	wrdreg $0xFFFFFFFF  }
0xc0: {  	_ =	task.clear_ibuf [dreg:s6], $0x2FFFF;
	_ =	strace $0x9FFFFFFF  }
0xc1: {  	(tm) =	ssettm $0x7FFFFFFF  }
tec
execute0_lowered:
.L_overlay_start_1:
0x0: {  	(tag) =	ssettag $0x1  }
0x1: {  	s0 =	rddreg [dreg:$0x0];
	s2 =	simm.s32 $0x0  }
0x2: {  	s1 =	srdreg.scid;
	s9 =	stileid.u32;
	s28 =	simm.s32 $0x320  }
0x3: {  	s29 =	simm.s32 $0x1;
	s30 =	simm.s32 $0x640;
	s31 =	simm.s32 $0x3  }
0x4: {  	[smem:$0x7FF] =	sst s2;
	s1 =	sand.u32 $0x1, s1;
	s3 =	sshll.u32 s9, $0x1  }
0x5: {  	s4 =	sadd.s32 $0x2800, s0;
	s10 =	sadd.s32 $0x15400, s0;
	s11 =	sadd.s32 $0x15720, s0  }
0x6: {  	s12 =	sadd.s32 $0x158B0, s0;
	s13 =	sadd.s32 $0x15A40, s0;
	s14 =	sadd.s32 $0x15BD0, s0  }
0x7: {  	s15 =	sadd.s32 $0x15D60, s0;
	s16 =	sadd.s32 $0x15EF0, s0;
	s17 =	sadd.s32 $0x16080, s0  }
0x8: {  	s9 =	smul.u32 $0x19000, s9;
	s18 =	sadd.s32 $0x16210, s0;
	s19 =	sadd.s32 $0x163A0, s0  }
0x9: {  	s20 =	sadd.s32 $0x16530, s0;
	s21 =	sadd.s32 $0x166C0, s0;
	s22 =	sadd.s32 $0x16850, s0  }
0xa: {  	s23 =	sadd.s32 $0x169E0, s0;
	s24 =	sadd.s32 $0x16B70, s0;
	_ =	strace $0x80000047  }
0xb: {  	s5 =	sor.u32 s1, s3;
	s3 =	sadd.s32 $0xF44C00, s0;
	s6 =	ssub.s32 $0x2, s1  }
0xc: {  	s7 =	smul.u32 $0x1900, s5;
	s8 =	sshrl.u32 s6, $0x1;
	s5 =	sshll.u32 s5, $0x7  }
0xd: {  	s1 =	smul.u32 $0xC800, s1;
	s6 =	ssub.s32 s6, s8;
	[dreg:$0x2] =	wrdreg s5  }
0xe: {  	s5 =	sadd.s32 s9, s10;
	s25 =	sshrl.u32 s7, $0x3;
	s26 =	sadd.s32 $0x640, s7  }
0xf: {  	s7 =	sadd.s32 $0x960, s7;
	s8 =	smax.u32 s6, $0x1;
	[dreg:$0x4] =	wrdreg s26  }
.Ltmp0:
0x10: {  	s1 =	sadd.s32 s1, s5;
	[dreg:$0x5] =	wrdreg s7;
	(pc) =	sbr.rel .LBB2_1-.Ltmp0, $4  }
0x11: {  	[dreg:$0x6] =	wrdreg s8;
	s8 =	smov.u32 s10;
	s10 =	sadd.s32 $0x1900, s1  }
0x12: {  	s25 =	sadd.s32 s4, s25;
	s7 =	simm.s32 $0x2;
	[dreg:$0x7] =	wrdreg s10  }
0x13: {  	s1 =	simm.s32 $0x0;
	[dreg:$0x3] =	wrdreg s25;
	s26 =	sadd.s32 $0x64, s25  }
0x14: {  	s25 =	simm.s32 $0x6;
	[dreg:$0x8] =	wrdreg s26;
	s26 =	simm.s32 $0x4  }
.LBB2_6:
0x15: {  	s0 =	simm.s32 $0x5  }
0x16: {  	_ =	swait.ge [sflag:s0], $0xC800  }
0x17: {  	[sflag:s0] =	ssyncset.done $0x0  }
0x18: {  	[sflag:s0] =	ssyncadd.s32 $0xFFFF3800  }
0x19: {  	_ =	swait.ge [sflag:s25], $0xC800  }
0x1a: {  	s1 =	rddreg [dreg:$0x9]  }
0x1b: {  	s10 =	rddreg [dreg:$0x6];
	s1 =	sadd.s32 $0x1, s1  }
0x1c: {  	p0 =	sne.s32 s1, s10  }
.Ltmp1:
0x1d: {  	_ = 	snop;
	(pc) =	sbr.rel @!p0 .LBB2_7-.Ltmp1, $3  }
0x1e: {  	_ =	sdelay $0x1  }
0x1f: {  	[sflag:s25] =	ssyncset.done $0x0  }
0x20: {  	[sflag:s25] =	ssyncadd.s32 $0xFFFF3800  }
.LBB2_1:
0x21: {  	[dreg:$0x9] =	wrdreg s1  }
0x22: {  	s0 =	rddreg [dreg:$0x3]  }
0x23: {  	s10 =	rddreg [dreg:$0x8]  }
0x24: {  	[tilespmem:s2], [sflag:$0x1] =	stream.linear.gather [hbm4b:s0+s2], $0x320, $0x38;
	[tilespmem:$0x19640] =	vst v63  }
0x25: {  	s1 =	simm.s32 $0x0;
	s0 =	rddreg [dreg:$0x7]  }
0x26: {  	[tilespmem:s28], [sflag:$0x2] =	stream.linear.gather [hbm4b:s10+s2], $0x320, $0x38;
	[tilespmem:$0x19640] =	vst v63  }
.LBB2_2:
0x27: {  	p0 =	seq.s32 s1, $0x0  }
0x28: {  	s5 =	simm.s32 @!p0 $0x5  }
0x29: {  	_ =	swait.ge @!p0 [sflag:s5], $0xC800  }
0x2a: {  	[sflag:s5] =	ssyncset.done @!p0 $0x0  }
0x2b: {  	[sflag:s5] =	ssyncadd.s32 @!p0 $0xFFFF3800  }
0x2c: {  	_ =	swait.ge [sflag:s29], $0x320  }
0x2d: {  	s9 =	sshll.u32 s1, $0x5;
	[sflag:s29] =	ssyncset.done $0x0;
	s6 =	rddreg [dreg:$0x2]  }
0x2e: {  	[sflag:s29] =	ssyncadd.s32 $0xFFFFFCE0;
	s5 =	sor.u32 s9, s6  }
0x2f: {  	[tilespmem:s30], [sflag:$0x3] =	stream.indirect.gather [hbm4b:s3+s28], $0x40, s2, s28, $0xb8;
	[tilespmem:$0x19640] =	vst v63  }
0x30: {  	s5 =	smul.u32 $0x190, s5;
	_ =	swait.ge [sflag:s31], $0xC800  }
0x31: {  	[sflag:s31] =	ssyncset.done $0x0  }
0x32: {  	s10 =	sadd.s32 s8, s5;
	[sflag:s31] =	ssyncadd.s32 $0xFFFF3800  }
0x33: {  	[hbm4b:s10+s2] =	stream.linear.scatter [tilespmem:s30], [sflag:$0x5], $0xC80, $0x38;
	[tilespmem:$0x19640] =	vst v63  }
0x34: {  	s9 =	simm.s32 $0x12C0;
	s6 =	sadd.s32 $0x190, s10  }
0x35: {  	[hbm4b:s6+s2] =	stream.linear.scatter [tilespmem:s9], [sflag:$0x5], $0xC80, $0x38;
	[tilespmem:$0x19640] =	vst v63  }
0x36: {  	s10 =	simm.s32 $0x1F40;
	s9 =	sadd.s32 s11, s5  }
0x37: {  	[hbm4b:s9+s2] =	stream.linear.scatter [tilespmem:s10], [sflag:$0x5], $0xC80, $0x38;
	[tilespmem:$0x19640] =	vst v63  }
0x38: {  	s9 =	sadd.s32 s12, s5;
	s10 =	simm.s32 $0x2BC0  }
0x39: {  	[hbm4b:s9+s2] =	stream.linear.scatter [tilespmem:s10], [sflag:$0x5], $0xC80, $0x38;
	[tilespmem:$0x19640] =	vst v63  }
0x3a: {  	s9 =	sadd.s32 s13, s5;
	s10 =	simm.s32 $0x3840  }
0x3b: {  	[hbm4b:s9+s2] =	stream.linear.scatter [tilespmem:s10], [sflag:$0x5], $0xC80, $0x38;
	[tilespmem:$0x19640] =	vst v63  }
0x3c: {  	s9 =	sadd.s32 s14, s5;
	s10 =	simm.s32 $0x44C0  }
0x3d: {  	[hbm4b:s9+s2] =	stream.linear.scatter [tilespmem:s10], [sflag:$0x5], $0xC80, $0x38;
	[tilespmem:$0x19640] =	vst v63  }
0x3e: {  	s9 =	sadd.s32 s15, s5;
	s10 =	simm.s32 $0x5140  }
0x3f: {  	[hbm4b:s9+s2] =	stream.linear.scatter [tilespmem:s10], [sflag:$0x5], $0xC80, $0x38;
	[tilespmem:$0x19640] =	vst v63  }
0x40: {  	s9 =	sadd.s32 s16, s5;
	s10 =	simm.s32 $0x5DC0  }
0x41: {  	[hbm4b:s9+s2] =	stream.linear.scatter [tilespmem:s10], [sflag:$0x5], $0xC80, $0x38;
	[tilespmem:$0x19640] =	vst v63  }
0x42: {  	s9 =	sadd.s32 s17, s5;
	s10 =	simm.s32 $0x6A40  }
0x43: {  	[hbm4b:s9+s2] =	stream.linear.scatter [tilespmem:s10], [sflag:$0x5], $0xC80, $0x38;
	[tilespmem:$0x19640] =	vst v63  }
0x44: {  	s9 =	sadd.s32 s18, s5;
	s10 =	simm.s32 $0x76C0  }
0x45: {  	[hbm4b:s9+s2] =	stream.linear.scatter [tilespmem:s10], [sflag:$0x5], $0xC80, $0x38;
	[tilespmem:$0x19640] =	vst v63  }
0x46: {  	s9 =	sadd.s32 s19, s5;
	s10 =	simm.s32 $0x8340  }
0x47: {  	[hbm4b:s9+s2] =	stream.linear.scatter [tilespmem:s10], [sflag:$0x5], $0xC80, $0x38;
	[tilespmem:$0x19640] =	vst v63  }
0x48: {  	s9 =	sadd.s32 s20, s5;
	s10 =	simm.s32 $0x8FC0  }
0x49: {  	[hbm4b:s9+s2] =	stream.linear.scatter [tilespmem:s10], [sflag:$0x5], $0xC80, $0x38;
	[tilespmem:$0x19640] =	vst v63  }
0x4a: {  	s9 =	sadd.s32 s21, s5;
	s10 =	simm.s32 $0x9C40  }
0x4b: {  	[hbm4b:s9+s2] =	stream.linear.scatter [tilespmem:s10], [sflag:$0x5], $0xC80, $0x38;
	[tilespmem:$0x19640] =	vst v63  }
0x4c: {  	s9 =	sadd.s32 s22, s5;
	s10 =	simm.s32 $0xA8C0  }
0x4d: {  	[hbm4b:s9+s2] =	stream.linear.scatter [tilespmem:s10], [sflag:$0x5], $0xC80, $0x38;
	[tilespmem:$0x19640] =	vst v63  }
0x4e: {  	p0 =	seq.s32 s1, $0x3;
	s9 =	sadd.s32 s23, s5;
	s10 =	simm.s32 $0xB540  }
0x4f: {  	[hbm4b:s9+s2] =	stream.linear.scatter [tilespmem:s10], [sflag:$0x5], $0xC80, $0x38;
	[tilespmem:$0x19640] =	vst v63  }
0x50: {  	s6 =	smul.u32 @!p0 $0x640, s1;
	s5 =	sadd.s32 s24, s5;
	s10 =	simm.s32 $0xC1C0  }
0x51: {  	[hbm4b:s5+s2] =	stream.linear.scatter [tilespmem:s10], [sflag:$0x5], $0xC80, $0x38;
	[tilespmem:$0x19640] =	vst v63  }
0x52: {  	s5 =	rddreg [dreg:$0x4]  }
0x53: {  	s5 =	sadd.s32 @!p0 s6, s5  }
0x54: {  	p1 =	seq.s32 @!p0 s1, $0x0;
	s5 =	sshrl.u32 @!p0 s5, $0x3  }
0x55: {  	p1 =	por p0, !p1;
	s6 =	simm.s32 @!p0 $0x0;
	s5 =	sadd.s32 @!p0 s4, s5  }
0x56: {  	[tilespmem:s6], [sflag:$0x1] =	stream.linear.gather @!p0 [hbm4b:s5+s6], $0x320, $0x38;
	[tilespmem:$0x19640] =	vst v63  }
0x57: {  	_ =	swait.ge @p1 [sflag:s25], $0xC800  }
0x58: {  	[sflag:s25] =	ssyncset.done @p1 $0x0  }
0x59: {  	[sflag:s25] =	ssyncadd.s32 @p1 $0xFFFF3800  }
0x5a: {  	_ =	swait.ge [sflag:s7], $0x320  }
0x5b: {  	[sflag:s7] =	ssyncset.done $0x0  }
0x5c: {  	s10 =	simm.s32 $0xCE40;
	[sflag:s7] =	ssyncadd.s32 $0xFFFFFCE0  }
0x5d: {  	[tilespmem:s10], [sflag:$0x4] =	stream.indirect.gather [hbm4b:s3+s28], $0x40, s28, s28, $0xb8;
	[tilespmem:$0x19640] =	vst v63  }
0x5e: {  	_ =	swait.ge [sflag:s26], $0xC800  }
0x5f: {  	s9 =	simm.s32 $0xDAC0;
	[sflag:s26] =	ssyncset.done $0x0  }
0x60: {  	s5 =	simm.s32 $0x190;
	s6 =	sadd.s32 $0x0, s0;
	[sflag:s26] =	ssyncadd.s32 $0xFFFF3800  }
.LBB2_3:
0x61: {  	[hbm4b:s6+s2] =	stream.linear.scatter [tilespmem:s10], [sflag:$0x6], $0xC80, $0x38;
	[tilespmem:$0x19640] =	vst v63  }
0x62: {  	s6 =	smov.u32 s5;
	s10 =	smov.u32 s9;
	p1 =	sne.s32 s5, $0x1770  }
.Ltmp2:
0x63: {  	s5 =	sadd.s32 $0x190, s5;
	(pc) =	sbr.rel @p1 .LBB2_3-.Ltmp2, $2  }
0x64: {  	_ =	sdelay $0x2  }
0x65: {  	s9 =	sadd.s32 $0xC80, s9;
	s6 =	sadd.s32 s6, s0  }
.Ltmp3:
0x66: {  	(pc) =	sbr.rel @p0 .LBB2_6-.Ltmp3, $2  }
0x67: {  	_ =	sdelay $0x2  }
0x68: {  	[hbm4b:s6+s2] =	stream.linear.scatter [tilespmem:s10], [sflag:$0x6], $0xC80, $0x38;
	[tilespmem:$0x19640] =	vst v63  }
0x69: {  	s5 =	smul.u32 $0x640, s1  }
.Ltmp4:
0x6a: {  	s6 =	rddreg [dreg:$0x5];
	(pc) =	sbr.rel .LBB2_2-.Ltmp4, $4  }
0x6b: {  	s5 =	sadd.s32 s5, s6  }
0x6c: {  	s5 =	sshrl.u32 s5, $0x3  }
0x6d: {  	s1 =	sadd.s32 $0x1, s1;
	s0 =	sadd.s32 $0x3200, s0;
	s5 =	sadd.s32 s4, s5  }
0x6e: {  	[tilespmem:s28], [sflag:$0x2] =	stream.linear.gather [hbm4b:s5+s2], $0x320, $0x38;
	[tilespmem:$0x19640] =	vst v63  }
.LBB2_7:
0x6f: {  	_ =	sfence.sel $0x180000  }
0x70: {  	[bflag:$0x0] =	sbarrier.arrive $0xFFFF  }
0x71: {  	_ =	strace $0x90000047  }
0x72: {  	s0 =	stileid.u32;
	[bflag:$0x2] =	sbarrier.arrive $0xFFFF  }
0x73: {  	p0 =	sne.s32 s0, $0x0;
	s0 =	rddreg [dreg:$0x1]  }
0x74: {  	s0 =	sadd.s32 @!p0 $0x100000, s0  }
0x75: {  	[sflag:s0] =	ssyncadd.tile.s32 @!p0 $0x1;
	_ =	shalt  }
.Lfunc_end2:
_tile_overlayer_lowered:
.L_overlay_start_2:
0x76: {  	(tag) =	ssettag $0x2  }
0x77: {  	s0 =	rddreg [dreg:$0x0];
	s2 =	stileid.u32  }
0x78: {  	s1 =	rddreg [dreg:$0x1];
	p0 =	sne.s32 s2, $0x0  }
0x79: {  	s3 =	rddreg [dreg:$0x2];
	[bflag:$0x3] =	sbarrier.arrive $0xFFFF;
	s2 =	simm.s32 @!p0 $0x1C07  }
0x7a: {  	[timem:s3], [sflag:s2] =	dma.local @!p0 [hbm:s0], s1  }
0x7b: {  	s0 =	simm.s32 @!p0 $0x7  }
0x7c: {  	_ =	swait.ge @!p0 [sflag:s0], s1  }
0x7d: {  	s1 =	ssub.s32 @!p0 $0x0, s1;
	[sflag:s0] =	ssyncset.done @!p0 $0x0  }
0x7e: {  	[sflag:s0] =	ssyncadd.s32 @!p0 s1  }
0x7f: {  	[bflag:$0x3] =	sbarrier.arrive $0xFFFF  }
0x80: {  	_ =	shalt  }

// kernel: sparse-core-data-format-call.1.cloned.1.call-start
scs
called_computation.1_lowered:
.L_overlay_start_0:
0x0: {  	s2 =	sld [smem:$0x3FD9]  }
0x1: {  	s3 =	sld [smem:$0x3FFE];
	_ =	sdelay $0x1  }
0x2: {  	s1 =	srdreg.scid  }
0x3: {  	s0 =	sand.u32 $0x1, s1  }
0x4: {  	s18 =	sshll.u32 s0, $0xA;
	s2 =	sadd.s32 s3, s2  }
0x5: {  	s2 =	sadd.s32 s2, s18  }
0x6: {  	[smem:$0x3FC6] =	sst s2  }
0x7: {  	_ = 	snop  }
0x8: {  	(tm) =	ssettm $0x1  }
0x9: {  	s19 =	sld [smem:$0x3FFB];
	_ =	sdelay $0x3  }
0xa: {  	_ =	strace s19  }
0xb: {  	s2 =	sld [smem:$0x3FFC];
	_ =	sdelay $0x3  }
0xc: {  	_ =	strace s2  }
0xd: {  	s2 =	sld [smem:$0x3FFD];
	_ =	sdelay $0x3  }
0xe: {  	_ =	strace s2  }
0xf: {  	_ =	strace $0x8FFFFFFF  }
0x10: {  	s20 =	sld [smem:$0x3FDB];
	_ =	sdelay $0x1  }
0x11: {  	s21 =	simm.s32 $_scs_section_size  }
0x12: {  	s4 =	simm.s32 $_size__tile_overlayer_lowered;
	s5 =	simm.s32 $_tile_overlayer_lowered  }
0x13: {  	s6 =	simm.s32 $0x1BFF;
	s22 =	sshll.u32 s5, $0x1;
	s3 =	sadd.s32 s21, s20  }
0x14: {  	s23 =	simm.s32 $0x0;
	s4 =	sshll.u32 s4, $0x1;
	s5 =	sadd.s32 s22, s3  }
0x15: {  	[timem:s23], [sflag:s6] =	dma.local [hbm:s5], s4  }
0x16: {  	_ =	swait.ge [sflag:s6], s4  }
0x17: {  	s4 =	ssub.s32 $0x0, s4;
	[sflag:s6] =	ssyncset.done $0x0  }
0x18: {  	[sflag:s6] =	ssyncadd.s32 s4;
	_ =	sdelay $0x1  }
0x19: {  	s24 =	simm.s32 $0x1B8B  }
0x1a: {  	_ =	swait.ge [sflag:s24], $0x1  }
0x1b: {  	[sflag:s24] =	ssyncset.done $0x0  }
0x1c: {  	[sflag:s24] =	ssyncadd.s32 $0xFFFFFFFF  }
0x1d: {  	s4 =	sld [smem:$0x0]  }
0x1e: {  	s5 =	sand.u32 $0xFFFFFFFE, s1  }
0x1f: {  	p0 =	sne.s32 s1, s5  }
0x20: {  	s5 =	sshll.u32 @p0 s5, $0xE  }
0x21: {  	s5 =	sadd.s32 @p0 $0x11B8D, s5;
	s6 =	sshll.u32 @p0 s4, $0x11  }
0x22: {  	s5 =	sor.u32 @p0 s6, s5  }
0x23: {  	[sflag:s5] =	ssyncadd.remote.s32 @p0 $0x1;
	_ =	sdelay $0x1  }
0x24: {  	s5 =	simm.s32 @p0 $0x1B8D  }
0x25: {  	_ =	swait.eq @p0 [sflag:s5], $0x1  }
0x26: {  	[sflag:s5] =	ssyncadd.s32 @p0 $0xFFFFFFFF  }
0x27: {  	s6 =	sshll.u32 @!p0 s1, $0xE  }
0x28: {  	s6 =	sor.u32 @!p0 $0x4000, s6;
	s5 =	simm.s32 @!p0 $0x1B8D  }
0x29: {  	s4 =	sshll.u32 @!p0 s4, $0x11;
	s6 =	sadd.s32 @!p0 $0x11B8D, s6;
	_ =	swait.eq @!p0 [sflag:s5], $0x1  }
0x2a: {  	s4 =	sor.u32 @!p0 s4, s6;
	[sflag:s5] =	ssyncadd.s32 @!p0 $0xFFFFFFFF  }
0x2b: {  	s26 =	simm.s32 $0x1B8E;
	s25 =	sld [smem:$0x3FFE];
	[sflag:s4] =	ssyncadd.remote.s32 @!p0 $0x1  }
0x2c: {  	s27 =	simm.s32 $execute0_lowered;
	[smem:$0x3FD2] =	sst s26  }
0x2d: {  	s5 =	sshll.u32 s27, $0x1;
	_ =	strace $0x80000052;
	[dreg:$0x1] =	wrdreg $0xFFFFFFFF  }
0x2e: {  	s28 =	simm.s32 $_size_execute0_lowered;
	s3 =	sadd.s32 s3, s5;
	[dreg:$0x0] =	wrdreg $0x0  }
0x2f: {  	s5 =	sshll.u32 s28, $0x1;
	[dreg:$0x2] =	wrdreg s3  }
0x30: {  	[dreg:$0x3] =	wrdreg s5  }
0x31: {  	[dreg:$0x4] =	wrdreg $0xC0  }
0x32: {  	_ =	task [dreg:s23], $0x5FFFF  }
0x33: {  	[dreg:$0x1] =	wrdreg $0xFFFFFFFF  }
0x34: {  	[dreg:$0x0] =	wrdreg $0x60  }
0x35: {  	[dreg:$0x2] =	wrdreg s25  }
0x36: {  	[dreg:$0x3] =	wrdreg $0x9  }
0x37: {  	_ =	task.clear_ibuf [dreg:s23], $0x4FFFF;
	_ =	strace $0x90000052  }
0x38: {  	s29 =	simm.s32 $0x9;
	_ =	strace $0x80000054  }
0x39: {  	_ =	swait.ge [sflag:s29], $0x1  }
0x3a: {  	[sflag:s29] =	ssyncadd.s32 $0xFFFFFFFF  }
0x3b: {  	_ =	strace $0x90000054  }
0x3c: {  	_ =	sfence  }
0x3d: {  	s30 =	sld [smem:$0x0];
	_ =	sdelay $0x2  }
0x3e: {  	s31 =	sshll.u32 s1, $0xD;
	s1 =	sshrl.u32 s1, $0x2  }
0x3f: {  	s4 =	sand.u32 $0x4000, s31;
	s1 =	sadd.s32 s1, s30  }
0x40: {  	s0 =	sor.u32 s4, s0;
	s1 =	sshll.u32 s1, $0x11  }
0x41: {  	s0 =	sor.u32 s1, s0  }
0x42: {  	s0 =	sadd.s32 $0x8F2B, s0  }
0x43: {  	[sflag:s0] =	ssyncadd.remote.s32 $0x1  }
0x44: {  	_ =	sfence.sel $0xFFFF  }
0x45: {  	[dreg:$0x0] =	wrdreg $0xFFFFFFFF;
	(pc) =	sbr.abs _section_cstart, $3  }
0x46: {  	[dreg:$0x1] =	wrdreg $0xFFFFFFFF  }
0x47: {  	_ =	task.clear_ibuf [dreg:s23], $0x2FFFF;
	_ =	strace $0x9FFFFFFF  }
0x48: {  	(tm) =	ssettm $0x7FFFFFFF  }
0x49: {  	_ =	shalt  }
tec
execute0_lowered:
.L_overlay_start_1:
0x0: {  	(tag) =	ssettag $0x1  }
0x1: {  	s0 =	srdreg.scid  }
0x2: {  	s1 =	sshll.u32 s0, $0x4  }
0x3: {  	s0 =	stileid.u32;
	s1 =	sand.u32 $0x10, s1  }
0x4: {  	s1 =	sor.u32 s0, s1  }
0x5: {  	s6 =	rddreg [dreg:$0x0];
	s7 =	simm.s32 $0x2;
	s2 =	sshll.u32 s1, $0x7  }
0x6: {  	s12 =	simm.s32 $0x0;
	s8 =	simm.s32 $0x8000;
	s1 =	ssub.s32 $0x1000, s2  }
0x7: {  	s13 =	simm.s32 $0x0;
	s9 =	simm.s32 $0x0;
	s3 =	sand.u32 $0xF80, s1  }
0x8: {  	s11 =	simm.s32 $0x0;
	p0 =	sne.s32 s3, $0x0;
	s3 =	simm.s32 $0x1  }
.Ltmp0:
0x9: {  	s4 =	sshrl.u32 s1, $0xC;
	s3 =	simm.s32 @!p0 $0x0;
	(pc) =	sbr.rel .LBB1_1-.Ltmp0, $4  }
0xa: {  	s5 =	sadd.s32 $0x4CB800, s6;
	s1 =	rddreg [dreg:$0x1];
	s4 =	sadd.s32 s3, s4  }
0xb: {  	_ =	strace $0x80000053;
	s3 =	simm.s32 $0x1;
	s4 =	smul.u32 $0x32, s4  }
0xc: {  	s6 =	sadd.s32 $0x15400, s6;
	s10 =	smov.u32 s2;
	[sflag:s3] =	ssyncpa.u1 $0x0  }
0xd: {  	p0 =	por $0x0, $0x0;
	[sflag:s7] =	ssyncpa.u1 $0x0;
	s7 =	sor.u32 $0x1, s4  }
.LBB1_4:
0xe: {  	s16 =	sshll.u32 s13, $0x3;
	s17 =	sand.u32 $0x78, s13  }
0xf: {  	s30 =	sand.u32 $0x7E00, s13;
	s12 =	sshll.u32 s12, $0xF;
	s16 =	sand.u32 $0xC00, s16  }
0x10: {  	[tilespmem:s15+$0x810 ss:$0x81] =	vst.msk $0xffff, v2;
	s31 =	sand.u32 $0x7, s13;
	s16 =	sor.u32 s17, s16;
	s17 =	sadd.s32 s6, s30  }
0x11: {  	[tilespmem:s15+$0x1020 ss:$0x81] =	vst.msk $0xffff, v0;
	s13 =	sshll.u32 s31, $0x12;
	s12 =	sadd.s32 s12, s17;
	s16 =	sshrl.u32 s16, $0x3  }
0x12: {  	[tilespmem:s15+$0x0 ss:$0x81] =	vst.msk $0xffff, v1;
	s13 =	sor.u32 $0x400, s13;
	s12 =	sadd.s32 s16, s12  }
0x13: {  	[hbm4b:s12+s13] =	stream.strided.scatter [tilespmem:s14], [sflag:$0x2], $0x2000, s8, s13, $0x20;
	[tilespmem:$0x8080] =	vst v63  }
.LBB1_5:
0x14: {  	s14 =	sadd.s32 $0x1, s9  }
0x15: {  	s12 =	sadd.s32 $0x1000, s10;
	s16 =	smov.u32 s10;
	p2 =	sgt.s32 s14, $0x31  }
0x16: {  	s16 =	smov.u32 @p2 s12  }
0x17: {  	s14 =	simm.s32 @p2 $0x0;
	p2 =	sgt.s32 s16, $0xFFF  }
0x18: {  	s16 =	smov.u32 @p2 s2;
	p2 =	sne.s32 s11, s7  }
.Ltmp1:
0x19: {  	p1 =	slt.u32 s11, $0x2;
	(pc) =	sbr.rel @!p2 .LBB1_6-.Ltmp1, $4  }
0x1a: {  	s15 =	simm.s32 @!p1 $0x2  }
0x1b: {  	s13 =	smov.u32 s10;
	p0 =	por !p0, !p0;
	_ =	swait.ge @!p1 [sflag:s15], $0x2000  }
0x1c: {  	s12 =	smov.u32 s9;
	[sflag:s15] =	ssyncset.done @!p1 $0x0;
	s9 =	smov.u32 s14  }
0x1d: {  	s11 =	sadd.s32 $0x1, s11;
	[sflag:s15] =	ssyncadd.s32 @!p1 $0xFFFFE000;
	s10 =	smov.u32 s16  }
.LBB1_1:
0x1e: {  	p1 =	sge.u32 s11, s4  }
0x1f: {  	s14 =	sand.u32 @!p1 $0x1FFFFFF, s9  }
0x20: {  	s15 =	smulhi.u32 @!p1 $0x4924925, s14;
	_ =	sdelay $0x1  }
0x21: {  	s15 =	smul.u32 @!p1 $0x38, s15  }
0x22: {  	s16 =	sxor.u32 @!p1 $0xFFFFFFFF, s11;
	s17 =	smul.u32 @!p1 $0x380, s10  }
0x23: {  	s31 =	sadd.s32 $0xFFFFFFFF, s11;
	s16 =	sshll.u32 @!p1 s16, $0xD;
	s14 =	ssub.s32 @!p1 s14, s15  }
0x24: {  	s15 =	sand.u32 @!p1 $0x2000, s16;
	s16 =	sadd.s32 @!p1 s5, s17;
	s14 =	sshll.u32 @!p1 s14, $0x4  }
0x25: {  	s17 =	simm.s32 @!p1 $0x1C00;
	s14 =	sadd.s32 @!p1 s14, s16;
	s16 =	simm.s32 @!p1 $0x40  }
0x26: {  	[tilespmem:s15], [sflag:$0x1] =	stream.strided.gather @!p1 [hbm4b:s14+s16], $0x2000, s17, s16, $0x38;
	[tilespmem:$0x8080] =	vst v63  }
0x27: {  	p1 =	sge.u32 s31, s4  }
.Ltmp2:
0x28: {  	_ = 	snop;
	(pc) =	sbr.rel @p1 .LBB1_5-.Ltmp2, $1  }
0x29: {  	_ =	sdelay $0x3  }
0x2a: {  	s14 =	simm.s32 $0x1  }
0x2b: {  	_ =	swait.ge [sflag:s3], $0x2000;
	s14 =	simm.s32 @!p0 $0x0  }
0x2c: {  	[sflag:s3] =	ssyncset.done $0x0;
	s15 =	sshll.u32 s14, $0xD  }
0x2d: {  	[sflag:s3] =	ssyncadd.s32 $0xFFFFE000;
	s18 =	sor.u32 $0x20, s15  }
0x2e: {  	s14 =	smul.u32 $0x8100, s14;
	v3 =	vld [tilespmem:s18+$0x10]  }
0x2f: {  	s30 =	sand.u32 $0x1, s11;
	v2 =	vld [tilespmem:s18+$0xFFFFFFF0]  }
0x30: {  	s15 =	smul.u32 $0x8100, s30;
	s14 =	sshrl.u32 s14, $0x2;
	v0 =	vld [tilespmem:s18+$0x0]  }
0x31: {  	v1 =	vld [tilespmem:s18+$0xFFFFFFE0];
	s16 =	sor.u32 $0x4000, s14  }
0x32: {  	s31 =	sshrl.u32 s15, $0x2;
	s15 =	sadd.s32 $0x0, s16  }
0x33: {  	s17 =	simm.s32 $0x4;
	s18 =	sadd.s32 $0x40, s18;
	s14 =	sor.u32 $0x4000, s31;
	[tilespmem:s15+$0x1830 ss:$0x81] =	vst.msk $0xffff, v3  }
.LBB1_3:
0x34: {  	v3 =	vld [tilespmem:s18+$0x10];
	p1 =	sne.s32 s17, $0x1FC;
	[tilespmem:s15+$0x810 ss:$0x81] =	vst.msk $0xffff, v2;
	s19 =	smov.u32 s17;
	s17 =	sadd.s32 $0x4, s17  }
.Ltmp3:
0x35: {  	v2 =	vld [tilespmem:s18+$0xFFFFFFF0];
	[tilespmem:s15+$0x1020 ss:$0x81] =	vst.msk $0xffff, v0;
	(pc) =	sbr.rel @p1 .LBB1_3-.Ltmp3, $4  }
0x36: {  	v0 =	vld [tilespmem:s18+$0x0];
	[tilespmem:s15+$0x0 ss:$0x81] =	vst.msk $0xffff, v1  }
0x37: {  	s15 =	sshra.s32 s19, $0x2;
	v1 =	vld [tilespmem:s18+$0xFFFFFFE0]  }
0x38: {  	s15 =	sadd.s32 s15, s16  }
0x39: {  	s18 =	sadd.s32 $0x40, s18;
	[tilespmem:s15+$0x1830 ss:$0x81] =	vst.msk $0xffff, v3  }
.Ltmp4:
0x3a: {  	_ = 	snop;
	(pc) =	sbr.rel .LBB1_4-.Ltmp4, $1  }
0x3b: {  	_ =	sdelay $0x3  }
.LBB1_6:
0x3c: {  	_ =	sfence.sel $0x180000  }
0x3d: {  	s2 =	simm.s32 $0x1;
	[bflag:$0x0] =	sbarrier.arrive $0xFFFF  }
0x3e: {  	s31 =	simm.s32 $0x2;
	[sflag:s2] =	ssyncpa.u1 $0x1  }
0x3f: {  	[sflag:s31] =	ssyncpa.u1 $0x1  }
0x40: {  	p0 =	sne.s32 s0, $0x0;
	_ =	strace $0x90000053  }
0x41: {  	s0 =	sadd.s32 @!p0 $0x100000, s1;
	[bflag:$0x2] =	sbarrier.arrive $0xFFFF  }
0x42: {  	[sflag:s0] =	ssyncadd.tile.s32 @!p0 $0x1;
	_ =	shalt  }
.Lfunc_end1:
_tile_overlayer_lowered:
.L_overlay_start_2:
0x43: {  	(tag) =	ssettag $0x2  }
0x44: {  	s0 =	rddreg [dreg:$0x0];
	s2 =	stileid.u32  }
0x45: {  	s1 =	rddreg [dreg:$0x1];
	p0 =	sne.s32 s2, $0x0  }
0x46: {  	s3 =	rddreg [dreg:$0x2];
	[bflag:$0x3] =	sbarrier.arrive $0xFFFF;
	s2 =	simm.s32 @!p0 $0x1C01  }
0x47: {  	[timem:s3], [sflag:s2] =	dma.local @!p0 [hbm:s0], s1  }
0x48: {  	s0 =	simm.s32 @!p0 $0x1  }
0x49: {  	_ =	swait.ge @!p0 [sflag:s0], s1  }
0x4a: {  	s1 =	ssub.s32 @!p0 $0x0, s1;
	[sflag:s0] =	ssyncset.done @!p0 $0x0  }
0x4b: {  	[sflag:s0] =	ssyncadd.s32 @!p0 s1  }
0x4c: {  	[bflag:$0x3] =	sbarrier.arrive $0xFFFF  }
0x4d: {  	_ =	shalt  }

// kernel: sparse-core-data-format-call.2.cloned.1.call-start
scs
called_computation.2_lowered:
.L_overlay_start_0:
0x0: {  	s2 =	sld [smem:$0x3FD9]  }
0x1: {  	s3 =	sld [smem:$0x3FFE];
	_ =	sdelay $0x1  }
0x2: {  	s1 =	srdreg.scid  }
0x3: {  	s0 =	sand.u32 $0x1, s1  }
0x4: {  	s18 =	sshll.u32 s0, $0xA;
	s2 =	sadd.s32 s3, s2  }
0x5: {  	s2 =	sadd.s32 s2, s18  }
0x6: {  	[smem:$0x3FC6] =	sst s2  }
0x7: {  	_ = 	snop  }
0x8: {  	(tm) =	ssettm $0x1  }
0x9: {  	s19 =	sld [smem:$0x3FFB];
	_ =	sdelay $0x3  }
0xa: {  	_ =	strace s19  }
0xb: {  	s2 =	sld [smem:$0x3FFC];
	_ =	sdelay $0x3  }
0xc: {  	_ =	strace s2  }
0xd: {  	s2 =	sld [smem:$0x3FFD];
	_ =	sdelay $0x3  }
0xe: {  	_ =	strace s2  }
0xf: {  	_ =	strace $0x8FFFFFFF  }
0x10: {  	s20 =	sld [smem:$0x3FDB];
	_ =	sdelay $0x1  }
0x11: {  	s21 =	simm.s32 $_scs_section_size  }
0x12: {  	s4 =	simm.s32 $_size__tile_overlayer_lowered;
	s5 =	simm.s32 $_tile_overlayer_lowered  }
0x13: {  	s6 =	simm.s32 $0x1BFF;
	s22 =	sshll.u32 s5, $0x1;
	s3 =	sadd.s32 s21, s20  }
0x14: {  	s23 =	simm.s32 $0x0;
	s4 =	sshll.u32 s4, $0x1;
	s5 =	sadd.s32 s22, s3  }
0x15: {  	[timem:s23], [sflag:s6] =	dma.local [hbm:s5], s4  }
0x16: {  	_ =	swait.ge [sflag:s6], s4  }
0x17: {  	s4 =	ssub.s32 $0x0, s4;
	[sflag:s6] =	ssyncset.done $0x0  }
0x18: {  	[sflag:s6] =	ssyncadd.s32 s4;
	_ =	sdelay $0x1  }
0x19: {  	s24 =	simm.s32 $0x1B8B  }
0x1a: {  	_ =	swait.ge [sflag:s24], $0x1  }
0x1b: {  	[sflag:s24] =	ssyncset.done $0x0  }
0x1c: {  	[sflag:s24] =	ssyncadd.s32 $0xFFFFFFFF  }
0x1d: {  	s4 =	sld [smem:$0x0]  }
0x1e: {  	s5 =	sand.u32 $0xFFFFFFFE, s1  }
0x1f: {  	p0 =	sne.s32 s1, s5  }
0x20: {  	s5 =	sshll.u32 @p0 s5, $0xE  }
0x21: {  	s5 =	sadd.s32 @p0 $0x11B8D, s5;
	s6 =	sshll.u32 @p0 s4, $0x11  }
0x22: {  	s5 =	sor.u32 @p0 s6, s5  }
0x23: {  	[sflag:s5] =	ssyncadd.remote.s32 @p0 $0x1;
	_ =	sdelay $0x1  }
0x24: {  	s5 =	simm.s32 @p0 $0x1B8D  }
0x25: {  	_ =	swait.eq @p0 [sflag:s5], $0x1  }
0x26: {  	[sflag:s5] =	ssyncadd.s32 @p0 $0xFFFFFFFF  }
0x27: {  	s6 =	sshll.u32 @!p0 s1, $0xE  }
0x28: {  	s6 =	sor.u32 @!p0 $0x4000, s6;
	s5 =	simm.s32 @!p0 $0x1B8D  }
0x29: {  	s4 =	sshll.u32 @!p0 s4, $0x11;
	s6 =	sadd.s32 @!p0 $0x11B8D, s6;
	_ =	swait.eq @!p0 [sflag:s5], $0x1  }
0x2a: {  	s4 =	sor.u32 @!p0 s4, s6;
	[sflag:s5] =	ssyncadd.s32 @!p0 $0xFFFFFFFF  }
0x2b: {  	s26 =	simm.s32 $0x1B8E;
	s25 =	sld [smem:$0x3FFE];
	[sflag:s4] =	ssyncadd.remote.s32 @!p0 $0x1  }
0x2c: {  	s27 =	simm.s32 $execute0_lowered;
	[smem:$0x3FD2] =	sst s26  }
0x2d: {  	s5 =	sshll.u32 s27, $0x1;
	_ =	strace $0x80000055;
	[dreg:$0x1] =	wrdreg $0xFFFFFFFF  }
0x2e: {  	s28 =	simm.s32 $_size_execute0_lowered;
	s3 =	sadd.s32 s3, s5;
	[dreg:$0x0] =	wrdreg $0x0  }
0x2f: {  	s5 =	sshll.u32 s28, $0x1;
	[dreg:$0x2] =	wrdreg s3  }
0x30: {  	[dreg:$0x3] =	wrdreg s5  }
0x31: {  	[dreg:$0x4] =	wrdreg $0xC0  }
0x32: {  	_ =	task [dreg:s23], $0x5FFFF  }
0x33: {  	[dreg:$0x1] =	wrdreg $0xFFFFFFFF  }
0x34: {  	[dreg:$0x0] =	wrdreg $0x60  }
0x35: {  	[dreg:$0x2] =	wrdreg s25  }
0x36: {  	[dreg:$0x3] =	wrdreg $0xB  }
0x37: {  	_ =	task.clear_ibuf [dreg:s23], $0x4FFFF;
	_ =	strace $0x90000055  }
0x38: {  	s29 =	simm.s32 $0xB;
	_ =	strace $0x80000057  }
0x39: {  	_ =	swait.ge [sflag:s29], $0x1  }
0x3a: {  	[sflag:s29] =	ssyncadd.s32 $0xFFFFFFFF  }
0x3b: {  	_ =	strace $0x90000057  }
0x3c: {  	_ =	sfence  }
0x3d: {  	s30 =	sld [smem:$0x0];
	_ =	sdelay $0x2  }
0x3e: {  	s31 =	sshll.u32 s1, $0xD;
	s1 =	sshrl.u32 s1, $0x2  }
0x3f: {  	s4 =	sand.u32 $0x4000, s31;
	s1 =	sadd.s32 s1, s30  }
0x40: {  	s0 =	sor.u32 s4, s0;
	s1 =	sshll.u32 s1, $0x11  }
0x41: {  	s0 =	sor.u32 s1, s0  }
0x42: {  	s0 =	sadd.s32 $0x8F2B, s0  }
0x43: {  	[sflag:s0] =	ssyncadd.remote.s32 $0x1  }
0x44: {  	_ =	sfence.sel $0xFFFF  }
0x45: {  	[dreg:$0x0] =	wrdreg $0xFFFFFFFF;
	(pc) =	sbr.abs _section_cstart, $3  }
0x46: {  	[dreg:$0x1] =	wrdreg $0xFFFFFFFF  }
0x47: {  	_ =	task.clear_ibuf [dreg:s23], $0x2FFFF;
	_ =	strace $0x9FFFFFFF  }
0x48: {  	(tm) =	ssettm $0x7FFFFFFF  }
0x49: {  	_ =	shalt  }
tec
execute0_lowered:
.L_overlay_start_1:
0x0: {  	(tag) =	ssettag $0x1  }
0x1: {  	s0 =	srdreg.scid  }
0x2: {  	s1 =	sshll.u32 s0, $0x4  }
0x3: {  	s0 =	stileid.u32;
	s1 =	sand.u32 $0x10, s1  }
0x4: {  	s1 =	sor.u32 s0, s1  }
0x5: {  	s6 =	rddreg [dreg:$0x0];
	s7 =	simm.s32 $0x2;
	s2 =	sshll.u32 s1, $0x7  }
0x6: {  	s12 =	simm.s32 $0x0;
	s8 =	simm.s32 $0x8000;
	s1 =	ssub.s32 $0x1000, s2  }
0x7: {  	s13 =	simm.s32 $0x0;
	s9 =	simm.s32 $0x0;
	s3 =	sand.u32 $0xF80, s1  }
0x8: {  	s11 =	simm.s32 $0x0;
	p0 =	sne.s32 s3, $0x0;
	s3 =	simm.s32 $0x1  }
.Ltmp0:
0x9: {  	s4 =	sshrl.u32 s1, $0xC;
	s3 =	simm.s32 @!p0 $0x0;
	(pc) =	sbr.rel .LBB1_1-.Ltmp0, $4  }
0xa: {  	s5 =	sadd.s32 $0x84B800, s6;
	s1 =	rddreg [dreg:$0x1];
	s4 =	sadd.s32 s3, s4  }
0xb: {  	_ =	strace $0x80000056;
	s3 =	simm.s32 $0x1;
	s4 =	smul.u32 $0x32, s4  }
0xc: {  	s6 =	sadd.s32 $0xBCB800, s6;
	s10 =	smov.u32 s2;
	[sflag:s3] =	ssyncpa.u1 $0x0  }
0xd: {  	p0 =	por $0x0, $0x0;
	[sflag:s7] =	ssyncpa.u1 $0x0;
	s7 =	sor.u32 $0x1, s4  }
.LBB1_4:
0xe: {  	s16 =	sshll.u32 s13, $0x3;
	s17 =	sand.u32 $0x78, s13  }
0xf: {  	s30 =	sand.u32 $0x7E00, s13;
	s12 =	sshll.u32 s12, $0xF;
	s16 =	sand.u32 $0xC00, s16  }
0x10: {  	[tilespmem:s15+$0x810 ss:$0x81] =	vst.msk $0xffff, v2;
	s31 =	sand.u32 $0x7, s13;
	s16 =	sor.u32 s17, s16;
	s17 =	sadd.s32 s6, s30  }
0x11: {  	[tilespmem:s15+$0x1020 ss:$0x81] =	vst.msk $0xffff, v0;
	s13 =	sshll.u32 s31, $0x12;
	s12 =	sadd.s32 s12, s17;
	s16 =	sshrl.u32 s16, $0x3  }
0x12: {  	[tilespmem:s15+$0x0 ss:$0x81] =	vst.msk $0xffff, v1;
	s13 =	sor.u32 $0x400, s13;
	s12 =	sadd.s32 s16, s12  }
0x13: {  	[hbm4b:s12+s13] =	stream.strided.scatter [tilespmem:s14], [sflag:$0x2], $0x2000, s8, s13, $0x20;
	[tilespmem:$0x8080] =	vst v63  }
.LBB1_5:
0x14: {  	s14 =	sadd.s32 $0x1, s9  }
0x15: {  	s12 =	sadd.s32 $0x1000, s10;
	s16 =	smov.u32 s10;
	p2 =	sgt.s32 s14, $0x31  }
0x16: {  	s16 =	smov.u32 @p2 s12  }
0x17: {  	s14 =	simm.s32 @p2 $0x0;
	p2 =	sgt.s32 s16, $0xFFF  }
0x18: {  	s16 =	smov.u32 @p2 s2;
	p2 =	sne.s32 s11, s7  }
.Ltmp1:
0x19: {  	p1 =	slt.u32 s11, $0x2;
	(pc) =	sbr.rel @!p2 .LBB1_6-.Ltmp1, $4  }
0x1a: {  	s15 =	simm.s32 @!p1 $0x2  }
0x1b: {  	s13 =	smov.u32 s10;
	p0 =	por !p0, !p0;
	_ =	swait.ge @!p1 [sflag:s15], $0x2000  }
0x1c: {  	s12 =	smov.u32 s9;
	[sflag:s15] =	ssyncset.done @!p1 $0x0;
	s9 =	smov.u32 s14  }
0x1d: {  	s11 =	sadd.s32 $0x1, s11;
	[sflag:s15] =	ssyncadd.s32 @!p1 $0xFFFFE000;
	s10 =	smov.u32 s16  }
.LBB1_1:
0x1e: {  	p1 =	sge.u32 s11, s4  }
0x1f: {  	s14 =	sand.u32 @!p1 $0x1FFFFFF, s9  }
0x20: {  	s15 =	smulhi.u32 @!p1 $0x4924925, s14;
	_ =	sdelay $0x1  }
0x21: {  	s15 =	smul.u32 @!p1 $0x38, s15  }
0x22: {  	s16 =	sxor.u32 @!p1 $0xFFFFFFFF, s11;
	s17 =	smul.u32 @!p1 $0x380, s10  }
0x23: {  	s31 =	sadd.s32 $0xFFFFFFFF, s11;
	s16 =	sshll.u32 @!p1 s16, $0xD;
	s14 =	ssub.s32 @!p1 s14, s15  }
0x24: {  	s15 =	sand.u32 @!p1 $0x2000, s16;
	s16 =	sadd.s32 @!p1 s5, s17;
	s14 =	sshll.u32 @!p1 s14, $0x4  }
0x25: {  	s17 =	simm.s32 @!p1 $0x1C00;
	s14 =	sadd.s32 @!p1 s14, s16;
	s16 =	simm.s32 @!p1 $0x40  }
0x26: {  	[tilespmem:s15], [sflag:$0x1] =	stream.strided.gather @!p1 [hbm4b:s14+s16], $0x2000, s17, s16, $0x38;
	[tilespmem:$0x8080] =	vst v63  }
0x27: {  	p1 =	sge.u32 s31, s4  }
.Ltmp2:
0x28: {  	_ = 	snop;
	(pc) =	sbr.rel @p1 .LBB1_5-.Ltmp2, $1  }
0x29: {  	_ =	sdelay $0x3  }
0x2a: {  	s14 =	simm.s32 $0x1  }
0x2b: {  	_ =	swait.ge [sflag:s3], $0x2000;
	s14 =	simm.s32 @!p0 $0x0  }
0x2c: {  	[sflag:s3] =	ssyncset.done $0x0;
	s15 =	sshll.u32 s14, $0xD  }
0x2d: {  	[sflag:s3] =	ssyncadd.s32 $0xFFFFE000;
	s18 =	sor.u32 $0x20, s15  }
0x2e: {  	s14 =	smul.u32 $0x8100, s14;
	v3 =	vld [tilespmem:s18+$0x10]  }
0x2f: {  	s30 =	sand.u32 $0x1, s11;
	v2 =	vld [tilespmem:s18+$0xFFFFFFF0]  }
0x30: {  	s15 =	smul.u32 $0x8100, s30;
	s14 =	sshrl.u32 s14, $0x2;
	v0 =	vld [tilespmem:s18+$0x0]  }
0x31: {  	v1 =	vld [tilespmem:s18+$0xFFFFFFE0];
	s16 =	sor.u32 $0x4000, s14  }
0x32: {  	s31 =	sshrl.u32 s15, $0x2;
	s15 =	sadd.s32 $0x0, s16  }
0x33: {  	s17 =	simm.s32 $0x4;
	s18 =	sadd.s32 $0x40, s18;
	s14 =	sor.u32 $0x4000, s31;
	[tilespmem:s15+$0x1830 ss:$0x81] =	vst.msk $0xffff, v3  }
.LBB1_3:
0x34: {  	v3 =	vld [tilespmem:s18+$0x10];
	p1 =	sne.s32 s17, $0x1FC;
	[tilespmem:s15+$0x810 ss:$0x81] =	vst.msk $0xffff, v2;
	s19 =	smov.u32 s17;
	s17 =	sadd.s32 $0x4, s17  }
.Ltmp3:
0x35: {  	v2 =	vld [tilespmem:s18+$0xFFFFFFF0];
	[tilespmem:s15+$0x1020 ss:$0x81] =	vst.msk $0xffff, v0;
	(pc) =	sbr.rel @p1 .LBB1_3-.Ltmp3, $4  }
0x36: {  	v0 =	vld [tilespmem:s18+$0x0];
	[tilespmem:s15+$0x0 ss:$0x81] =	vst.msk $0xffff, v1  }
0x37: {  	s15 =	sshra.s32 s19, $0x2;
	v1 =	vld [tilespmem:s18+$0xFFFFFFE0]  }
0x38: {  	s15 =	sadd.s32 s15, s16  }
0x39: {  	s18 =	sadd.s32 $0x40, s18;
	[tilespmem:s15+$0x1830 ss:$0x81] =	vst.msk $0xffff, v3  }
.Ltmp4:
0x3a: {  	_ = 	snop;
	(pc) =	sbr.rel .LBB1_4-.Ltmp4, $1  }
0x3b: {  	_ =	sdelay $0x3  }
.LBB1_6:
0x3c: {  	_ =	sfence.sel $0x180000  }
0x3d: {  	s2 =	simm.s32 $0x1;
	[bflag:$0x0] =	sbarrier.arrive $0xFFFF  }
0x3e: {  	s31 =	simm.s32 $0x2;
	[sflag:s2] =	ssyncpa.u1 $0x1  }
0x3f: {  	[sflag:s31] =	ssyncpa.u1 $0x1  }
0x40: {  	p0 =	sne.s32 s0, $0x0;
	_ =	strace $0x90000056  }
0x41: {  	s0 =	sadd.s32 @!p0 $0x100000, s1;
	[bflag:$0x2] =	sbarrier.arrive $0xFFFF  }
0x42: {  	[sflag:s0] =	ssyncadd.tile.s32 @!p0 $0x1;
	_ =	shalt  }
.Lfunc_end1:
_tile_overlayer_lowered:
.L_overlay_start_2:
0x43: {  	(tag) =	ssettag $0x2  }
0x44: {  	s0 =	rddreg [dreg:$0x0];
	s2 =	stileid.u32  }
0x45: {  	s1 =	rddreg [dreg:$0x1];
	p0 =	sne.s32 s2, $0x0  }
0x46: {  	s3 =	rddreg [dreg:$0x2];
	[bflag:$0x3] =	sbarrier.arrive $0xFFFF;
	s2 =	simm.s32 @!p0 $0x1C01  }
0x47: {  	[timem:s3], [sflag:s2] =	dma.local @!p0 [hbm:s0], s1  }
0x48: {  	s0 =	simm.s32 @!p0 $0x1  }
0x49: {  	_ =	swait.ge @!p0 [sflag:s0], s1  }
0x4a: {  	s1 =	ssub.s32 @!p0 $0x0, s1;
	[sflag:s0] =	ssyncset.done @!p0 $0x0  }
0x4b: {  	[sflag:s0] =	ssyncadd.s32 @!p0 s1  }
0x4c: {  	[bflag:$0x3] =	sbarrier.arrive $0xFFFF  }
0x4d: {  	_ =	shalt  }

// kernel: sparse-core-data-format-call.3.cloned.1.call-start
scs
called_computation.3_lowered:
.L_overlay_start_0:
0x0: {  	s2 =	sld [smem:$0x3FD9]  }
0x1: {  	s3 =	sld [smem:$0x3FFE];
	_ =	sdelay $0x1  }
0x2: {  	s1 =	srdreg.scid  }
0x3: {  	s0 =	sand.u32 $0x1, s1  }
0x4: {  	s18 =	sshll.u32 s0, $0xA;
	s2 =	sadd.s32 s3, s2  }
0x5: {  	s2 =	sadd.s32 s2, s18  }
0x6: {  	[smem:$0x3FC6] =	sst s2  }
0x7: {  	_ = 	snop  }
0x8: {  	s19 =	sld [smem:$0x3FD0];
	(tm) =	ssettm $0x1  }
0x9: {  	s20 =	sld [smem:$0x3FFB];
	_ =	sdelay $0x3  }
0xa: {  	_ =	strace s20  }
0xb: {  	s2 =	sld [smem:$0x3FFC];
	_ =	sdelay $0x3  }
0xc: {  	_ =	strace s2  }
0xd: {  	s2 =	sld [smem:$0x3FFD];
	_ =	sdelay $0x3  }
0xe: {  	_ =	strace s2  }
0xf: {  	_ =	strace $0x8FFFFFFF  }
0x10: {  	s21 =	sld [smem:$0x3FDB];
	_ =	sdelay $0x1  }
0x11: {  	s4 =	simm.s32 $_scs_section_size  }
0x12: {  	s5 =	simm.s32 $_size__tile_overlayer_lowered;
	s6 =	simm.s32 $_tile_overlayer_lowered  }
0x13: {  	s7 =	simm.s32 $0x1BFF;
	s22 =	sshll.u32 s6, $0x1;
	s4 =	sadd.s32 s4, s21  }
0x14: {  	s23 =	simm.s32 $0x0;
	s5 =	sshll.u32 s5, $0x1;
	s6 =	sadd.s32 s22, s4  }
0x15: {  	[timem:s23], [sflag:s7] =	dma.local [hbm:s6], s5  }
0x16: {  	_ =	swait.ge [sflag:s7], s5  }
0x17: {  	s5 =	ssub.s32 $0x0, s5;
	[sflag:s7] =	ssyncset.done $0x0  }
0x18: {  	[sflag:s7] =	ssyncadd.s32 s5;
	_ =	sdelay $0x1  }
0x19: {  	s24 =	simm.s32 $0x1B8B  }
0x1a: {  	_ =	swait.ge [sflag:s24], $0x1  }
0x1b: {  	[sflag:s24] =	ssyncset.done $0x0  }
0x1c: {  	[sflag:s24] =	ssyncadd.s32 $0xFFFFFFFF  }
0x1d: {  	s5 =	sld [smem:$0x0]  }
0x1e: {  	s6 =	sand.u32 $0xFFFFFFFE, s1  }
0x1f: {  	p0 =	sne.s32 s1, s6  }
0x20: {  	s6 =	sshll.u32 @p0 s6, $0xE  }
0x21: {  	s6 =	sadd.s32 @p0 $0x11B8D, s6;
	s7 =	sshll.u32 @p0 s5, $0x11  }
0x22: {  	s6 =	sor.u32 @p0 s7, s6  }
0x23: {  	[sflag:s6] =	ssyncadd.remote.s32 @p0 $0x1;
	_ =	sdelay $0x1  }
0x24: {  	s6 =	simm.s32 @p0 $0x1B8D  }
0x25: {  	_ =	swait.eq @p0 [sflag:s6], $0x1  }
0x26: {  	[sflag:s6] =	ssyncadd.s32 @p0 $0xFFFFFFFF  }
0x27: {  	s7 =	sshll.u32 @!p0 s1, $0xE  }
0x28: {  	s7 =	sor.u32 @!p0 $0x4000, s7;
	s6 =	simm.s32 @!p0 $0x1B8D  }
0x29: {  	s5 =	sshll.u32 @!p0 s5, $0x11;
	s7 =	sadd.s32 @!p0 $0x11B8D, s7;
	_ =	swait.eq @!p0 [sflag:s6], $0x1  }
0x2a: {  	s5 =	sor.u32 @!p0 s5, s7;
	[sflag:s6] =	ssyncadd.s32 @!p0 $0xFFFFFFFF  }
0x2b: {  	s26 =	simm.s32 $0x1B8E;
	s25 =	sld [smem:$0x3FFE];
	[sflag:s5] =	ssyncadd.remote.s32 @!p0 $0x1  }
0x2c: {  	s27 =	simm.s32 $execute0_lowered;
	[smem:$0x3FD2] =	sst s26  }
0x2d: {  	s6 =	sshll.u32 s27, $0x1;
	_ =	strace $0x80000058;
	[dreg:$0x1] =	wrdreg $0xFFFFFFFF  }
0x2e: {  	s28 =	simm.s32 $_size_execute0_lowered;
	s4 =	sadd.s32 s4, s6;
	[dreg:$0x0] =	wrdreg $0x0  }
0x2f: {  	s6 =	sshll.u32 s28, $0x1;
	[dreg:$0x2] =	wrdreg s4  }
0x30: {  	[dreg:$0x3] =	wrdreg s6  }
0x31: {  	[dreg:$0x4] =	wrdreg $0xC0  }
0x32: {  	_ =	task [dreg:s23], $0x5FFFF  }
0x33: {  	[dreg:$0x1] =	wrdreg $0xFFFFFFFF  }
0x34: {  	[dreg:$0x0] =	wrdreg $0x60  }
0x35: {  	[dreg:$0x2] =	wrdreg s19  }
0x36: {  	[dreg:$0x3] =	wrdreg s25  }
0x37: {  	[dreg:$0x4] =	wrdreg $0xC  }
0x38: {  	_ =	task.clear_ibuf [dreg:s23], $0x5FFFF;
	_ =	strace $0x90000058  }
0x39: {  	s29 =	simm.s32 $0xC;
	_ =	strace $0x8000005A  }
0x3a: {  	_ =	swait.ge [sflag:s29], $0x1  }
0x3b: {  	[sflag:s29] =	ssyncadd.s32 $0xFFFFFFFF  }
0x3c: {  	_ =	strace $0x9000005A  }
0x3d: {  	_ =	sfence  }
0x3e: {  	s30 =	sld [smem:$0x0];
	_ =	sdelay $0x2  }
0x3f: {  	s31 =	sshll.u32 s1, $0xD;
	s1 =	sshrl.u32 s1, $0x2  }
0x40: {  	s4 =	sand.u32 $0x4000, s31;
	s1 =	sadd.s32 s1, s30  }
0x41: {  	s0 =	sor.u32 s4, s0;
	s1 =	sshll.u32 s1, $0x11  }
0x42: {  	s0 =	sor.u32 s1, s0  }
0x43: {  	s0 =	sadd.s32 $0x8F2B, s0  }
0x44: {  	[sflag:s0] =	ssyncadd.remote.s32 $0x1  }
0x45: {  	_ =	sfence.sel $0xFFFF  }
0x46: {  	[dreg:$0x0] =	wrdreg $0xFFFFFFFF;
	(pc) =	sbr.abs _section_cstart, $3  }
0x47: {  	[dreg:$0x1] =	wrdreg $0xFFFFFFFF  }
0x48: {  	_ =	task.clear_ibuf [dreg:s23], $0x2FFFF;
	_ =	strace $0x9FFFFFFF  }
0x49: {  	(tm) =	ssettm $0x7FFFFFFF  }
tec
execute0_lowered:
.L_overlay_start_1:
0x0: {  	(tag) =	ssettag $0x1  }
0x1: {  	s0 =	srdreg.scid  }
0x2: {  	s1 =	sshll.u32 s0, $0x4  }
0x3: {  	s0 =	stileid.u32;
	s1 =	sand.u32 $0x10, s1  }
0x4: {  	s3 =	rddreg [dreg:$0x0];
	s1 =	sor.u32 s0, s1  }
0x5: {  	s6 =	rddreg [dreg:$0x1];
	s2 =	sshll.u32 s1, $0x7  }
0x6: {  	s7 =	simm.s32 $0x2;
	s12 =	simm.s32 $0x0;
	s1 =	ssub.s32 $0x1000, s2  }
0x7: {  	s8 =	simm.s32 $0x8000;
	s13 =	simm.s32 $0x0;
	s4 =	sand.u32 $0xF80, s1  }
0x8: {  	s9 =	simm.s32 $0x0;
	p0 =	sne.s32 s4, $0x0;
	s4 =	simm.s32 $0x1  }
.Ltmp0:
0x9: {  	s5 =	sshrl.u32 s1, $0xC;
	s4 =	simm.s32 @!p0 $0x0;
	(pc) =	sbr.rel .LBB1_1-.Ltmp0, $4  }
0xa: {  	s11 =	simm.s32 $0x0;
	s1 =	rddreg [dreg:$0x2];
	s5 =	sadd.s32 s4, s5  }
0xb: {  	_ =	strace $0x80000059;
	s4 =	simm.s32 $0x1;
	s5 =	smul.u32 $0x32, s5  }
0xc: {  	s6 =	sadd.s32 $0x1A5400, s6;
	s10 =	smov.u32 s2;
	[sflag:s4] =	ssyncpa.u1 $0x0  }
0xd: {  	p0 =	por $0x0, $0x0;
	[sflag:s7] =	ssyncpa.u1 $0x0;
	s7 =	sor.u32 $0x1, s5  }
.LBB1_4:
0xe: {  	s16 =	sshll.u32 s13, $0x3;
	s17 =	sand.u32 $0x78, s13  }
0xf: {  	s30 =	sand.u32 $0x7E00, s13;
	s12 =	sshll.u32 s12, $0xF;
	s16 =	sand.u32 $0xC00, s16  }
0x10: {  	[tilespmem:s15+$0x810 ss:$0x81] =	vst.msk $0xffff, v2;
	s31 =	sand.u32 $0x7, s13;
	s16 =	sor.u32 s17, s16;
	s17 =	sadd.s32 s6, s30  }
0x11: {  	[tilespmem:s15+$0x1020 ss:$0x81] =	vst.msk $0xffff, v0;
	s13 =	sshll.u32 s31, $0x12;
	s12 =	sadd.s32 s12, s17;
	s16 =	sshrl.u32 s16, $0x3  }
0x12: {  	[tilespmem:s15+$0x0 ss:$0x81] =	vst.msk $0xffff, v1;
	s13 =	sor.u32 $0x400, s13;
	s12 =	sadd.s32 s16, s12  }
0x13: {  	[hbm4b:s12+s13] =	stream.strided.scatter [tilespmem:s14], [sflag:$0x2], $0x2000, s8, s13, $0x20;
	[tilespmem:$0x8080] =	vst v63  }
.LBB1_5:
0x14: {  	s14 =	sadd.s32 $0x1, s9  }
0x15: {  	s12 =	sadd.s32 $0x1000, s10;
	s16 =	smov.u32 s10;
	p2 =	sgt.s32 s14, $0x31  }
0x16: {  	s16 =	smov.u32 @p2 s12  }
0x17: {  	s14 =	simm.s32 @p2 $0x0;
	p2 =	sgt.s32 s16, $0xFFF  }
0x18: {  	s16 =	smov.u32 @p2 s2;
	p2 =	sne.s32 s11, s7  }
.Ltmp1:
0x19: {  	p1 =	slt.u32 s11, $0x2;
	(pc) =	sbr.rel @!p2 .LBB1_6-.Ltmp1, $4  }
0x1a: {  	s15 =	simm.s32 @!p1 $0x2  }
0x1b: {  	s13 =	smov.u32 s10;
	p0 =	por !p0, !p0;
	_ =	swait.ge @!p1 [sflag:s15], $0x2000  }
0x1c: {  	s12 =	smov.u32 s9;
	[sflag:s15] =	ssyncset.done @!p1 $0x0;
	s9 =	smov.u32 s14  }
0x1d: {  	s11 =	sadd.s32 $0x1, s11;
	[sflag:s15] =	ssyncadd.s32 @!p1 $0xFFFFE000;
	s10 =	smov.u32 s16  }
.LBB1_1:
0x1e: {  	p1 =	sge.u32 s11, s5  }
0x1f: {  	s14 =	sand.u32 @!p1 $0x1FFFFFF, s9  }
0x20: {  	s15 =	smulhi.u32 @!p1 $0x4924925, s14;
	_ =	sdelay $0x1  }
0x21: {  	s15 =	smul.u32 @!p1 $0x38, s15  }
0x22: {  	s16 =	sxor.u32 @!p1 $0xFFFFFFFF, s11;
	s17 =	smul.u32 @!p1 $0x380, s10  }
0x23: {  	s31 =	sadd.s32 $0xFFFFFFFF, s11;
	s16 =	sshll.u32 @!p1 s16, $0xD;
	s14 =	ssub.s32 @!p1 s14, s15  }
0x24: {  	s15 =	sand.u32 @!p1 $0x2000, s16;
	s16 =	sadd.s32 @!p1 s3, s17;
	s14 =	sshll.u32 @!p1 s14, $0x4  }
0x25: {  	s17 =	simm.s32 @!p1 $0x1C00;
	s14 =	sadd.s32 @!p1 s14, s16;
	s16 =	simm.s32 @!p1 $0x40  }
0x26: {  	[tilespmem:s15], [sflag:$0x1] =	stream.strided.gather @!p1 [hbm4b:s14+s16], $0x2000, s17, s16, $0x38;
	[tilespmem:$0x8080] =	vst v63  }
0x27: {  	p1 =	sge.u32 s31, s5  }
.Ltmp2:
0x28: {  	_ = 	snop;
	(pc) =	sbr.rel @p1 .LBB1_5-.Ltmp2, $1  }
0x29: {  	_ =	sdelay $0x3  }
0x2a: {  	s14 =	simm.s32 $0x1  }
0x2b: {  	_ =	swait.ge [sflag:s4], $0x2000;
	s14 =	simm.s32 @!p0 $0x0  }
0x2c: {  	[sflag:s4] =	ssyncset.done $0x0;
	s15 =	sshll.u32 s14, $0xD  }
0x2d: {  	[sflag:s4] =	ssyncadd.s32 $0xFFFFE000;
	s18 =	sor.u32 $0x20, s15  }
0x2e: {  	s14 =	smul.u32 $0x8100, s14;
	v3 =	vld [tilespmem:s18+$0x10]  }
0x2f: {  	s30 =	sand.u32 $0x1, s11;
	v2 =	vld [tilespmem:s18+$0xFFFFFFF0]  }
0x30: {  	s15 =	smul.u32 $0x8100, s30;
	s14 =	sshrl.u32 s14, $0x2;
	v0 =	vld [tilespmem:s18+$0x0]  }
0x31: {  	v1 =	vld [tilespmem:s18+$0xFFFFFFE0];
	s16 =	sor.u32 $0x4000, s14  }
0x32: {  	s31 =	sshrl.u32 s15, $0x2;
	s15 =	sadd.s32 $0x0, s16  }
0x33: {  	s17 =	simm.s32 $0x4;
	s18 =	sadd.s32 $0x40, s18;
	s14 =	sor.u32 $0x4000, s31;
	[tilespmem:s15+$0x1830 ss:$0x81] =	vst.msk $0xffff, v3  }
.LBB1_3:
0x34: {  	v3 =	vld [tilespmem:s18+$0x10];
	p1 =	sne.s32 s17, $0x1FC;
	[tilespmem:s15+$0x810 ss:$0x81] =	vst.msk $0xffff, v2;
	s19 =	smov.u32 s17;
	s17 =	sadd.s32 $0x4, s17  }
.Ltmp3:
0x35: {  	v2 =	vld [tilespmem:s18+$0xFFFFFFF0];
	[tilespmem:s15+$0x1020 ss:$0x81] =	vst.msk $0xffff, v0;
	(pc) =	sbr.rel @p1 .LBB1_3-.Ltmp3, $4  }
0x36: {  	v0 =	vld [tilespmem:s18+$0x0];
	[tilespmem:s15+$0x0 ss:$0x81] =	vst.msk $0xffff, v1  }
0x37: {  	s15 =	sshra.s32 s19, $0x2;
	v1 =	vld [tilespmem:s18+$0xFFFFFFE0]  }
0x38: {  	s15 =	sadd.s32 s15, s16  }
0x39: {  	s18 =	sadd.s32 $0x40, s18;
	[tilespmem:s15+$0x1830 ss:$0x81] =	vst.msk $0xffff, v3  }
.Ltmp4:
0x3a: {  	_ = 	snop;
	(pc) =	sbr.rel .LBB1_4-.Ltmp4, $1  }
0x3b: {  	_ =	sdelay $0x3  }
.LBB1_6:
0x3c: {  	_ =	sfence.sel $0x180000  }
0x3d: {  	s2 =	simm.s32 $0x1;
	[bflag:$0x0] =	sbarrier.arrive $0xFFFF  }
0x3e: {  	s31 =	simm.s32 $0x2;
	[sflag:s2] =	ssyncpa.u1 $0x1  }
0x3f: {  	[sflag:s31] =	ssyncpa.u1 $0x1  }
0x40: {  	p0 =	sne.s32 s0, $0x0;
	_ =	strace $0x90000059  }
0x41: {  	s0 =	sadd.s32 @!p0 $0x100000, s1;
	[bflag:$0x2] =	sbarrier.arrive $0xFFFF  }
0x42: {  	[sflag:s0] =	ssyncadd.tile.s32 @!p0 $0x1;
	_ =	shalt  }
.Lfunc_end1:
_tile_overlayer_lowered:
.L_overlay_start_2:
0x43: {  	(tag) =	ssettag $0x2  }
0x44: {  	s0 =	rddreg [dreg:$0x0];
	s2 =	stileid.u32  }
0x45: {  	s1 =	rddreg [dreg:$0x1];
	p0 =	sne.s32 s2, $0x0  }
0x46: {  	s3 =	rddreg [dreg:$0x2];
	[bflag:$0x3] =	sbarrier.arrive $0xFFFF;
	s2 =	simm.s32 @!p0 $0x1C01  }
0x47: {  	[timem:s3], [sflag:s2] =	dma.local @!p0 [hbm:s0], s1  }
0x48: {  	s0 =	simm.s32 @!p0 $0x1  }
0x49: {  	_ =	swait.ge @!p0 [sflag:s0], s1  }
0x4a: {  	s1 =	ssub.s32 @!p0 $0x0, s1;
	[sflag:s0] =	ssyncset.done @!p0 $0x0  }
0x4b: {  	[sflag:s0] =	ssyncadd.s32 @!p0 s1  }
0x4c: {  	[bflag:$0x3] =	sbarrier.arrive $0xFFFF  }
0x4d: {  	_ =	shalt  }

// kernel: sparse-core-data-format-call.cloned.1.call-start
scs
called_computation_lowered:
.L_overlay_start_0:
0x0: {  	s2 =	sld [smem:$0x3FD9]  }
0x1: {  	s3 =	sld [smem:$0x3FFE];
	_ =	sdelay $0x1  }
0x2: {  	s1 =	srdreg.scid  }
0x3: {  	s0 =	sand.u32 $0x1, s1  }
0x4: {  	s18 =	sshll.u32 s0, $0xA;
	s2 =	sadd.s32 s3, s2  }
0x5: {  	s2 =	sadd.s32 s2, s18  }
0x6: {  	[smem:$0x3FC6] =	sst s2  }
0x7: {  	_ = 	snop  }
0x8: {  	(tm) =	ssettm $0x1  }
0x9: {  	s19 =	sld [smem:$0x3FFB];
	_ =	sdelay $0x3  }
0xa: {  	_ =	strace s19  }
0xb: {  	s2 =	sld [smem:$0x3FFC];
	_ =	sdelay $0x3  }
0xc: {  	_ =	strace s2  }
0xd: {  	s2 =	sld [smem:$0x3FFD];
	_ =	sdelay $0x3  }
0xe: {  	_ =	strace s2  }
0xf: {  	_ =	strace $0x8FFFFFFF  }
0x10: {  	s20 =	sld [smem:$0x3FDB];
	_ =	sdelay $0x1  }
0x11: {  	s21 =	simm.s32 $_scs_section_size  }
0x12: {  	s4 =	simm.s32 $_size__tile_overlayer_lowered;
	s5 =	simm.s32 $_tile_overlayer_lowered  }
0x13: {  	s6 =	simm.s32 $0x1BFF;
	s22 =	sshll.u32 s5, $0x1;
	s3 =	sadd.s32 s21, s20  }
0x14: {  	s23 =	simm.s32 $0x0;
	s4 =	sshll.u32 s4, $0x1;
	s5 =	sadd.s32 s22, s3  }
0x15: {  	[timem:s23], [sflag:s6] =	dma.local [hbm:s5], s4  }
0x16: {  	_ =	swait.ge [sflag:s6], s4  }
0x17: {  	s4 =	ssub.s32 $0x0, s4;
	[sflag:s6] =	ssyncset.done $0x0  }
0x18: {  	[sflag:s6] =	ssyncadd.s32 s4;
	_ =	sdelay $0x1  }
0x19: {  	s24 =	simm.s32 $0x1B8B  }
0x1a: {  	_ =	swait.ge [sflag:s24], $0x1  }
0x1b: {  	[sflag:s24] =	ssyncset.done $0x0  }
0x1c: {  	[sflag:s24] =	ssyncadd.s32 $0xFFFFFFFF  }
0x1d: {  	s4 =	sld [smem:$0x0]  }
0x1e: {  	s5 =	sand.u32 $0xFFFFFFFE, s1  }
0x1f: {  	p0 =	sne.s32 s1, s5  }
0x20: {  	s5 =	sshll.u32 @p0 s5, $0xE  }
0x21: {  	s5 =	sadd.s32 @p0 $0x11B8D, s5;
	s6 =	sshll.u32 @p0 s4, $0x11  }
0x22: {  	s5 =	sor.u32 @p0 s6, s5  }
0x23: {  	[sflag:s5] =	ssyncadd.remote.s32 @p0 $0x1;
	_ =	sdelay $0x1  }
0x24: {  	s5 =	simm.s32 @p0 $0x1B8D  }
0x25: {  	_ =	swait.eq @p0 [sflag:s5], $0x1  }
0x26: {  	[sflag:s5] =	ssyncadd.s32 @p0 $0xFFFFFFFF  }
0x27: {  	s6 =	sshll.u32 @!p0 s1, $0xE  }
0x28: {  	s6 =	sor.u32 @!p0 $0x4000, s6;
	s5 =	simm.s32 @!p0 $0x1B8D  }
0x29: {  	s4 =	sshll.u32 @!p0 s4, $0x11;
	s6 =	sadd.s32 @!p0 $0x11B8D, s6;
	_ =	swait.eq @!p0 [sflag:s5], $0x1  }
0x2a: {  	s4 =	sor.u32 @!p0 s4, s6;
	[sflag:s5] =	ssyncadd.s32 @!p0 $0xFFFFFFFF  }
0x2b: {  	s26 =	simm.s32 $0x1B8E;
	s25 =	sld [smem:$0x3FFE];
	[sflag:s4] =	ssyncadd.remote.s32 @!p0 $0x1  }
0x2c: {  	s27 =	simm.s32 $execute0_lowered;
	[smem:$0x3FD2] =	sst s26  }
0x2d: {  	s5 =	sshll.u32 s27, $0x1;
	_ =	strace $0x8000005B;
	[dreg:$0x1] =	wrdreg $0xFFFFFFFF  }
0x2e: {  	s28 =	simm.s32 $_size_execute0_lowered;
	s3 =	sadd.s32 s3, s5;
	[dreg:$0x0] =	wrdreg $0x0  }
0x2f: {  	s5 =	sshll.u32 s28, $0x1;
	[dreg:$0x2] =	wrdreg s3  }
0x30: {  	[dreg:$0x3] =	wrdreg s5  }
0x31: {  	[dreg:$0x4] =	wrdreg $0xC0  }
0x32: {  	_ =	task [dreg:s23], $0x5FFFF  }
0x33: {  	[dreg:$0x1] =	wrdreg $0xFFFFFFFF  }
0x34: {  	[dreg:$0x0] =	wrdreg $0x60  }
0x35: {  	[dreg:$0x2] =	wrdreg s25  }
0x36: {  	[dreg:$0x3] =	wrdreg $0xA  }
0x37: {  	_ =	task.clear_ibuf [dreg:s23], $0x4FFFF;
	_ =	strace $0x9000005B  }
0x38: {  	s29 =	simm.s32 $0xA;
	_ =	strace $0x8000005D  }
0x39: {  	_ =	swait.ge [sflag:s29], $0x1  }
0x3a: {  	[sflag:s29] =	ssyncadd.s32 $0xFFFFFFFF  }
0x3b: {  	_ =	strace $0x9000005D  }
0x3c: {  	_ =	sfence  }
0x3d: {  	s30 =	sld [smem:$0x0];
	_ =	sdelay $0x2  }
0x3e: {  	s31 =	sshll.u32 s1, $0xD;
	s1 =	sshrl.u32 s1, $0x2  }
0x3f: {  	s4 =	sand.u32 $0x4000, s31;
	s1 =	sadd.s32 s1, s30  }
0x40: {  	s0 =	sor.u32 s4, s0;
	s1 =	sshll.u32 s1, $0x11  }
0x41: {  	s0 =	sor.u32 s1, s0  }
0x42: {  	s0 =	sadd.s32 $0x8F2B, s0  }
0x43: {  	[sflag:s0] =	ssyncadd.remote.s32 $0x1  }
0x44: {  	_ =	sfence.sel $0xFFFF  }
0x45: {  	[dreg:$0x0] =	wrdreg $0xFFFFFFFF;
	(pc) =	sbr.abs _section_cstart, $3  }
0x46: {  	[dreg:$0x1] =	wrdreg $0xFFFFFFFF  }
0x47: {  	_ =	task.clear_ibuf [dreg:s23], $0x2FFFF;
	_ =	strace $0x9FFFFFFF  }
0x48: {  	(tm) =	ssettm $0x7FFFFFFF  }
0x49: {  	_ =	shalt  }
tec
execute0_lowered:
.L_overlay_start_1:
0x0: {  	(tag) =	ssettag $0x1  }
0x1: {  	s0 =	srdreg.scid  }
0x2: {  	s1 =	sshll.u32 s0, $0x4  }
0x3: {  	s0 =	stileid.u32;
	s1 =	sand.u32 $0x10, s1  }
0x4: {  	s1 =	sor.u32 s0, s1  }
0x5: {  	s6 =	rddreg [dreg:$0x0];
	s7 =	simm.s32 $0x2;
	s2 =	sshll.u32 s1, $0x7  }
0x6: {  	s12 =	simm.s32 $0x0;
	s8 =	simm.s32 $0x8000;
	s1 =	ssub.s32 $0x1000, s2  }
0x7: {  	s13 =	simm.s32 $0x0;
	s9 =	simm.s32 $0x0;
	s3 =	sand.u32 $0xF80, s1  }
0x8: {  	s11 =	simm.s32 $0x0;
	p0 =	sne.s32 s3, $0x0;
	s3 =	simm.s32 $0x1  }
.Ltmp0:
0x9: {  	s4 =	sshrl.u32 s1, $0xC;
	s3 =	simm.s32 @!p0 $0x0;
	(pc) =	sbr.rel .LBB1_1-.Ltmp0, $4  }
0xa: {  	s5 =	sadd.s32 $0xD5B800, s6;
	s1 =	rddreg [dreg:$0x1];
	s4 =	sadd.s32 s3, s4  }
0xb: {  	_ =	strace $0x8000005C;
	s3 =	simm.s32 $0x1;
	s4 =	smul.u32 $0x32, s4  }
0xc: {  	s6 =	sadd.s32 $0x335400, s6;
	s10 =	smov.u32 s2;
	[sflag:s3] =	ssyncpa.u1 $0x0  }
0xd: {  	p0 =	por $0x0, $0x0;
	[sflag:s7] =	ssyncpa.u1 $0x0;
	s7 =	sor.u32 $0x1, s4  }
.LBB1_4:
0xe: {  	s16 =	sshll.u32 s13, $0x3;
	s17 =	sand.u32 $0x78, s13  }
0xf: {  	s30 =	sand.u32 $0x7E00, s13;
	s12 =	sshll.u32 s12, $0xF;
	s16 =	sand.u32 $0xC00, s16  }
0x10: {  	[tilespmem:s15+$0x810 ss:$0x81] =	vst.msk $0xffff, v2;
	s31 =	sand.u32 $0x7, s13;
	s16 =	sor.u32 s17, s16;
	s17 =	sadd.s32 s6, s30  }
0x11: {  	[tilespmem:s15+$0x1020 ss:$0x81] =	vst.msk $0xffff, v0;
	s13 =	sshll.u32 s31, $0x12;
	s12 =	sadd.s32 s12, s17;
	s16 =	sshrl.u32 s16, $0x3  }
0x12: {  	[tilespmem:s15+$0x0 ss:$0x81] =	vst.msk $0xffff, v1;
	s13 =	sor.u32 $0x400, s13;
	s12 =	sadd.s32 s16, s12  }
0x13: {  	[hbm4b:s12+s13] =	stream.strided.scatter [tilespmem:s14], [sflag:$0x2], $0x2000, s8, s13, $0x20;
	[tilespmem:$0x8080] =	vst v63  }
.LBB1_5:
0x14: {  	s14 =	sadd.s32 $0x1, s9  }
0x15: {  	s12 =	sadd.s32 $0x1000, s10;
	s16 =	smov.u32 s10;
	p2 =	sgt.s32 s14, $0x31  }
0x16: {  	s16 =	smov.u32 @p2 s12  }
0x17: {  	s14 =	simm.s32 @p2 $0x0;
	p2 =	sgt.s32 s16, $0xFFF  }
0x18: {  	s16 =	smov.u32 @p2 s2;
	p2 =	sne.s32 s11, s7  }
.Ltmp1:
0x19: {  	p1 =	slt.u32 s11, $0x2;
	(pc) =	sbr.rel @!p2 .LBB1_6-.Ltmp1, $4  }
0x1a: {  	s15 =	simm.s32 @!p1 $0x2  }
0x1b: {  	s13 =	smov.u32 s10;
	p0 =	por !p0, !p0;
	_ =	swait.ge @!p1 [sflag:s15], $0x2000  }
0x1c: {  	s12 =	smov.u32 s9;
	[sflag:s15] =	ssyncset.done @!p1 $0x0;
	s9 =	smov.u32 s14  }
0x1d: {  	s11 =	sadd.s32 $0x1, s11;
	[sflag:s15] =	ssyncadd.s32 @!p1 $0xFFFFE000;
	s10 =	smov.u32 s16  }
.LBB1_1:
0x1e: {  	p1 =	sge.u32 s11, s4  }
0x1f: {  	s14 =	sand.u32 @!p1 $0x1FFFFFF, s9  }
0x20: {  	s15 =	smulhi.u32 @!p1 $0x4924925, s14;
	_ =	sdelay $0x1  }
0x21: {  	s15 =	smul.u32 @!p1 $0x38, s15  }
0x22: {  	s16 =	sxor.u32 @!p1 $0xFFFFFFFF, s11;
	s17 =	smul.u32 @!p1 $0x380, s10  }
0x23: {  	s31 =	sadd.s32 $0xFFFFFFFF, s11;
	s16 =	sshll.u32 @!p1 s16, $0xD;
	s14 =	ssub.s32 @!p1 s14, s15  }
0x24: {  	s15 =	sand.u32 @!p1 $0x2000, s16;
	s16 =	sadd.s32 @!p1 s5, s17;
	s14 =	sshll.u32 @!p1 s14, $0x4  }
0x25: {  	s17 =	simm.s32 @!p1 $0x1C00;
	s14 =	sadd.s32 @!p1 s14, s16;
	s16 =	simm.s32 @!p1 $0x40  }
0x26: {  	[tilespmem:s15], [sflag:$0x1] =	stream.strided.gather @!p1 [hbm4b:s14+s16], $0x2000, s17, s16, $0x38;
	[tilespmem:$0x8080] =	vst v63  }
0x27: {  	p1 =	sge.u32 s31, s4  }
.Ltmp2:
0x28: {  	_ = 	snop;
	(pc) =	sbr.rel @p1 .LBB1_5-.Ltmp2, $1  }
0x29: {  	_ =	sdelay $0x3  }
0x2a: {  	s14 =	simm.s32 $0x1  }
0x2b: {  	_ =	swait.ge [sflag:s3], $0x2000;
	s14 =	simm.s32 @!p0 $0x0  }
0x2c: {  	[sflag:s3] =	ssyncset.done $0x0;
	s15 =	sshll.u32 s14, $0xD  }
0x2d: {  	[sflag:s3] =	ssyncadd.s32 $0xFFFFE000;
	s18 =	sor.u32 $0x20, s15  }
0x2e: {  	s14 =	smul.u32 $0x8100, s14;
	v3 =	vld [tilespmem:s18+$0x10]  }
0x2f: {  	s30 =	sand.u32 $0x1, s11;
	v2 =	vld [tilespmem:s18+$0xFFFFFFF0]  }
0x30: {  	s15 =	smul.u32 $0x8100, s30;
	s14 =	sshrl.u32 s14, $0x2;
	v0 =	vld [tilespmem:s18+$0x0]  }
0x31: {  	v1 =	vld [tilespmem:s18+$0xFFFFFFE0];
	s16 =	sor.u32 $0x4000, s14  }
0x32: {  	s31 =	sshrl.u32 s15, $0x2;
	s15 =	sadd.s32 $0x0, s16  }
0x33: {  	s17 =	simm.s32 $0x4;
	s18 =	sadd.s32 $0x40, s18;
	s14 =	sor.u32 $0x4000, s31;
	[tilespmem:s15+$0x1830 ss:$0x81] =	vst.msk $0xffff, v3  }
.LBB1_3:
0x34: {  	v3 =	vld [tilespmem:s18+$0x10];
	p1 =	sne.s32 s17, $0x1FC;
	[tilespmem:s15+$0x810 ss:$0x81] =	vst.msk $0xffff, v2;
	s19 =	smov.u32 s17;
	s17 =	sadd.s32 $0x4, s17  }
.Ltmp3:
0x35: {  	v2 =	vld [tilespmem:s18+$0xFFFFFFF0];
	[tilespmem:s15+$0x1020 ss:$0x81] =	vst.msk $0xffff, v0;
	(pc) =	sbr.rel @p1 .LBB1_3-.Ltmp3, $4  }
0x36: {  	v0 =	vld [tilespmem:s18+$0x0];
	[tilespmem:s15+$0x0 ss:$0x81] =	vst.msk $0xffff, v1  }
0x37: {  	s15 =	sshra.s32 s19, $0x2;
	v1 =	vld [tilespmem:s18+$0xFFFFFFE0]  }
0x38: {  	s15 =	sadd.s32 s15, s16  }
0x39: {  	s18 =	sadd.s32 $0x40, s18;
	[tilespmem:s15+$0x1830 ss:$0x81] =	vst.msk $0xffff, v3  }
.Ltmp4:
0x3a: {  	_ = 	snop;
	(pc) =	sbr.rel .LBB1_4-.Ltmp4, $1  }
0x3b: {  	_ =	sdelay $0x3  }
.LBB1_6:
0x3c: {  	_ =	sfence.sel $0x180000  }
0x3d: {  	s2 =	simm.s32 $0x1;
	[bflag:$0x0] =	sbarrier.arrive $0xFFFF  }
0x3e: {  	s31 =	simm.s32 $0x2;
	[sflag:s2] =	ssyncpa.u1 $0x1  }
0x3f: {  	[sflag:s31] =	ssyncpa.u1 $0x1  }
0x40: {  	p0 =	sne.s32 s0, $0x0;
	_ =	strace $0x9000005C  }
0x41: {  	s0 =	sadd.s32 @!p0 $0x100000, s1;
	[bflag:$0x2] =	sbarrier.arrive $0xFFFF  }
0x42: {  	[sflag:s0] =	ssyncadd.tile.s32 @!p0 $0x1;
	_ =	shalt  }
.Lfunc_end1:
_tile_overlayer_lowered:
.L_overlay_start_2:
0x43: {  	(tag) =	ssettag $0x2  }
0x44: {  	s0 =	rddreg [dreg:$0x0];
	s2 =	stileid.u32  }
0x45: {  	s1 =	rddreg [dreg:$0x1];
	p0 =	sne.s32 s2, $0x0  }
0x46: {  	s3 =	rddreg [dreg:$0x2];
	[bflag:$0x3] =	sbarrier.arrive $0xFFFF;
	s2 =	simm.s32 @!p0 $0x1C01  }
0x47: {  	[timem:s3], [sflag:s2] =	dma.local @!p0 [hbm:s0], s1  }
0x48: {  	s0 =	simm.s32 @!p0 $0x1  }
0x49: {  	_ =	swait.ge @!p0 [sflag:s0], s1  }
0x4a: {  	s1 =	ssub.s32 @!p0 $0x0, s1;
	[sflag:s0] =	ssyncset.done @!p0 $0x0  }
0x4b: {  	[sflag:s0] =	ssyncadd.s32 @!p0 s1  }
0x4c: {  	[bflag:$0x3] =	sbarrier.arrive $0xFFFF  }
0x4d: {  	_ =	shalt  }

</sc_bundles>
